<compile_context>
chip_gen: v7x
topology: tpu7x:2x2x1
jax: 0.10.2.dev20260603
libtpu: 0.0.44.dev20260713+nightly
codegen_flags: <defaults>
</compile_context>

<pallas_src>
import functools

import jax
import jax.numpy as jnp
from jax import lax
from jax.experimental import pallas as pl
from jax.experimental.pallas import tpu as pltpu
from jax.experimental.pallas import tpu_sc as plsc

_N = 16384
_C = 340
_NB_SC = 4096
_NC = 2
_NS = 16
_L = 16
_NW = _NC * _NS
_RPW = _NB_SC // _NW
_CK = 64
_NCK = _C // _CK
_REM = _C - _NCK * _CK
_NG = _RPW // _L
_TCB = 1024


def _tree_sum(vs):
    vs = list(vs)
    while len(vs) > 1:
        nxt = [vs[i] + vs[i + 1] for i in range(0, len(vs) - 1, 2)]
        if len(vs) % 2:
            nxt.append(vs[-1])
        vs = nxt
    return vs[0]


def _sc_body(x_hbm, t_hbm, out_hbm, xb0, xb1, xbr, tvb, rsb, xeb, ov,
             sem0, sem1):
    wid = lax.axis_index("s") * _NC + lax.axis_index("c")
    base = wid * _RPW
    lane = lax.broadcasted_iota(jnp.int32, (_L,), 0)

    pltpu.sync_copy(t_hbm.at[pl.ds(base, _RPW)], tvb)

    zero = jnp.zeros((_L,), jnp.float32)

    def zero_body(g, c):
        rsb[pl.ds(g * _L, _L)] = zero
        xeb[pl.ds(g * _L, _L)] = zero
        return c

    lax.fori_loop(0, _NG, zero_body, 0, unroll=False)

    def chunk_src(s, nrows=_CK):
        return x_hbm.at[pl.ds(s * _CK, nrows), pl.ds(base, _RPW)]

    def compute(buf, s, nrows):
        def gbody(g, c):
            col = g * _L
            tl = tvb[pl.ds(col, _L)] - s * _CK
            evs = []
            for jr in range(nrows):
                evs.append(jnp.exp(buf[jr, pl.ds(col, _L)]))
            rsb[pl.ds(col, _L)] += _tree_sum(evs)
            m = (tl >= 0) & (tl < nrows)
            tr = jnp.clip(tl, 0, nrows - 1)
            xg = plsc.load_gather(buf, [tr, col + lane])
            xeb[pl.ds(col, _L)] += jnp.where(m, jnp.exp(xg), 0.0)
            return c

        lax.fori_loop(0, _NG, gbody, 0, unroll=False)

    pltpu.async_copy(chunk_src(0), xb0, sem0)

    def pair_body(p, c):
        s0 = p * 2
        s1 = s0 + 1
        pltpu.async_copy(chunk_src(s1), xb1, sem1)
        pltpu.make_async_copy(chunk_src(s0), xb0, sem0).wait()
        compute(xb0, s0, _CK)
        pltpu.async_copy(chunk_src(s0 + 2), xb0, sem0)
        pltpu.make_async_copy(chunk_src(s1), xb1, sem1).wait()
        compute(xb1, s1, _CK)
        return c

    lax.fori_loop(0, (_NCK - 1) // 2, pair_body, 0, unroll=False)

    pltpu.make_async_copy(chunk_src(_NCK - 1), xb0, sem0).wait()
    compute(xb0, _NCK - 1, _CK)

    pltpu.sync_copy(chunk_src(_NCK, _REM), xbr)
    compute(xbr, _NCK, _REM)

    total = jnp.zeros((_L,), jnp.float32)
    for g in range(_NG):
        rs = rsb[pl.ds(g * _L, _L)]
        xe = xeb[pl.ds(g * _L, _L)]
        total = total + (rs - xe) / xe
    ov[...] = total
    pltpu.sync_copy(ov, out_hbm.at[wid])


def _tc_body(x_ref, t_ref, o_ref):
    i = pl.program_id(0)
    x = x_ref[...]
    t = t_ref[...]
    ex = jnp.exp(x)
    rowsum = jnp.sum(ex, axis=0)
    cls = lax.broadcasted_iota(jnp.int32, (_C, _TCB), 0)
    xt = jnp.sum(jnp.where(cls == t, x, 0.0), axis=0)
    part = jnp.sum(jnp.exp(-xt) * (rowsum - jnp.exp(xt)))

    @pl.when(i == 0)
    def _():
        o_ref[0, 0] = 0.0

    o_ref[0, 0] += part


@jax.jit
def kernel(input, target):
    xt = input.T
    t32 = target.astype(jnp.int32)
    run_sc = functools.partial(
        pl.kernel,
        mesh=plsc.VectorSubcoreMesh(core_axis_name="c", subcore_axis_name="s"),
        compiler_params=pltpu.CompilerParams(needs_layout_passes=False),
        out_type=jax.ShapeDtypeStruct((_NW, _L), jnp.float32),
        scratch_types=[
            pltpu.VMEM((_CK, _RPW), jnp.float32),
            pltpu.VMEM((_CK, _RPW), jnp.float32),
            pltpu.VMEM((_REM, _RPW), jnp.float32),
            pltpu.VMEM((_RPW,), jnp.int32),
            pltpu.VMEM((_RPW,), jnp.float32),
            pltpu.VMEM((_RPW,), jnp.float32),
            pltpu.VMEM((_L,), jnp.float32),
            pltpu.SemaphoreType.DMA,
            pltpu.SemaphoreType.DMA,
        ],
    )(_sc_body)
    sc_parts = run_sc(xt, t32)

    ntc = (_N - _NB_SC) // _TCB
    tc_part = pl.pallas_call(
        _tc_body,
        grid=(ntc,),
        in_specs=[
            pl.BlockSpec((_C, _TCB), lambda i: (0, _NB_SC // _TCB + i)),
            pl.BlockSpec((1, _TCB), lambda i: (0, _NB_SC // _TCB + i)),
        ],
        out_specs=pl.BlockSpec(
            (1, 1), lambda i: (0, 0), memory_space=pltpu.SMEM
        ),
        out_shape=jax.ShapeDtypeStruct((1, 1), jnp.float32),
    )(xt, t32.reshape(1, _N))

    return jnp.log(1.0 + (jnp.sum(sc_parts) + tc_part[0, 0]))

# --- scband reference (transcript-rebuilt; emitter-appended) ---
"""Pipeline reference for scband-lseploss2-85830626443704 (READ-ONLY COPY).

The authoritative reference and input builder live on the scoring server;
editing this copy changes nothing except your own understanding.
"""

import jax, jax.numpy as jnp
import numpy as np

NUM_CLASSES = 340


def setup_inputs(seed: int = 0) -> dict:
    key = jax.random.key(seed)
    k1, k2 = jax.random.split(key)
    x = jax.random.normal(k1, (16384, NUM_CLASSES), dtype=jnp.float32)
    target = jax.random.randint(k2, (16384,), 0, NUM_CLASSES)
    return {"input": x, "target": target}


def reference(input, target):
    # _to_one_hot(target, 340): scatter 1s into a zero matrix -> standard one-hot
    onehot = jnp.zeros((target.shape[0], NUM_CLASSES), dtype=jnp.float32).at[
        jnp.arange(target.shape[0]), target
    ].set(1.0)
    positive_indices = (onehot > 0).astype(jnp.float32)
    negative_indices = (onehot == 0).astype(jnp.float32)
    # Original: loss += sum_{p in pos_i, n in neg_i} exp(x[i,n] - x[i,p])
    # This pairwise sum factorizes exactly:
    #   sum_{p,n} exp(x_n - x_p) = (sum_n exp(x_n)) * (sum_p exp(-x_p))
    s_neg = jnp.sum(jnp.exp(input) * negative_indices, axis=1)
    s_pos = jnp.sum(jnp.exp(-input) * positive_indices, axis=1)
    loss = jnp.log(1.0 + jnp.sum(s_neg * s_pos))
    return loss

if __name__ == "__main__":
    import jax
    _d = setup_inputs()
    print(jax.jit(kernel)(*tuple(_d.values())))

</pallas_src>

<mosaic_0001>
#map = affine_map<(d0, d1) -> (0, 0)>
#map1 = affine_map<(d0, d1) -> (0)>
module attributes {stable_mosaic.version = 14 : i64} {
  func.func @_sc_body(%arg0: i32, %arg1: i32, %arg2: memref<340x16384xf32, #tpu.memory_space<hbm>>, %arg3: memref<16384xi32, #tpu.memory_space<hbm>>, %arg4: memref<32x16xf32, #tpu.memory_space<hbm>>, %arg5: memref<64x128xf32, #tpu.memory_space<vmem>>, %arg6: memref<64x128xf32, #tpu.memory_space<vmem>>, %arg7: memref<20x128xf32, #tpu.memory_space<vmem>>, %arg8: memref<128xi32, #tpu.memory_space<vmem>>, %arg9: memref<128xf32, #tpu.memory_space<vmem>>, %arg10: memref<128xf32, #tpu.memory_space<vmem>>, %arg11: memref<16xf32, #tpu.memory_space<vmem>>, %arg12: memref<!tpu.dma_semaphore, #tpu.memory_space<semaphore_mem>>, %arg13: memref<!tpu.dma_semaphore, #tpu.memory_space<semaphore_mem>>) attributes {dimension_semantics = [#tpu.dimension_semantics<core_parallel>, #tpu.dimension_semantics<subcore_parallel>], iteration_bounds = array<i64: 2, 16>, scalar_prefetch = 0 : i64, scratch_operands = 9 : i64, tpu.core_type = #tpu.core_type<sc_vector_subcore>, window_params = [{transform_indices = #map}, {transform_indices = #map1}, {transform_indices = #map}]} {
    %mul3A = arith.constant 2 : i32
    %mul3A_0 = arith.muli %arg1, %mul3A : i32
    %add3A = arith.addi %mul3A_0, %arg0 : i32
    %mul3A_1 = arith.constant 128 : i32
    %mul3A_2 = arith.muli %add3A, %mul3A_1 : i32
    %iota3A = tpu.iota {dimensions = array<i32: 0>} : vector<16xi32>
    "tpu.region"() ({
      %run_scoped3A = tpu.sem_alloc : memref<!tpu.dma_semaphore, #tpu.memory_space<semaphore_mem>>
      %dma_start3A_89 = tpu.memref_slice %arg3[%mul3A_2] : memref<16384xi32, #tpu.memory_space<hbm>> -> memref<128xi32, #tpu.memory_space<hbm>>
      %dma_start3A_90 = tpu.memref_slice %arg3[%mul3A_2] : memref<16384xi32, #tpu.memory_space<hbm>> -> memref<128xi32, #tpu.memory_space<hbm>>
      tpu.enqueue_dma source(%dma_start3A_90 : memref<128xi32, #tpu.memory_space<hbm>>) target(%arg8 : memref<128xi32, #tpu.memory_space<vmem>>) target_semaphore(%run_scoped3A : memref<!tpu.dma_semaphore, #tpu.memory_space<semaphore_mem>>)
      %dma_wait3A_91 = tpu.memref_slice %arg3[%mul3A_2] : memref<16384xi32, #tpu.memory_space<hbm>> -> memref<128xi32, #tpu.memory_space<hbm>>
      %dma_wait3A_92 = tpu.memref_slice %arg3[%mul3A_2] : memref<16384xi32, #tpu.memory_space<hbm>> -> memref<128xi32, #tpu.memory_space<hbm>>
      tpu.wait_dma2 semaphore(%run_scoped3A : memref<!tpu.dma_semaphore, #tpu.memory_space<semaphore_mem>>) src(%dma_wait3A_92 : memref<128xi32, #tpu.memory_space<hbm>>) dst(%arg8 : memref<128xi32, #tpu.memory_space<vmem>>)
      tpu.yield
    }) : () -> ()
    %broadcast_in_dim3A = arith.constant 0.000000e+00 : f32
    %broadcast_in_dim3A_3 = vector.broadcast %broadcast_in_dim3A : f32 to vector<16xf32>
    %scan3A = arith.constant 0 : i32
    %scan3A_4 = arith.constant 0 : i32
    %scan3A_5 = arith.constant 8 : i32
    %scan3A_6 = arith.addi %scan3A_4, %scan3A_5 : i32
    %scan3A_7 = arith.constant 1 : i32
    scf.for %scan3A_89 = %scan3A_4 to %scan3A_6 step %scan3A_7  : i32 {
      %mul3A_90 = arith.constant 16 : i32
      %mul3A_91 = arith.muli %scan3A_89, %mul3A_90 : i32
      %swap3A_92 = arith.index_cast %mul3A_91 : i32 to index
      %swap3A_93 = tpu.vector_load %arg9[%swap3A_92] {strides = array<i32>} : memref<128xf32, #tpu.memory_space<vmem>>, vector<16xf32>,
      tpu.vector_store %arg9[%swap3A_92], %broadcast_in_dim3A_3 {strides = array<i32>} : memref<128xf32, #tpu.memory_space<vmem>>, vector<16xf32>,
      %mul3A_94 = arith.constant 16 : i32
      %mul3A_95 = arith.muli %scan3A_89, %mul3A_94 : i32
      %swap3A_96 = arith.index_cast %mul3A_95 : i32 to index
      %swap3A_97 = tpu.vector_load %arg10[%swap3A_96] {strides = array<i32>} : memref<128xf32, #tpu.memory_space<vmem>>, vector<16xf32>,
      tpu.vector_store %arg10[%swap3A_96], %broadcast_in_dim3A_3 {strides = array<i32>} : memref<128xf32, #tpu.memory_space<vmem>>, vector<16xf32>,
    }
    %scan3A_8 = arith.constant 8 : i32
    %dma_start3A = arith.constant 0 : i32
    %dma_start3A_9 = tpu.memref_slice %arg2[%dma_start3A, %mul3A_2] : memref<340x16384xf32, #tpu.memory_space<hbm>> -> memref<64x128xf32, #tpu.memory_space<hbm>>
    %dma_start3A_10 = arith.constant 0 : i32
    %dma_start3A_11 = tpu.memref_slice %arg2[%dma_start3A_10, %mul3A_2] : memref<340x16384xf32, #tpu.memory_space<hbm>> -> memref<64x128xf32, #tpu.memory_space<hbm>>
    tpu.enqueue_dma source(%dma_start3A_11 : memref<64x128xf32, #tpu.memory_space<hbm>>) target(%arg5 : memref<64x128xf32, #tpu.memory_space<vmem>>) target_semaphore(%arg12 : memref<!tpu.dma_semaphore, #tpu.memory_space<semaphore_mem>>)
    %scan3A_12 = arith.constant 0 : i32
    %scan3A_13 = arith.constant 0 : i32
    %scan3A_14 = arith.constant 2 : i32
    %scan3A_15 = arith.addi %scan3A_13, %scan3A_14 : i32
    %scan3A_16 = arith.constant 1 : i32
    scf.for %scan3A_89 = %scan3A_13 to %scan3A_15 step %scan3A_16  : i32 {
      %mul3A_90 = arith.constant 2 : i32
      %mul3A_91 = arith.muli %scan3A_89, %mul3A_90 : i32
      %add3A_92 = arith.constant 1 : i32
      %add3A_93 = arith.addi %mul3A_91, %add3A_92 : i32
      %mul3A_94 = arith.constant 64 : i32
      %mul3A_95 = arith.muli %add3A_93, %mul3A_94 : i32
      %dma_start3A_96 = tpu.memref_slice %arg2[%mul3A_95, %mul3A_2] : memref<340x16384xf32, #tpu.memory_space<hbm>> -> memref<64x128xf32, #tpu.memory_space<hbm>>
      %dma_start3A_97 = tpu.memref_slice %arg2[%mul3A_95, %mul3A_2] : memref<340x16384xf32, #tpu.memory_space<hbm>> -> memref<64x128xf32, #tpu.memory_space<hbm>>
      tpu.enqueue_dma source(%dma_start3A_97 : memref<64x128xf32, #tpu.memory_space<hbm>>) target(%arg6 : memref<64x128xf32, #tpu.memory_space<vmem>>) target_semaphore(%arg13 : memref<!tpu.dma_semaphore, #tpu.memory_space<semaphore_mem>>)
      %mul3A_98 = arith.constant 64 : i32
      %mul3A_99 = arith.muli %mul3A_91, %mul3A_98 : i32
      %dma_wait3A_100 = tpu.memref_slice %arg2[%mul3A_99, %mul3A_2] : memref<340x16384xf32, #tpu.memory_space<hbm>> -> memref<64x128xf32, #tpu.memory_space<hbm>>
      %dma_wait3A_101 = tpu.memref_slice %arg2[%mul3A_99, %mul3A_2] : memref<340x16384xf32, #tpu.memory_space<hbm>> -> memref<64x128xf32, #tpu.memory_space<hbm>>
      tpu.wait_dma2 semaphore(%arg12 : memref<!tpu.dma_semaphore, #tpu.memory_space<semaphore_mem>>) src(%dma_wait3A_101 : memref<64x128xf32, #tpu.memory_space<hbm>>) dst(%arg5 : memref<64x128xf32, #tpu.memory_space<vmem>>)
      %scan3A_102 = arith.constant 0 : i32
      %scan3A_103 = arith.constant 0 : i32
      %scan3A_104 = arith.constant 8 : i32
      %scan3A_105 = arith.addi %scan3A_103, %scan3A_104 : i32
      %scan3A_106 = arith.constant 1 : i32
      scf.for %scan3A_124 = %scan3A_103 to %scan3A_105 step %scan3A_106  : i32 {
        %mul3A_125 = arith.constant 16 : i32
        %mul3A_126 = arith.muli %scan3A_124, %mul3A_125 : i32
        %get3A_127 = arith.index_cast %mul3A_126 : i32 to index
        %get3A_128 = tpu.vector_load %arg8[%get3A_127] {strides = array<i32>} : memref<128xi32, #tpu.memory_space<vmem>>, vector<16xi32>,
        %mul3A_129 = arith.constant 64 : i32
        %mul3A_130 = arith.muli %mul3A_91, %mul3A_129 : i32
        %sub3A_131 = vector.broadcast %mul3A_130 : i32 to vector<16xi32>
        %sub3A_132 = arith.subi %get3A_128, %sub3A_131 : vector<16xi32>
        %get3A_133 = arith.constant 0 : i32
        %get3A_134 = arith.index_cast %get3A_133 : i32 to index
        %get3A_135 = arith.index_cast %mul3A_126 : i32 to index
        %get3A_136 = tpu.vector_load %arg5[%get3A_134, %get3A_135] {strides = array<i32>} : memref<64x128xf32, #tpu.memory_space<vmem>>, vector<16xf32>,
        %exp3A = math.exp %get3A_136 : vector<16xf32>
        %get3A_137 = arith.constant 1 : i32
        %get3A_138 = arith.index_cast %get3A_137 : i32 to index
        %get3A_139 = arith.index_cast %mul3A_126 : i32 to index
        %get3A_140 = tpu.vector_load %arg5[%get3A_138, %get3A_139] {strides = array<i32>} : memref<64x128xf32, #tpu.memory_space<vmem>>, vector<16xf32>,
        %exp3A_141 = math.exp %get3A_140 : vector<16xf32>
        %get3A_142 = arith.constant 2 : i32
        %get3A_143 = arith.index_cast %get3A_142 : i32 to index
        %get3A_144 = arith.index_cast %mul3A_126 : i32 to index
        %get3A_145 = tpu.vector_load %arg5[%get3A_143, %get3A_144] {strides = array<i32>} : memref<64x128xf32, #tpu.memory_space<vmem>>, vector<16xf32>,
        %exp3A_146 = math.exp %get3A_145 : vector<16xf32>
        %get3A_147 = arith.constant 3 : i32
        %get3A_148 = arith.index_cast %get3A_147 : i32 to index
        %get3A_149 = arith.index_cast %mul3A_126 : i32 to index
        %get3A_150 = tpu.vector_load %arg5[%get3A_148, %get3A_149] {strides = array<i32>} : memref<64x128xf32, #tpu.memory_space<vmem>>, vector<16xf32>,
        %exp3A_151 = math.exp %get3A_150 : vector<16xf32>
        %get3A_152 = arith.constant 4 : i32
        %get3A_153 = arith.index_cast %get3A_152 : i32 to index
        %get3A_154 = arith.index_cast %mul3A_126 : i32 to index
        %get3A_155 = tpu.vector_load %arg5[%get3A_153, %get3A_154] {strides = array<i32>} : memref<64x128xf32, #tpu.memory_space<vmem>>, vector<16xf32>,
        %exp3A_156 = math.exp %get3A_155 : vector<16xf32>
        %get3A_157 = arith.constant 5 : i32
        %get3A_158 = arith.index_cast %get3A_157 : i32 to index
        %get3A_159 = arith.index_cast %mul3A_126 : i32 to index
        %get3A_160 = tpu.vector_load %arg5[%get3A_158, %get3A_159] {strides = array<i32>} : memref<64x128xf32, #tpu.memory_space<vmem>>, vector<16xf32>,
        %exp3A_161 = math.exp %get3A_160 : vector<16xf32>
        %get3A_162 = arith.constant 6 : i32
        %get3A_163 = arith.index_cast %get3A_162 : i32 to index
        %get3A_164 = arith.index_cast %mul3A_126 : i32 to index
        %get3A_165 = tpu.vector_load %arg5[%get3A_163, %get3A_164] {strides = array<i32>} : memref<64x128xf32, #tpu.memory_space<vmem>>, vector<16xf32>,
        %exp3A_166 = math.exp %get3A_165 : vector<16xf32>
        %get3A_167 = arith.constant 7 : i32
        %get3A_168 = arith.index_cast %get3A_167 : i32 to index
        %get3A_169 = arith.index_cast %mul3A_126 : i32 to index
        %get3A_170 = tpu.vector_load %arg5[%get3A_168, %get3A_169] {strides = array<i32>} : memref<64x128xf32, #tpu.memory_space<vmem>>, vector<16xf32>,
        %exp3A_171 = math.exp %get3A_170 : vector<16xf32>
        %get3A_172 = arith.constant 8 : i32
        %get3A_173 = arith.index_cast %get3A_172 : i32 to index
        %get3A_174 = arith.index_cast %mul3A_126 : i32 to index
        %get3A_175 = tpu.vector_load %arg5[%get3A_173, %get3A_174] {strides = array<i32>} : memref<64x128xf32, #tpu.memory_space<vmem>>, vector<16xf32>,
        %exp3A_176 = math.exp %get3A_175 : vector<16xf32>
        %get3A_177 = arith.constant 9 : i32
        %get3A_178 = arith.index_cast %get3A_177 : i32 to index
        %get3A_179 = arith.index_cast %mul3A_126 : i32 to index
        %get3A_180 = tpu.vector_load %arg5[%get3A_178, %get3A_179] {strides = array<i32>} : memref<64x128xf32, #tpu.memory_space<vmem>>, vector<16xf32>,
        %exp3A_181 = math.exp %get3A_180 : vector<16xf32>
        %get3A_182 = arith.constant 10 : i32
        %get3A_183 = arith.index_cast %get3A_182 : i32 to index
        %get3A_184 = arith.index_cast %mul3A_126 : i32 to index
        %get3A_185 = tpu.vector_load %arg5[%get3A_183, %get3A_184] {strides = array<i32>} : memref<64x128xf32, #tpu.memory_space<vmem>>, vector<16xf32>,
        %exp3A_186 = math.exp %get3A_185 : vector<16xf32>
        %get3A_187 = arith.constant 11 : i32
        %get3A_188 = arith.index_cast %get3A_187 : i32 to index
        %get3A_189 = arith.index_cast %mul3A_126 : i32 to index
        %get3A_190 = tpu.vector_load %arg5[%get3A_188, %get3A_189] {strides = array<i32>} : memref<64x128xf32, #tpu.memory_space<vmem>>, vector<16xf32>,
        %exp3A_191 = math.exp %get3A_190 : vector<16xf32>
        %get3A_192 = arith.constant 12 : i32
        %get3A_193 = arith.index_cast %get3A_192 : i32 to index
        %get3A_194 = arith.index_cast %mul3A_126 : i32 to index
        %get3A_195 = tpu.vector_load %arg5[%get3A_193, %get3A_194] {strides = array<i32>} : memref<64x128xf32, #tpu.memory_space<vmem>>, vector<16xf32>,
        %exp3A_196 = math.exp %get3A_195 : vector<16xf32>
        %get3A_197 = arith.constant 13 : i32
        %get3A_198 = arith.index_cast %get3A_197 : i32 to index
        %get3A_199 = arith.index_cast %mul3A_126 : i32 to index
        %get3A_200 = tpu.vector_load %arg5[%get3A_198, %get3A_199] {strides = array<i32>} : memref<64x128xf32, #tpu.memory_space<vmem>>, vector<16xf32>,
        %exp3A_201 = math.exp %get3A_200 : vector<16xf32>
        %get3A_202 = arith.constant 14 : i32
        %get3A_203 = arith.index_cast %get3A_202 : i32 to index
        %get3A_204 = arith.index_cast %mul3A_126 : i32 to index
        %get3A_205 = tpu.vector_load %arg5[%get3A_203, %get3A_204] {strides = array<i32>} : memref<64x128xf32, #tpu.memory_space<vmem>>, vector<16xf32>,
        %exp3A_206 = math.exp %get3A_205 : vector<16xf32>
        %get3A_207 = arith.constant 15 : i32
        %get3A_208 = arith.index_cast %get3A_207 : i32 to index
        %get3A_209 = arith.index_cast %mul3A_126 : i32 to index
        %get3A_210 = tpu.vector_load %arg5[%get3A_208, %get3A_209] {strides = array<i32>} : memref<64x128xf32, #tpu.memory_space<vmem>>, vector<16xf32>,
        %exp3A_211 = math.exp %get3A_210 : vector<16xf32>
        %get3A_212 = arith.constant 16 : i32
        %get3A_213 = arith.index_cast %get3A_212 : i32 to index
        %get3A_214 = arith.index_cast %mul3A_126 : i32 to index
        %get3A_215 = tpu.vector_load %arg5[%get3A_213, %get3A_214] {strides = array<i32>} : memref<64x128xf32, #tpu.memory_space<vmem>>, vector<16xf32>,
        %exp3A_216 = math.exp %get3A_215 : vector<16xf32>
        %get3A_217 = arith.constant 17 : i32
        %get3A_218 = arith.index_cast %get3A_217 : i32 to index
        %get3A_219 = arith.index_cast %mul3A_126 : i32 to index
        %get3A_220 = tpu.vector_load %arg5[%get3A_218, %get3A_219] {strides = array<i32>} : memref<64x128xf32, #tpu.memory_space<vmem>>, vector<16xf32>,
        %exp3A_221 = math.exp %get3A_220 : vector<16xf32>
        %get3A_222 = arith.constant 18 : i32
        %get3A_223 = arith.index_cast %get3A_222 : i32 to index
        %get3A_224 = arith.index_cast %mul3A_126 : i32 to index
        %get3A_225 = tpu.vector_load %arg5[%get3A_223, %get3A_224] {strides = array<i32>} : memref<64x128xf32, #tpu.memory_space<vmem>>, vector<16xf32>,
        %exp3A_226 = math.exp %get3A_225 : vector<16xf32>
        %get3A_227 = arith.constant 19 : i32
        %get3A_228 = arith.index_cast %get3A_227 : i32 to index
        %get3A_229 = arith.index_cast %mul3A_126 : i32 to index
        %get3A_230 = tpu.vector_load %arg5[%get3A_228, %get3A_229] {strides = array<i32>} : memref<64x128xf32, #tpu.memory_space<vmem>>, vector<16xf32>,
        %exp3A_231 = math.exp %get3A_230 : vector<16xf32>
        %get3A_232 = arith.constant 20 : i32
        %get3A_233 = arith.index_cast %get3A_232 : i32 to index
        %get3A_234 = arith.index_cast %mul3A_126 : i32 to index
        %get3A_235 = tpu.vector_load %arg5[%get3A_233, %get3A_234] {strides = array<i32>} : memref<64x128xf32, #tpu.memory_space<vmem>>, vector<16xf32>,
        %exp3A_236 = math.exp %get3A_235 : vector<16xf32>
        %get3A_237 = arith.constant 21 : i32
        %get3A_238 = arith.index_cast %get3A_237 : i32 to index
        %get3A_239 = arith.index_cast %mul3A_126 : i32 to index
        %get3A_240 = tpu.vector_load %arg5[%get3A_238, %get3A_239] {strides = array<i32>} : memref<64x128xf32, #tpu.memory_space<vmem>>, vector<16xf32>,
        %exp3A_241 = math.exp %get3A_240 : vector<16xf32>
        %get3A_242 = arith.constant 22 : i32
        %get3A_243 = arith.index_cast %get3A_242 : i32 to index
        %get3A_244 = arith.index_cast %mul3A_126 : i32 to index
        %get3A_245 = tpu.vector_load %arg5[%get3A_243, %get3A_244] {strides = array<i32>} : memref<64x128xf32, #tpu.memory_space<vmem>>, vector<16xf32>,
        %exp3A_246 = math.exp %get3A_245 : vector<16xf32>
        %get3A_247 = arith.constant 23 : i32
        %get3A_248 = arith.index_cast %get3A_247 : i32 to index
        %get3A_249 = arith.index_cast %mul3A_126 : i32 to index
        %get3A_250 = tpu.vector_load %arg5[%get3A_248, %get3A_249] {strides = array<i32>} : memref<64x128xf32, #tpu.memory_space<vmem>>, vector<16xf32>,
        %exp3A_251 = math.exp %get3A_250 : vector<16xf32>
        %get3A_252 = arith.constant 24 : i32
        %get3A_253 = arith.index_cast %get3A_252 : i32 to index
        %get3A_254 = arith.index_cast %mul3A_126 : i32 to index
        %get3A_255 = tpu.vector_load %arg5[%get3A_253, %get3A_254] {strides = array<i32>} : memref<64x128xf32, #tpu.memory_space<vmem>>, vector<16xf32>,
        %exp3A_256 = math.exp %get3A_255 : vector<16xf32>
        %get3A_257 = arith.constant 25 : i32
        %get3A_258 = arith.index_cast %get3A_257 : i32 to index
        %get3A_259 = arith.index_cast %mul3A_126 : i32 to index
        %get3A_260 = tpu.vector_load %arg5[%get3A_258, %get3A_259] {strides = array<i32>} : memref<64x128xf32, #tpu.memory_space<vmem>>, vector<16xf32>,
        %exp3A_261 = math.exp %get3A_260 : vector<16xf32>
        %get3A_262 = arith.constant 26 : i32
        %get3A_263 = arith.index_cast %get3A_262 : i32 to index
        %get3A_264 = arith.index_cast %mul3A_126 : i32 to index
        %get3A_265 = tpu.vector_load %arg5[%get3A_263, %get3A_264] {strides = array<i32>} : memref<64x128xf32, #tpu.memory_space<vmem>>, vector<16xf32>,
        %exp3A_266 = math.exp %get3A_265 : vector<16xf32>
        %get3A_267 = arith.constant 27 : i32
        %get3A_268 = arith.index_cast %get3A_267 : i32 to index
        %get3A_269 = arith.index_cast %mul3A_126 : i32 to index
        %get3A_270 = tpu.vector_load %arg5[%get3A_268, %get3A_269] {strides = array<i32>} : memref<64x128xf32, #tpu.memory_space<vmem>>, vector<16xf32>,
        %exp3A_271 = math.exp %get3A_270 : vector<16xf32>
        %get3A_272 = arith.constant 28 : i32
        %get3A_273 = arith.index_cast %get3A_272 : i32 to index
        %get3A_274 = arith.index_cast %mul3A_126 : i32 to index
        %get3A_275 = tpu.vector_load %arg5[%get3A_273, %get3A_274] {strides = array<i32>} : memref<64x128xf32, #tpu.memory_space<vmem>>, vector<16xf32>,
        %exp3A_276 = math.exp %get3A_275 : vector<16xf32>
        %get3A_277 = arith.constant 29 : i32
        %get3A_278 = arith.index_cast %get3A_277 : i32 to index
        %get3A_279 = arith.index_cast %mul3A_126 : i32 to index
        %get3A_280 = tpu.vector_load %arg5[%get3A_278, %get3A_279] {strides = array<i32>} : memref<64x128xf32, #tpu.memory_space<vmem>>, vector<16xf32>,
        %exp3A_281 = math.exp %get3A_280 : vector<16xf32>
        %get3A_282 = arith.constant 30 : i32
        %get3A_283 = arith.index_cast %get3A_282 : i32 to index
        %get3A_284 = arith.index_cast %mul3A_126 : i32 to index
        %get3A_285 = tpu.vector_load %arg5[%get3A_283, %get3A_284] {strides = array<i32>} : memref<64x128xf32, #tpu.memory_space<vmem>>, vector<16xf32>,
        %exp3A_286 = math.exp %get3A_285 : vector<16xf32>
        %get3A_287 = arith.constant 31 : i32
        %get3A_288 = arith.index_cast %get3A_287 : i32 to index
        %get3A_289 = arith.index_cast %mul3A_126 : i32 to index
        %get3A_290 = tpu.vector_load %arg5[%get3A_288, %get3A_289] {strides = array<i32>} : memref<64x128xf32, #tpu.memory_space<vmem>>, vector<16xf32>,
        %exp3A_291 = math.exp %get3A_290 : vector<16xf32>
        %get3A_292 = arith.constant 32 : i32
        %get3A_293 = arith.index_cast %get3A_292 : i32 to index
        %get3A_294 = arith.index_cast %mul3A_126 : i32 to index
        %get3A_295 = tpu.vector_load %arg5[%get3A_293, %get3A_294] {strides = array<i32>} : memref<64x128xf32, #tpu.memory_space<vmem>>, vector<16xf32>,
        %exp3A_296 = math.exp %get3A_295 : vector<16xf32>
        %get3A_297 = arith.constant 33 : i32
        %get3A_298 = arith.index_cast %get3A_297 : i32 to index
        %get3A_299 = arith.index_cast %mul3A_126 : i32 to index
        %get3A_300 = tpu.vector_load %arg5[%get3A_298, %get3A_299] {strides = array<i32>} : memref<64x128xf32, #tpu.memory_space<vmem>>, vector<16xf32>,
        %exp3A_301 = math.exp %get3A_300 : vector<16xf32>
        %get3A_302 = arith.constant 34 : i32
        %get3A_303 = arith.index_cast %get3A_302 : i32 to index
        %get3A_304 = arith.index_cast %mul3A_126 : i32 to index
        %get3A_305 = tpu.vector_load %arg5[%get3A_303, %get3A_304] {strides = array<i32>} : memref<64x128xf32, #tpu.memory_space<vmem>>, vector<16xf32>,
        %exp3A_306 = math.exp %get3A_305 : vector<16xf32>
        %get3A_307 = arith.constant 35 : i32
        %get3A_308 = arith.index_cast %get3A_307 : i32 to index
        %get3A_309 = arith.index_cast %mul3A_126 : i32 to index
        %get3A_310 = tpu.vector_load %arg5[%get3A_308, %get3A_309] {strides = array<i32>} : memref<64x128xf32, #tpu.memory_space<vmem>>, vector<16xf32>,
        %exp3A_311 = math.exp %get3A_310 : vector<16xf32>
        %get3A_312 = arith.constant 36 : i32
        %get3A_313 = arith.index_cast %get3A_312 : i32 to index
        %get3A_314 = arith.index_cast %mul3A_126 : i32 to index
        %get3A_315 = tpu.vector_load %arg5[%get3A_313, %get3A_314] {strides = array<i32>} : memref<64x128xf32, #tpu.memory_space<vmem>>, vector<16xf32>,
        %exp3A_316 = math.exp %get3A_315 : vector<16xf32>
        %get3A_317 = arith.constant 37 : i32
        %get3A_318 = arith.index_cast %get3A_317 : i32 to index
        %get3A_319 = arith.index_cast %mul3A_126 : i32 to index
        %get3A_320 = tpu.vector_load %arg5[%get3A_318, %get3A_319] {strides = array<i32>} : memref<64x128xf32, #tpu.memory_space<vmem>>, vector<16xf32>,
        %exp3A_321 = math.exp %get3A_320 : vector<16xf32>
        %get3A_322 = arith.constant 38 : i32
        %get3A_323 = arith.index_cast %get3A_322 : i32 to index
        %get3A_324 = arith.index_cast %mul3A_126 : i32 to index
        %get3A_325 = tpu.vector_load %arg5[%get3A_323, %get3A_324] {strides = array<i32>} : memref<64x128xf32, #tpu.memory_space<vmem>>, vector<16xf32>,
        %exp3A_326 = math.exp %get3A_325 : vector<16xf32>
        %get3A_327 = arith.constant 39 : i32
        %get3A_328 = arith.index_cast %get3A_327 : i32 to index
        %get3A_329 = arith.index_cast %mul3A_126 : i32 to index
        %get3A_330 = tpu.vector_load %arg5[%get3A_328, %get3A_329] {strides = array<i32>} : memref<64x128xf32, #tpu.memory_space<vmem>>, vector<16xf32>,
        %exp3A_331 = math.exp %get3A_330 : vector<16xf32>
        %get3A_332 = arith.constant 40 : i32
        %get3A_333 = arith.index_cast %get3A_332 : i32 to index
        %get3A_334 = arith.index_cast %mul3A_126 : i32 to index
        %get3A_335 = tpu.vector_load %arg5[%get3A_333, %get3A_334] {strides = array<i32>} : memref<64x128xf32, #tpu.memory_space<vmem>>, vector<16xf32>,
        %exp3A_336 = math.exp %get3A_335 : vector<16xf32>
        %get3A_337 = arith.constant 41 : i32
        %get3A_338 = arith.index_cast %get3A_337 : i32 to index
        %get3A_339 = arith.index_cast %mul3A_126 : i32 to index
        %get3A_340 = tpu.vector_load %arg5[%get3A_338, %get3A_339] {strides = array<i32>} : memref<64x128xf32, #tpu.memory_space<vmem>>, vector<16xf32>,
        %exp3A_341 = math.exp %get3A_340 : vector<16xf32>
        %get3A_342 = arith.constant 42 : i32
        %get3A_343 = arith.index_cast %get3A_342 : i32 to index
        %get3A_344 = arith.index_cast %mul3A_126 : i32 to index
        %get3A_345 = tpu.vector_load %arg5[%get3A_343, %get3A_344] {strides = array<i32>} : memref<64x128xf32, #tpu.memory_space<vmem>>, vector<16xf32>,
        %exp3A_346 = math.exp %get3A_345 : vector<16xf32>
        %get3A_347 = arith.constant 43 : i32
        %get3A_348 = arith.index_cast %get3A_347 : i32 to index
        %get3A_349 = arith.index_cast %mul3A_126 : i32 to index
        %get3A_350 = tpu.vector_load %arg5[%get3A_348, %get3A_349] {strides = array<i32>} : memref<64x128xf32, #tpu.memory_space<vmem>>, vector<16xf32>,
        %exp3A_351 = math.exp %get3A_350 : vector<16xf32>
        %get3A_352 = arith.constant 44 : i32
        %get3A_353 = arith.index_cast %get3A_352 : i32 to index
        %get3A_354 = arith.index_cast %mul3A_126 : i32 to index
        %get3A_355 = tpu.vector_load %arg5[%get3A_353, %get3A_354] {strides = array<i32>} : memref<64x128xf32, #tpu.memory_space<vmem>>, vector<16xf32>,
        %exp3A_356 = math.exp %get3A_355 : vector<16xf32>
        %get3A_357 = arith.constant 45 : i32
        %get3A_358 = arith.index_cast %get3A_357 : i32 to index
        %get3A_359 = arith.index_cast %mul3A_126 : i32 to index
        %get3A_360 = tpu.vector_load %arg5[%get3A_358, %get3A_359] {strides = array<i32>} : memref<64x128xf32, #tpu.memory_space<vmem>>, vector<16xf32>,
        %exp3A_361 = math.exp %get3A_360 : vector<16xf32>
        %get3A_362 = arith.constant 46 : i32
        %get3A_363 = arith.index_cast %get3A_362 : i32 to index
        %get3A_364 = arith.index_cast %mul3A_126 : i32 to index
        %get3A_365 = tpu.vector_load %arg5[%get3A_363, %get3A_364] {strides = array<i32>} : memref<64x128xf32, #tpu.memory_space<vmem>>, vector<16xf32>,
        %exp3A_366 = math.exp %get3A_365 : vector<16xf32>
        %get3A_367 = arith.constant 47 : i32
        %get3A_368 = arith.index_cast %get3A_367 : i32 to index
        %get3A_369 = arith.index_cast %mul3A_126 : i32 to index
        %get3A_370 = tpu.vector_load %arg5[%get3A_368, %get3A_369] {strides = array<i32>} : memref<64x128xf32, #tpu.memory_space<vmem>>, vector<16xf32>,
        %exp3A_371 = math.exp %get3A_370 : vector<16xf32>
        %get3A_372 = arith.constant 48 : i32
        %get3A_373 = arith.index_cast %get3A_372 : i32 to index
        %get3A_374 = arith.index_cast %mul3A_126 : i32 to index
        %get3A_375 = tpu.vector_load %arg5[%get3A_373, %get3A_374] {strides = array<i32>} : memref<64x128xf32, #tpu.memory_space<vmem>>, vector<16xf32>,
        %exp3A_376 = math.exp %get3A_375 : vector<16xf32>
        %get3A_377 = arith.constant 49 : i32
        %get3A_378 = arith.index_cast %get3A_377 : i32 to index
        %get3A_379 = arith.index_cast %mul3A_126 : i32 to index
        %get3A_380 = tpu.vector_load %arg5[%get3A_378, %get3A_379] {strides = array<i32>} : memref<64x128xf32, #tpu.memory_space<vmem>>, vector<16xf32>,
        %exp3A_381 = math.exp %get3A_380 : vector<16xf32>
        %get3A_382 = arith.constant 50 : i32
        %get3A_383 = arith.index_cast %get3A_382 : i32 to index
        %get3A_384 = arith.index_cast %mul3A_126 : i32 to index
        %get3A_385 = tpu.vector_load %arg5[%get3A_383, %get3A_384] {strides = array<i32>} : memref<64x128xf32, #tpu.memory_space<vmem>>, vector<16xf32>,
        %exp3A_386 = math.exp %get3A_385 : vector<16xf32>
        %get3A_387 = arith.constant 51 : i32
        %get3A_388 = arith.index_cast %get3A_387 : i32 to index
        %get3A_389 = arith.index_cast %mul3A_126 : i32 to index
        %get3A_390 = tpu.vector_load %arg5[%get3A_388, %get3A_389] {strides = array<i32>} : memref<64x128xf32, #tpu.memory_space<vmem>>, vector<16xf32>,
        %exp3A_391 = math.exp %get3A_390 : vector<16xf32>
        %get3A_392 = arith.constant 52 : i32
        %get3A_393 = arith.index_cast %get3A_392 : i32 to index
        %get3A_394 = arith.index_cast %mul3A_126 : i32 to index
        %get3A_395 = tpu.vector_load %arg5[%get3A_393, %get3A_394] {strides = array<i32>} : memref<64x128xf32, #tpu.memory_space<vmem>>, vector<16xf32>,
        %exp3A_396 = math.exp %get3A_395 : vector<16xf32>
        %get3A_397 = arith.constant 53 : i32
        %get3A_398 = arith.index_cast %get3A_397 : i32 to index
        %get3A_399 = arith.index_cast %mul3A_126 : i32 to index
        %get3A_400 = tpu.vector_load %arg5[%get3A_398, %get3A_399] {strides = array<i32>} : memref<64x128xf32, #tpu.memory_space<vmem>>, vector<16xf32>,
        %exp3A_401 = math.exp %get3A_400 : vector<16xf32>
        %get3A_402 = arith.constant 54 : i32
        %get3A_403 = arith.index_cast %get3A_402 : i32 to index
        %get3A_404 = arith.index_cast %mul3A_126 : i32 to index
        %get3A_405 = tpu.vector_load %arg5[%get3A_403, %get3A_404] {strides = array<i32>} : memref<64x128xf32, #tpu.memory_space<vmem>>, vector<16xf32>,
        %exp3A_406 = math.exp %get3A_405 : vector<16xf32>
        %get3A_407 = arith.constant 55 : i32
        %get3A_408 = arith.index_cast %get3A_407 : i32 to index
        %get3A_409 = arith.index_cast %mul3A_126 : i32 to index
        %get3A_410 = tpu.vector_load %arg5[%get3A_408, %get3A_409] {strides = array<i32>} : memref<64x128xf32, #tpu.memory_space<vmem>>, vector<16xf32>,
        %exp3A_411 = math.exp %get3A_410 : vector<16xf32>
        %get3A_412 = arith.constant 56 : i32
        %get3A_413 = arith.index_cast %get3A_412 : i32 to index
        %get3A_414 = arith.index_cast %mul3A_126 : i32 to index
        %get3A_415 = tpu.vector_load %arg5[%get3A_413, %get3A_414] {strides = array<i32>} : memref<64x128xf32, #tpu.memory_space<vmem>>, vector<16xf32>,
        %exp3A_416 = math.exp %get3A_415 : vector<16xf32>
        %get3A_417 = arith.constant 57 : i32
        %get3A_418 = arith.index_cast %get3A_417 : i32 to index
        %get3A_419 = arith.index_cast %mul3A_126 : i32 to index
        %get3A_420 = tpu.vector_load %arg5[%get3A_418, %get3A_419] {strides = array<i32>} : memref<64x128xf32, #tpu.memory_space<vmem>>, vector<16xf32>,
        %exp3A_421 = math.exp %get3A_420 : vector<16xf32>
        %get3A_422 = arith.constant 58 : i32
        %get3A_423 = arith.index_cast %get3A_422 : i32 to index
        %get3A_424 = arith.index_cast %mul3A_126 : i32 to index
        %get3A_425 = tpu.vector_load %arg5[%get3A_423, %get3A_424] {strides = array<i32>} : memref<64x128xf32, #tpu.memory_space<vmem>>, vector<16xf32>,
        %exp3A_426 = math.exp %get3A_425 : vector<16xf32>
        %get3A_427 = arith.constant 59 : i32
        %get3A_428 = arith.index_cast %get3A_427 : i32 to index
        %get3A_429 = arith.index_cast %mul3A_126 : i32 to index
        %get3A_430 = tpu.vector_load %arg5[%get3A_428, %get3A_429] {strides = array<i32>} : memref<64x128xf32, #tpu.memory_space<vmem>>, vector<16xf32>,
        %exp3A_431 = math.exp %get3A_430 : vector<16xf32>
        %get3A_432 = arith.constant 60 : i32
        %get3A_433 = arith.index_cast %get3A_432 : i32 to index
        %get3A_434 = arith.index_cast %mul3A_126 : i32 to index
        %get3A_435 = tpu.vector_load %arg5[%get3A_433, %get3A_434] {strides = array<i32>} : memref<64x128xf32, #tpu.memory_space<vmem>>, vector<16xf32>,
        %exp3A_436 = math.exp %get3A_435 : vector<16xf32>
        %get3A_437 = arith.constant 61 : i32
        %get3A_438 = arith.index_cast %get3A_437 : i32 to index
        %get3A_439 = arith.index_cast %mul3A_126 : i32 to index
        %get3A_440 = tpu.vector_load %arg5[%get3A_438, %get3A_439] {strides = array<i32>} : memref<64x128xf32, #tpu.memory_space<vmem>>, vector<16xf32>,
        %exp3A_441 = math.exp %get3A_440 : vector<16xf32>
        %get3A_442 = arith.constant 62 : i32
        %get3A_443 = arith.index_cast %get3A_442 : i32 to index
        %get3A_444 = arith.index_cast %mul3A_126 : i32 to index
        %get3A_445 = tpu.vector_load %arg5[%get3A_443, %get3A_444] {strides = array<i32>} : memref<64x128xf32, #tpu.memory_space<vmem>>, vector<16xf32>,
        %exp3A_446 = math.exp %get3A_445 : vector<16xf32>
        %get3A_447 = arith.constant 63 : i32
        %get3A_448 = arith.index_cast %get3A_447 : i32 to index
        %get3A_449 = arith.index_cast %mul3A_126 : i32 to index
        %get3A_450 = tpu.vector_load %arg5[%get3A_448, %get3A_449] {strides = array<i32>} : memref<64x128xf32, #tpu.memory_space<vmem>>, vector<16xf32>,
        %exp3A_451 = math.exp %get3A_450 : vector<16xf32>
        %get3A_452 = arith.index_cast %mul3A_126 : i32 to index
        %get3A_453 = tpu.vector_load %arg9[%get3A_452] {strides = array<i32>} : memref<128xf32, #tpu.memory_space<vmem>>, vector<16xf32>,
        %add3A_454 = arith.addf %exp3A, %exp3A_141 : vector<16xf32>
        %add3A_455 = arith.addf %exp3A_146, %exp3A_151 : vector<16xf32>
        %add3A_456 = arith.addf %exp3A_156, %exp3A_161 : vector<16xf32>
        %add3A_457 = arith.addf %exp3A_166, %exp3A_171 : vector<16xf32>
        %add3A_458 = arith.addf %exp3A_176, %exp3A_181 : vector<16xf32>
        %add3A_459 = arith.addf %exp3A_186, %exp3A_191 : vector<16xf32>
        %add3A_460 = arith.addf %exp3A_196, %exp3A_201 : vector<16xf32>
        %add3A_461 = arith.addf %exp3A_206, %exp3A_211 : vector<16xf32>
        %add3A_462 = arith.addf %exp3A_216, %exp3A_221 : vector<16xf32>
        %add3A_463 = arith.addf %exp3A_226, %exp3A_231 : vector<16xf32>
        %add3A_464 = arith.addf %exp3A_236, %exp3A_241 : vector<16xf32>
        %add3A_465 = arith.addf %exp3A_246, %exp3A_251 : vector<16xf32>
        %add3A_466 = arith.addf %exp3A_256, %exp3A_261 : vector<16xf32>
        %add3A_467 = arith.addf %exp3A_266, %exp3A_271 : vector<16xf32>
        %add3A_468 = arith.addf %exp3A_276, %exp3A_281 : vector<16xf32>
        %add3A_469 = arith.addf %exp3A_286, %exp3A_291 : vector<16xf32>
        %add3A_470 = arith.addf %exp3A_296, %exp3A_301 : vector<16xf32>
        %add3A_471 = arith.addf %exp3A_306, %exp3A_311 : vector<16xf32>
        %add3A_472 = arith.addf %exp3A_316, %exp3A_321 : vector<16xf32>
        %add3A_473 = arith.addf %exp3A_326, %exp3A_331 : vector<16xf32>
        %add3A_474 = arith.addf %exp3A_336, %exp3A_341 : vector<16xf32>
        %add3A_475 = arith.addf %exp3A_346, %exp3A_351 : vector<16xf32>
        %add3A_476 = arith.addf %exp3A_356, %exp3A_361 : vector<16xf32>
        %add3A_477 = arith.addf %exp3A_366, %exp3A_371 : vector<16xf32>
        %add3A_478 = arith.addf %exp3A_376, %exp3A_381 : vector<16xf32>
        %add3A_479 = arith.addf %exp3A_386, %exp3A_391 : vector<16xf32>
        %add3A_480 = arith.addf %exp3A_396, %exp3A_401 : vector<16xf32>
        %add3A_481 = arith.addf %exp3A_406, %exp3A_411 : vector<16xf32>
        %add3A_482 = arith.addf %exp3A_416, %exp3A_421 : vector<16xf32>
        %add3A_483 = arith.addf %exp3A_426, %exp3A_431 : vector<16xf32>
        %add3A_484 = arith.addf %exp3A_436, %exp3A_441 : vector<16xf32>
        %add3A_485 = arith.addf %exp3A_446, %exp3A_451 : vector<16xf32>
        %add3A_486 = arith.addf %add3A_454, %add3A_455 : vector<16xf32>
        %add3A_487 = arith.addf %add3A_456, %add3A_457 : vector<16xf32>
        %add3A_488 = arith.addf %add3A_458, %add3A_459 : vector<16xf32>
        %add3A_489 = arith.addf %add3A_460, %add3A_461 : vector<16xf32>
        %add3A_490 = arith.addf %add3A_462, %add3A_463 : vector<16xf32>
        %add3A_491 = arith.addf %add3A_464, %add3A_465 : vector<16xf32>
        %add3A_492 = arith.addf %add3A_466, %add3A_467 : vector<16xf32>
        %add3A_493 = arith.addf %add3A_468, %add3A_469 : vector<16xf32>
        %add3A_494 = arith.addf %add3A_470, %add3A_471 : vector<16xf32>
        %add3A_495 = arith.addf %add3A_472, %add3A_473 : vector<16xf32>
        %add3A_496 = arith.addf %add3A_474, %add3A_475 : vector<16xf32>
        %add3A_497 = arith.addf %add3A_476, %add3A_477 : vector<16xf32>
        %add3A_498 = arith.addf %add3A_478, %add3A_479 : vector<16xf32>
        %add3A_499 = arith.addf %add3A_480, %add3A_481 : vector<16xf32>
        %add3A_500 = arith.addf %add3A_482, %add3A_483 : vector<16xf32>
        %add3A_501 = arith.addf %add3A_484, %add3A_485 : vector<16xf32>
        %add3A_502 = arith.addf %add3A_486, %add3A_487 : vector<16xf32>
        %add3A_503 = arith.addf %add3A_488, %add3A_489 : vector<16xf32>
        %add3A_504 = arith.addf %add3A_490, %add3A_491 : vector<16xf32>
        %add3A_505 = arith.addf %add3A_492, %add3A_493 : vector<16xf32>
        %add3A_506 = arith.addf %add3A_494, %add3A_495 : vector<16xf32>
        %add3A_507 = arith.addf %add3A_496, %add3A_497 : vector<16xf32>
        %add3A_508 = arith.addf %add3A_498, %add3A_499 : vector<16xf32>
        %add3A_509 = arith.addf %add3A_500, %add3A_501 : vector<16xf32>
        %add3A_510 = arith.addf %add3A_502, %add3A_503 : vector<16xf32>
        %add3A_511 = arith.addf %add3A_504, %add3A_505 : vector<16xf32>
        %add3A_512 = arith.addf %add3A_506, %add3A_507 : vector<16xf32>
        %add3A_513 = arith.addf %add3A_508, %add3A_509 : vector<16xf32>
        %add3A_514 = arith.addf %add3A_510, %add3A_511 : vector<16xf32>
        %add3A_515 = arith.addf %add3A_512, %add3A_513 : vector<16xf32>
        %add3A_516 = arith.addf %add3A_514, %add3A_515 : vector<16xf32>
        %add3A_517 = arith.addf %get3A_453, %add3A_516 : vector<16xf32>
        %swap3A_518 = arith.index_cast %mul3A_126 : i32 to index
        %swap3A_519 = tpu.vector_load %arg9[%swap3A_518] {strides = array<i32>} : memref<128xf32, #tpu.memory_space<vmem>>, vector<16xf32>,
        tpu.vector_store %arg9[%swap3A_518], %add3A_517 {strides = array<i32>} : memref<128xf32, #tpu.memory_space<vmem>>, vector<16xf32>,
        %ge3A = arith.constant 0 : i32
        %ge3A_520 = vector.broadcast %ge3A : i32 to vector<16xi32>
        %ge3A_521 = arith.cmpi sge, %sub3A_132, %ge3A_520 : vector<16xi32>
        %lt3A = arith.constant 64 : i32
        %lt3A_522 = vector.broadcast %lt3A : i32 to vector<16xi32>
        %lt3A_523 = arith.cmpi slt, %sub3A_132, %lt3A_522 : vector<16xi32>
        %and3A = arith.andi %ge3A_521, %lt3A_523 : vector<16xi1>
        %jit3A = arith.constant 0 : i32
        %jit3A_524 = arith.constant 63 : i32
        %max3A = vector.broadcast %jit3A : i32 to vector<16xi32>
        %max3A_525 = arith.maxsi %max3A, %sub3A_132 : vector<16xi32>
        %min3A = vector.broadcast %jit3A_524 : i32 to vector<16xi32>
        %min3A_526 = arith.minsi %min3A, %max3A_525 : vector<16xi32>
        %add3A_527 = vector.broadcast %mul3A_126 : i32 to vector<16xi32>
        %add3A_528 = arith.addi %add3A_527, %iota3A : vector<16xi32>
        %gather3A = tpu.vector_load_idx %arg5[%min3A_526, %add3A_528] : memref<64x128xf32, #tpu.memory_space<vmem>>[vector<16xi32>, vector<16xi32>], vector<16xf32>,
        %get3A_529 = arith.index_cast %mul3A_126 : i32 to index
        %get3A_530 = tpu.vector_load %arg10[%get3A_529] {strides = array<i32>} : memref<128xf32, #tpu.memory_space<vmem>>, vector<16xf32>,
        %exp3A_531 = math.exp %gather3A : vector<16xf32>
        %jit3A_532 = arith.constant 0.000000e+00 : f32
        %broadcast_in_dim3A_533 = vector.broadcast %jit3A_532 : f32 to vector<16xf32>
        %select_n3A = arith.select %and3A, %exp3A_531, %broadcast_in_dim3A_533 : vector<16xi1>, vector<16xf32>
        %add3A_534 = arith.addf %get3A_530, %select_n3A : vector<16xf32>
        %swap3A_535 = arith.index_cast %mul3A_126 : i32 to index
        %swap3A_536 = tpu.vector_load %arg10[%swap3A_535] {strides = array<i32>} : memref<128xf32, #tpu.memory_space<vmem>>, vector<16xf32>,
        tpu.vector_store %arg10[%swap3A_535], %add3A_534 {strides = array<i32>} : memref<128xf32, #tpu.memory_space<vmem>>, vector<16xf32>,
      }
      %scan3A_107 = arith.constant 8 : i32
      %add3A_108 = arith.constant 2 : i32
      %add3A_109 = arith.addi %mul3A_91, %add3A_108 : i32
      %mul3A_110 = arith.constant 64 : i32
      %mul3A_111 = arith.muli %add3A_109, %mul3A_110 : i32
      %dma_start3A_112 = tpu.memref_slice %arg2[%mul3A_111, %mul3A_2] : memref<340x16384xf32, #tpu.memory_space<hbm>> -> memref<64x128xf32, #tpu.memory_space<hbm>>
      %dma_start3A_113 = tpu.memref_slice %arg2[%mul3A_111, %mul3A_2] : memref<340x16384xf32, #tpu.memory_space<hbm>> -> memref<64x128xf32, #tpu.memory_space<hbm>>
      tpu.enqueue_dma source(%dma_start3A_113 : memref<64x128xf32, #tpu.memory_space<hbm>>) target(%arg5 : memref<64x128xf32, #tpu.memory_space<vmem>>) target_semaphore(%arg12 : memref<!tpu.dma_semaphore, #tpu.memory_space<semaphore_mem>>)
      %mul3A_114 = arith.constant 64 : i32
      %mul3A_115 = arith.muli %add3A_93, %mul3A_114 : i32
      %dma_wait3A_116 = tpu.memref_slice %arg2[%mul3A_115, %mul3A_2] : memref<340x16384xf32, #tpu.memory_space<hbm>> -> memref<64x128xf32, #tpu.memory_space<hbm>>
      %dma_wait3A_117 = tpu.memref_slice %arg2[%mul3A_115, %mul3A_2] : memref<340x16384xf32, #tpu.memory_space<hbm>> -> memref<64x128xf32, #tpu.memory_space<hbm>>
      tpu.wait_dma2 semaphore(%arg13 : memref<!tpu.dma_semaphore, #tpu.memory_space<semaphore_mem>>) src(%dma_wait3A_117 : memref<64x128xf32, #tpu.memory_space<hbm>>) dst(%arg6 : memref<64x128xf32, #tpu.memory_space<vmem>>)
      %scan3A_118 = arith.constant 0 : i32
      %scan3A_119 = arith.constant 0 : i32
      %scan3A_120 = arith.constant 8 : i32
      %scan3A_121 = arith.addi %scan3A_119, %scan3A_120 : i32
      %scan3A_122 = arith.constant 1 : i32
      scf.for %scan3A_124 = %scan3A_119 to %scan3A_121 step %scan3A_122  : i32 {
        %mul3A_125 = arith.constant 16 : i32
        %mul3A_126 = arith.muli %scan3A_124, %mul3A_125 : i32
        %get3A_127 = arith.index_cast %mul3A_126 : i32 to index
        %get3A_128 = tpu.vector_load %arg8[%get3A_127] {strides = array<i32>} : memref<128xi32, #tpu.memory_space<vmem>>, vector<16xi32>,
        %mul3A_129 = arith.constant 64 : i32
        %mul3A_130 = arith.muli %add3A_93, %mul3A_129 : i32
        %sub3A_131 = vector.broadcast %mul3A_130 : i32 to vector<16xi32>
        %sub3A_132 = arith.subi %get3A_128, %sub3A_131 : vector<16xi32>
        %get3A_133 = arith.constant 0 : i32
        %get3A_134 = arith.index_cast %get3A_133 : i32 to index
        %get3A_135 = arith.index_cast %mul3A_126 : i32 to index
        %get3A_136 = tpu.vector_load %arg6[%get3A_134, %get3A_135] {strides = array<i32>} : memref<64x128xf32, #tpu.memory_space<vmem>>, vector<16xf32>,
        %exp3A = math.exp %get3A_136 : vector<16xf32>
        %get3A_137 = arith.constant 1 : i32
        %get3A_138 = arith.index_cast %get3A_137 : i32 to index
        %get3A_139 = arith.index_cast %mul3A_126 : i32 to index
        %get3A_140 = tpu.vector_load %arg6[%get3A_138, %get3A_139] {strides = array<i32>} : memref<64x128xf32, #tpu.memory_space<vmem>>, vector<16xf32>,
        %exp3A_141 = math.exp %get3A_140 : vector<16xf32>
        %get3A_142 = arith.constant 2 : i32
        %get3A_143 = arith.index_cast %get3A_142 : i32 to index
        %get3A_144 = arith.index_cast %mul3A_126 : i32 to index
        %get3A_145 = tpu.vector_load %arg6[%get3A_143, %get3A_144] {strides = array<i32>} : memref<64x128xf32, #tpu.memory_space<vmem>>, vector<16xf32>,
        %exp3A_146 = math.exp %get3A_145 : vector<16xf32>
        %get3A_147 = arith.constant 3 : i32
        %get3A_148 = arith.index_cast %get3A_147 : i32 to index
        %get3A_149 = arith.index_cast %mul3A_126 : i32 to index
        %get3A_150 = tpu.vector_load %arg6[%get3A_148, %get3A_149] {strides = array<i32>} : memref<64x128xf32, #tpu.memory_space<vmem>>, vector<16xf32>,
        %exp3A_151 = math.exp %get3A_150 : vector<16xf32>
        %get3A_152 = arith.constant 4 : i32
        %get3A_153 = arith.index_cast %get3A_152 : i32 to index
        %get3A_154 = arith.index_cast %mul3A_126 : i32 to index
        %get3A_155 = tpu.vector_load %arg6[%get3A_153, %get3A_154] {strides = array<i32>} : memref<64x128xf32, #tpu.memory_space<vmem>>, vector<16xf32>,
        %exp3A_156 = math.exp %get3A_155 : vector<16xf32>
        %get3A_157 = arith.constant 5 : i32
        %get3A_158 = arith.index_cast %get3A_157 : i32 to index
        %get3A_159 = arith.index_cast %mul3A_126 : i32 to index
        %get3A_160 = tpu.vector_load %arg6[%get3A_158, %get3A_159] {strides = array<i32>} : memref<64x128xf32, #tpu.memory_space<vmem>>, vector<16xf32>,
        %exp3A_161 = math.exp %get3A_160 : vector<16xf32>
        %get3A_162 = arith.constant 6 : i32
        %get3A_163 = arith.index_cast %get3A_162 : i32 to index
        %get3A_164 = arith.index_cast %mul3A_126 : i32 to index
        %get3A_165 = tpu.vector_load %arg6[%get3A_163, %get3A_164] {strides = array<i32>} : memref<64x128xf32, #tpu.memory_space<vmem>>, vector<16xf32>,
        %exp3A_166 = math.exp %get3A_165 : vector<16xf32>
        %get3A_167 = arith.constant 7 : i32
        %get3A_168 = arith.index_cast %get3A_167 : i32 to index
        %get3A_169 = arith.index_cast %mul3A_126 : i32 to index
        %get3A_170 = tpu.vector_load %arg6[%get3A_168, %get3A_169] {strides = array<i32>} : memref<64x128xf32, #tpu.memory_space<vmem>>, vector<16xf32>,
        %exp3A_171 = math.exp %get3A_170 : vector<16xf32>
        %get3A_172 = arith.constant 8 : i32
        %get3A_173 = arith.index_cast %get3A_172 : i32 to index
        %get3A_174 = arith.index_cast %mul3A_126 : i32 to index
        %get3A_175 = tpu.vector_load %arg6[%get3A_173, %get3A_174] {strides = array<i32>} : memref<64x128xf32, #tpu.memory_space<vmem>>, vector<16xf32>,
        %exp3A_176 = math.exp %get3A_175 : vector<16xf32>
        %get3A_177 = arith.constant 9 : i32
        %get3A_178 = arith.index_cast %get3A_177 : i32 to index
        %get3A_179 = arith.index_cast %mul3A_126 : i32 to index
        %get3A_180 = tpu.vector_load %arg6[%get3A_178, %get3A_179] {strides = array<i32>} : memref<64x128xf32, #tpu.memory_space<vmem>>, vector<16xf32>,
        %exp3A_181 = math.exp %get3A_180 : vector<16xf32>
        %get3A_182 = arith.constant 10 : i32
        %get3A_183 = arith.index_cast %get3A_182 : i32 to index
        %get3A_184 = arith.index_cast %mul3A_126 : i32 to index
        %get3A_185 = tpu.vector_load %arg6[%get3A_183, %get3A_184] {strides = array<i32>} : memref<64x128xf32, #tpu.memory_space<vmem>>, vector<16xf32>,
        %exp3A_186 = math.exp %get3A_185 : vector<16xf32>
        %get3A_187 = arith.constant 11 : i32
        %get3A_188 = arith.index_cast %get3A_187 : i32 to index
        %get3A_189 = arith.index_cast %mul3A_126 : i32 to index
        %get3A_190 = tpu.vector_load %arg6[%get3A_188, %get3A_189] {strides = array<i32>} : memref<64x128xf32, #tpu.memory_space<vmem>>, vector<16xf32>,
        %exp3A_191 = math.exp %get3A_190 : vector<16xf32>
        %get3A_192 = arith.constant 12 : i32
        %get3A_193 = arith.index_cast %get3A_192 : i32 to index
        %get3A_194 = arith.index_cast %mul3A_126 : i32 to index
        %get3A_195 = tpu.vector_load %arg6[%get3A_193, %get3A_194] {strides = array<i32>} : memref<64x128xf32, #tpu.memory_space<vmem>>, vector<16xf32>,
        %exp3A_196 = math.exp %get3A_195 : vector<16xf32>
        %get3A_197 = arith.constant 13 : i32
        %get3A_198 = arith.index_cast %get3A_197 : i32 to index
        %get3A_199 = arith.index_cast %mul3A_126 : i32 to index
        %get3A_200 = tpu.vector_load %arg6[%get3A_198, %get3A_199] {strides = array<i32>} : memref<64x128xf32, #tpu.memory_space<vmem>>, vector<16xf32>,
        %exp3A_201 = math.exp %get3A_200 : vector<16xf32>
        %get3A_202 = arith.constant 14 : i32
        %get3A_203 = arith.index_cast %get3A_202 : i32 to index
        %get3A_204 = arith.index_cast %mul3A_126 : i32 to index
        %get3A_205 = tpu.vector_load %arg6[%get3A_203, %get3A_204] {strides = array<i32>} : memref<64x128xf32, #tpu.memory_space<vmem>>, vector<16xf32>,
        %exp3A_206 = math.exp %get3A_205 : vector<16xf32>
        %get3A_207 = arith.constant 15 : i32
        %get3A_208 = arith.index_cast %get3A_207 : i32 to index
        %get3A_209 = arith.index_cast %mul3A_126 : i32 to index
        %get3A_210 = tpu.vector_load %arg6[%get3A_208, %get3A_209] {strides = array<i32>} : memref<64x128xf32, #tpu.memory_space<vmem>>, vector<16xf32>,
        %exp3A_211 = math.exp %get3A_210 : vector<16xf32>
        %get3A_212 = arith.constant 16 : i32
        %get3A_213 = arith.index_cast %get3A_212 : i32 to index
        %get3A_214 = arith.index_cast %mul3A_126 : i32 to index
        %get3A_215 = tpu.vector_load %arg6[%get3A_213, %get3A_214] {strides = array<i32>} : memref<64x128xf32, #tpu.memory_space<vmem>>, vector<16xf32>,
        %exp3A_216 = math.exp %get3A_215 : vector<16xf32>
        %get3A_217 = arith.constant 17 : i32
        %get3A_218 = arith.index_cast %get3A_217 : i32 to index
        %get3A_219 = arith.index_cast %mul3A_126 : i32 to index
        %get3A_220 = tpu.vector_load %arg6[%get3A_218, %get3A_219] {strides = array<i32>} : memref<64x128xf32, #tpu.memory_space<vmem>>, vector<16xf32>,
        %exp3A_221 = math.exp %get3A_220 : vector<16xf32>
        %get3A_222 = arith.constant 18 : i32
        %get3A_223 = arith.index_cast %get3A_222 : i32 to index
        %get3A_224 = arith.index_cast %mul3A_126 : i32 to index
        %get3A_225 = tpu.vector_load %arg6[%get3A_223, %get3A_224] {strides = array<i32>} : memref<64x128xf32, #tpu.memory_space<vmem>>, vector<16xf32>,
        %exp3A_226 = math.exp %get3A_225 : vector<16xf32>
        %get3A_227 = arith.constant 19 : i32
        %get3A_228 = arith.index_cast %get3A_227 : i32 to index
        %get3A_229 = arith.index_cast %mul3A_126 : i32 to index
        %get3A_230 = tpu.vector_load %arg6[%get3A_228, %get3A_229] {strides = array<i32>} : memref<64x128xf32, #tpu.memory_space<vmem>>, vector<16xf32>,
        %exp3A_231 = math.exp %get3A_230 : vector<16xf32>
        %get3A_232 = arith.constant 20 : i32
        %get3A_233 = arith.index_cast %get3A_232 : i32 to index
        %get3A_234 = arith.index_cast %mul3A_126 : i32 to index
        %get3A_235 = tpu.vector_load %arg6[%get3A_233, %get3A_234] {strides = array<i32>} : memref<64x128xf32, #tpu.memory_space<vmem>>, vector<16xf32>,
        %exp3A_236 = math.exp %get3A_235 : vector<16xf32>
        %get3A_237 = arith.constant 21 : i32
        %get3A_238 = arith.index_cast %get3A_237 : i32 to index
        %get3A_239 = arith.index_cast %mul3A_126 : i32 to index
        %get3A_240 = tpu.vector_load %arg6[%get3A_238, %get3A_239] {strides = array<i32>} : memref<64x128xf32, #tpu.memory_space<vmem>>, vector<16xf32>,
        %exp3A_241 = math.exp %get3A_240 : vector<16xf32>
        %get3A_242 = arith.constant 22 : i32
        %get3A_243 = arith.index_cast %get3A_242 : i32 to index
        %get3A_244 = arith.index_cast %mul3A_126 : i32 to index
        %get3A_245 = tpu.vector_load %arg6[%get3A_243, %get3A_244] {strides = array<i32>} : memref<64x128xf32, #tpu.memory_space<vmem>>, vector<16xf32>,
        %exp3A_246 = math.exp %get3A_245 : vector<16xf32>
        %get3A_247 = arith.constant 23 : i32
        %get3A_248 = arith.index_cast %get3A_247 : i32 to index
        %get3A_249 = arith.index_cast %mul3A_126 : i32 to index
        %get3A_250 = tpu.vector_load %arg6[%get3A_248, %get3A_249] {strides = array<i32>} : memref<64x128xf32, #tpu.memory_space<vmem>>, vector<16xf32>,
        %exp3A_251 = math.exp %get3A_250 : vector<16xf32>
        %get3A_252 = arith.constant 24 : i32
        %get3A_253 = arith.index_cast %get3A_252 : i32 to index
        %get3A_254 = arith.index_cast %mul3A_126 : i32 to index
        %get3A_255 = tpu.vector_load %arg6[%get3A_253, %get3A_254] {strides = array<i32>} : memref<64x128xf32, #tpu.memory_space<vmem>>, vector<16xf32>,
        %exp3A_256 = math.exp %get3A_255 : vector<16xf32>
        %get3A_257 = arith.constant 25 : i32
        %get3A_258 = arith.index_cast %get3A_257 : i32 to index
        %get3A_259 = arith.index_cast %mul3A_126 : i32 to index
        %get3A_260 = tpu.vector_load %arg6[%get3A_258, %get3A_259] {strides = array<i32>} : memref<64x128xf32, #tpu.memory_space<vmem>>, vector<16xf32>,
        %exp3A_261 = math.exp %get3A_260 : vector<16xf32>
        %get3A_262 = arith.constant 26 : i32
        %get3A_263 = arith.index_cast %get3A_262 : i32 to index
        %get3A_264 = arith.index_cast %mul3A_126 : i32 to index
        %get3A_265 = tpu.vector_load %arg6[%get3A_263, %get3A_264] {strides = array<i32>} : memref<64x128xf32, #tpu.memory_space<vmem>>, vector<16xf32>,
        %exp3A_266 = math.exp %get3A_265 : vector<16xf32>
        %get3A_267 = arith.constant 27 : i32
        %get3A_268 = arith.index_cast %get3A_267 : i32 to index
        %get3A_269 = arith.index_cast %mul3A_126 : i32 to index
        %get3A_270 = tpu.vector_load %arg6[%get3A_268, %get3A_269] {strides = array<i32>} : memref<64x128xf32, #tpu.memory_space<vmem>>, vector<16xf32>,
        %exp3A_271 = math.exp %get3A_270 : vector<16xf32>
        %get3A_272 = arith.constant 28 : i32
        %get3A_273 = arith.index_cast %get3A_272 : i32 to index
        %get3A_274 = arith.index_cast %mul3A_126 : i32 to index
        %get3A_275 = tpu.vector_load %arg6[%get3A_273, %get3A_274] {strides = array<i32>} : memref<64x128xf32, #tpu.memory_space<vmem>>, vector<16xf32>,
        %exp3A_276 = math.exp %get3A_275 : vector<16xf32>
        %get3A_277 = arith.constant 29 : i32
        %get3A_278 = arith.index_cast %get3A_277 : i32 to index
        %get3A_279 = arith.index_cast %mul3A_126 : i32 to index
        %get3A_280 = tpu.vector_load %arg6[%get3A_278, %get3A_279] {strides = array<i32>} : memref<64x128xf32, #tpu.memory_space<vmem>>, vector<16xf32>,
        %exp3A_281 = math.exp %get3A_280 : vector<16xf32>
        %get3A_282 = arith.constant 30 : i32
        %get3A_283 = arith.index_cast %get3A_282 : i32 to index
        %get3A_284 = arith.index_cast %mul3A_126 : i32 to index
        %get3A_285 = tpu.vector_load %arg6[%get3A_283, %get3A_284] {strides = array<i32>} : memref<64x128xf32, #tpu.memory_space<vmem>>, vector<16xf32>,
        %exp3A_286 = math.exp %get3A_285 : vector<16xf32>
        %get3A_287 = arith.constant 31 : i32
        %get3A_288 = arith.index_cast %get3A_287 : i32 to index
        %get3A_289 = arith.index_cast %mul3A_126 : i32 to index
        %get3A_290 = tpu.vector_load %arg6[%get3A_288, %get3A_289] {strides = array<i32>} : memref<64x128xf32, #tpu.memory_space<vmem>>, vector<16xf32>,
        %exp3A_291 = math.exp %get3A_290 : vector<16xf32>
        %get3A_292 = arith.constant 32 : i32
        %get3A_293 = arith.index_cast %get3A_292 : i32 to index
        %get3A_294 = arith.index_cast %mul3A_126 : i32 to index
        %get3A_295 = tpu.vector_load %arg6[%get3A_293, %get3A_294] {strides = array<i32>} : memref<64x128xf32, #tpu.memory_space<vmem>>, vector<16xf32>,
        %exp3A_296 = math.exp %get3A_295 : vector<16xf32>
        %get3A_297 = arith.constant 33 : i32
        %get3A_298 = arith.index_cast %get3A_297 : i32 to index
        %get3A_299 = arith.index_cast %mul3A_126 : i32 to index
        %get3A_300 = tpu.vector_load %arg6[%get3A_298, %get3A_299] {strides = array<i32>} : memref<64x128xf32, #tpu.memory_space<vmem>>, vector<16xf32>,
        %exp3A_301 = math.exp %get3A_300 : vector<16xf32>
        %get3A_302 = arith.constant 34 : i32
        %get3A_303 = arith.index_cast %get3A_302 : i32 to index
        %get3A_304 = arith.index_cast %mul3A_126 : i32 to index
        %get3A_305 = tpu.vector_load %arg6[%get3A_303, %get3A_304] {strides = array<i32>} : memref<64x128xf32, #tpu.memory_space<vmem>>, vector<16xf32>,
        %exp3A_306 = math.exp %get3A_305 : vector<16xf32>
        %get3A_307 = arith.constant 35 : i32
        %get3A_308 = arith.index_cast %get3A_307 : i32 to index
        %get3A_309 = arith.index_cast %mul3A_126 : i32 to index
        %get3A_310 = tpu.vector_load %arg6[%get3A_308, %get3A_309] {strides = array<i32>} : memref<64x128xf32, #tpu.memory_space<vmem>>, vector<16xf32>,
        %exp3A_311 = math.exp %get3A_310 : vector<16xf32>
        %get3A_312 = arith.constant 36 : i32
        %get3A_313 = arith.index_cast %get3A_312 : i32 to index
        %get3A_314 = arith.index_cast %mul3A_126 : i32 to index
        %get3A_315 = tpu.vector_load %arg6[%get3A_313, %get3A_314] {strides = array<i32>} : memref<64x128xf32, #tpu.memory_space<vmem>>, vector<16xf32>,
        %exp3A_316 = math.exp %get3A_315 : vector<16xf32>
        %get3A_317 = arith.constant 37 : i32
        %get3A_318 = arith.index_cast %get3A_317 : i32 to index
        %get3A_319 = arith.index_cast %mul3A_126 : i32 to index
        %get3A_320 = tpu.vector_load %arg6[%get3A_318, %get3A_319] {strides = array<i32>} : memref<64x128xf32, #tpu.memory_space<vmem>>, vector<16xf32>,
        %exp3A_321 = math.exp %get3A_320 : vector<16xf32>
        %get3A_322 = arith.constant 38 : i32
        %get3A_323 = arith.index_cast %get3A_322 : i32 to index
        %get3A_324 = arith.index_cast %mul3A_126 : i32 to index
        %get3A_325 = tpu.vector_load %arg6[%get3A_323, %get3A_324] {strides = array<i32>} : memref<64x128xf32, #tpu.memory_space<vmem>>, vector<16xf32>,
        %exp3A_326 = math.exp %get3A_325 : vector<16xf32>
        %get3A_327 = arith.constant 39 : i32
        %get3A_328 = arith.index_cast %get3A_327 : i32 to index
        %get3A_329 = arith.index_cast %mul3A_126 : i32 to index
        %get3A_330 = tpu.vector_load %arg6[%get3A_328, %get3A_329] {strides = array<i32>} : memref<64x128xf32, #tpu.memory_space<vmem>>, vector<16xf32>,
        %exp3A_331 = math.exp %get3A_330 : vector<16xf32>
        %get3A_332 = arith.constant 40 : i32
        %get3A_333 = arith.index_cast %get3A_332 : i32 to index
        %get3A_334 = arith.index_cast %mul3A_126 : i32 to index
        %get3A_335 = tpu.vector_load %arg6[%get3A_333, %get3A_334] {strides = array<i32>} : memref<64x128xf32, #tpu.memory_space<vmem>>, vector<16xf32>,
        %exp3A_336 = math.exp %get3A_335 : vector<16xf32>
        %get3A_337 = arith.constant 41 : i32
        %get3A_338 = arith.index_cast %get3A_337 : i32 to index
        %get3A_339 = arith.index_cast %mul3A_126 : i32 to index
        %get3A_340 = tpu.vector_load %arg6[%get3A_338, %get3A_339] {strides = array<i32>} : memref<64x128xf32, #tpu.memory_space<vmem>>, vector<16xf32>,
        %exp3A_341 = math.exp %get3A_340 : vector<16xf32>
        %get3A_342 = arith.constant 42 : i32
        %get3A_343 = arith.index_cast %get3A_342 : i32 to index
        %get3A_344 = arith.index_cast %mul3A_126 : i32 to index
        %get3A_345 = tpu.vector_load %arg6[%get3A_343, %get3A_344] {strides = array<i32>} : memref<64x128xf32, #tpu.memory_space<vmem>>, vector<16xf32>,
        %exp3A_346 = math.exp %get3A_345 : vector<16xf32>
        %get3A_347 = arith.constant 43 : i32
        %get3A_348 = arith.index_cast %get3A_347 : i32 to index
        %get3A_349 = arith.index_cast %mul3A_126 : i32 to index
        %get3A_350 = tpu.vector_load %arg6[%get3A_348, %get3A_349] {strides = array<i32>} : memref<64x128xf32, #tpu.memory_space<vmem>>, vector<16xf32>,
        %exp3A_351 = math.exp %get3A_350 : vector<16xf32>
        %get3A_352 = arith.constant 44 : i32
        %get3A_353 = arith.index_cast %get3A_352 : i32 to index
        %get3A_354 = arith.index_cast %mul3A_126 : i32 to index
        %get3A_355 = tpu.vector_load %arg6[%get3A_353, %get3A_354] {strides = array<i32>} : memref<64x128xf32, #tpu.memory_space<vmem>>, vector<16xf32>,
        %exp3A_356 = math.exp %get3A_355 : vector<16xf32>
        %get3A_357 = arith.constant 45 : i32
        %get3A_358 = arith.index_cast %get3A_357 : i32 to index
        %get3A_359 = arith.index_cast %mul3A_126 : i32 to index
        %get3A_360 = tpu.vector_load %arg6[%get3A_358, %get3A_359] {strides = array<i32>} : memref<64x128xf32, #tpu.memory_space<vmem>>, vector<16xf32>,
        %exp3A_361 = math.exp %get3A_360 : vector<16xf32>
        %get3A_362 = arith.constant 46 : i32
        %get3A_363 = arith.index_cast %get3A_362 : i32 to index
        %get3A_364 = arith.index_cast %mul3A_126 : i32 to index
        %get3A_365 = tpu.vector_load %arg6[%get3A_363, %get3A_364] {strides = array<i32>} : memref<64x128xf32, #tpu.memory_space<vmem>>, vector<16xf32>,
        %exp3A_366 = math.exp %get3A_365 : vector<16xf32>
        %get3A_367 = arith.constant 47 : i32
        %get3A_368 = arith.index_cast %get3A_367 : i32 to index
        %get3A_369 = arith.index_cast %mul3A_126 : i32 to index
        %get3A_370 = tpu.vector_load %arg6[%get3A_368, %get3A_369] {strides = array<i32>} : memref<64x128xf32, #tpu.memory_space<vmem>>, vector<16xf32>,
        %exp3A_371 = math.exp %get3A_370 : vector<16xf32>
        %get3A_372 = arith.constant 48 : i32
        %get3A_373 = arith.index_cast %get3A_372 : i32 to index
        %get3A_374 = arith.index_cast %mul3A_126 : i32 to index
        %get3A_375 = tpu.vector_load %arg6[%get3A_373, %get3A_374] {strides = array<i32>} : memref<64x128xf32, #tpu.memory_space<vmem>>, vector<16xf32>,
        %exp3A_376 = math.exp %get3A_375 : vector<16xf32>
        %get3A_377 = arith.constant 49 : i32
        %get3A_378 = arith.index_cast %get3A_377 : i32 to index
        %get3A_379 = arith.index_cast %mul3A_126 : i32 to index
        %get3A_380 = tpu.vector_load %arg6[%get3A_378, %get3A_379] {strides = array<i32>} : memref<64x128xf32, #tpu.memory_space<vmem>>, vector<16xf32>,
        %exp3A_381 = math.exp %get3A_380 : vector<16xf32>
        %get3A_382 = arith.constant 50 : i32
        %get3A_383 = arith.index_cast %get3A_382 : i32 to index
        %get3A_384 = arith.index_cast %mul3A_126 : i32 to index
        %get3A_385 = tpu.vector_load %arg6[%get3A_383, %get3A_384] {strides = array<i32>} : memref<64x128xf32, #tpu.memory_space<vmem>>, vector<16xf32>,
        %exp3A_386 = math.exp %get3A_385 : vector<16xf32>
        %get3A_387 = arith.constant 51 : i32
        %get3A_388 = arith.index_cast %get3A_387 : i32 to index
        %get3A_389 = arith.index_cast %mul3A_126 : i32 to index
        %get3A_390 = tpu.vector_load %arg6[%get3A_388, %get3A_389] {strides = array<i32>} : memref<64x128xf32, #tpu.memory_space<vmem>>, vector<16xf32>,
        %exp3A_391 = math.exp %get3A_390 : vector<16xf32>
        %get3A_392 = arith.constant 52 : i32
        %get3A_393 = arith.index_cast %get3A_392 : i32 to index
        %get3A_394 = arith.index_cast %mul3A_126 : i32 to index
        %get3A_395 = tpu.vector_load %arg6[%get3A_393, %get3A_394] {strides = array<i32>} : memref<64x128xf32, #tpu.memory_space<vmem>>, vector<16xf32>,
        %exp3A_396 = math.exp %get3A_395 : vector<16xf32>
        %get3A_397 = arith.constant 53 : i32
        %get3A_398 = arith.index_cast %get3A_397 : i32 to index
        %get3A_399 = arith.index_cast %mul3A_126 : i32 to index
        %get3A_400 = tpu.vector_load %arg6[%get3A_398, %get3A_399] {strides = array<i32>} : memref<64x128xf32, #tpu.memory_space<vmem>>, vector<16xf32>,
        %exp3A_401 = math.exp %get3A_400 : vector<16xf32>
        %get3A_402 = arith.constant 54 : i32
        %get3A_403 = arith.index_cast %get3A_402 : i32 to index
        %get3A_404 = arith.index_cast %mul3A_126 : i32 to index
        %get3A_405 = tpu.vector_load %arg6[%get3A_403, %get3A_404] {strides = array<i32>} : memref<64x128xf32, #tpu.memory_space<vmem>>, vector<16xf32>,
        %exp3A_406 = math.exp %get3A_405 : vector<16xf32>
        %get3A_407 = arith.constant 55 : i32
        %get3A_408 = arith.index_cast %get3A_407 : i32 to index
        %get3A_409 = arith.index_cast %mul3A_126 : i32 to index
        %get3A_410 = tpu.vector_load %arg6[%get3A_408, %get3A_409] {strides = array<i32>} : memref<64x128xf32, #tpu.memory_space<vmem>>, vector<16xf32>,
        %exp3A_411 = math.exp %get3A_410 : vector<16xf32>
        %get3A_412 = arith.constant 56 : i32
        %get3A_413 = arith.index_cast %get3A_412 : i32 to index
        %get3A_414 = arith.index_cast %mul3A_126 : i32 to index
        %get3A_415 = tpu.vector_load %arg6[%get3A_413, %get3A_414] {strides = array<i32>} : memref<64x128xf32, #tpu.memory_space<vmem>>, vector<16xf32>,
        %exp3A_416 = math.exp %get3A_415 : vector<16xf32>
        %get3A_417 = arith.constant 57 : i32
        %get3A_418 = arith.index_cast %get3A_417 : i32 to index
        %get3A_419 = arith.index_cast %mul3A_126 : i32 to index
        %get3A_420 = tpu.vector_load %arg6[%get3A_418, %get3A_419] {strides = array<i32>} : memref<64x128xf32, #tpu.memory_space<vmem>>, vector<16xf32>,
        %exp3A_421 = math.exp %get3A_420 : vector<16xf32>
        %get3A_422 = arith.constant 58 : i32
        %get3A_423 = arith.index_cast %get3A_422 : i32 to index
        %get3A_424 = arith.index_cast %mul3A_126 : i32 to index
        %get3A_425 = tpu.vector_load %arg6[%get3A_423, %get3A_424] {strides = array<i32>} : memref<64x128xf32, #tpu.memory_space<vmem>>, vector<16xf32>,
        %exp3A_426 = math.exp %get3A_425 : vector<16xf32>
        %get3A_427 = arith.constant 59 : i32
        %get3A_428 = arith.index_cast %get3A_427 : i32 to index
        %get3A_429 = arith.index_cast %mul3A_126 : i32 to index
        %get3A_430 = tpu.vector_load %arg6[%get3A_428, %get3A_429] {strides = array<i32>} : memref<64x128xf32, #tpu.memory_space<vmem>>, vector<16xf32>,
        %exp3A_431 = math.exp %get3A_430 : vector<16xf32>
        %get3A_432 = arith.constant 60 : i32
        %get3A_433 = arith.index_cast %get3A_432 : i32 to index
        %get3A_434 = arith.index_cast %mul3A_126 : i32 to index
        %get3A_435 = tpu.vector_load %arg6[%get3A_433, %get3A_434] {strides = array<i32>} : memref<64x128xf32, #tpu.memory_space<vmem>>, vector<16xf32>,
        %exp3A_436 = math.exp %get3A_435 : vector<16xf32>
        %get3A_437 = arith.constant 61 : i32
        %get3A_438 = arith.index_cast %get3A_437 : i32 to index
        %get3A_439 = arith.index_cast %mul3A_126 : i32 to index
        %get3A_440 = tpu.vector_load %arg6[%get3A_438, %get3A_439] {strides = array<i32>} : memref<64x128xf32, #tpu.memory_space<vmem>>, vector<16xf32>,
        %exp3A_441 = math.exp %get3A_440 : vector<16xf32>
        %get3A_442 = arith.constant 62 : i32
        %get3A_443 = arith.index_cast %get3A_442 : i32 to index
        %get3A_444 = arith.index_cast %mul3A_126 : i32 to index
        %get3A_445 = tpu.vector_load %arg6[%get3A_443, %get3A_444] {strides = array<i32>} : memref<64x128xf32, #tpu.memory_space<vmem>>, vector<16xf32>,
        %exp3A_446 = math.exp %get3A_445 : vector<16xf32>
        %get3A_447 = arith.constant 63 : i32
        %get3A_448 = arith.index_cast %get3A_447 : i32 to index
        %get3A_449 = arith.index_cast %mul3A_126 : i32 to index
        %get3A_450 = tpu.vector_load %arg6[%get3A_448, %get3A_449] {strides = array<i32>} : memref<64x128xf32, #tpu.memory_space<vmem>>, vector<16xf32>,
        %exp3A_451 = math.exp %get3A_450 : vector<16xf32>
        %get3A_452 = arith.index_cast %mul3A_126 : i32 to index
        %get3A_453 = tpu.vector_load %arg9[%get3A_452] {strides = array<i32>} : memref<128xf32, #tpu.memory_space<vmem>>, vector<16xf32>,
        %add3A_454 = arith.addf %exp3A, %exp3A_141 : vector<16xf32>
        %add3A_455 = arith.addf %exp3A_146, %exp3A_151 : vector<16xf32>
        %add3A_456 = arith.addf %exp3A_156, %exp3A_161 : vector<16xf32>
        %add3A_457 = arith.addf %exp3A_166, %exp3A_171 : vector<16xf32>
        %add3A_458 = arith.addf %exp3A_176, %exp3A_181 : vector<16xf32>
        %add3A_459 = arith.addf %exp3A_186, %exp3A_191 : vector<16xf32>
        %add3A_460 = arith.addf %exp3A_196, %exp3A_201 : vector<16xf32>
        %add3A_461 = arith.addf %exp3A_206, %exp3A_211 : vector<16xf32>
        %add3A_462 = arith.addf %exp3A_216, %exp3A_221 : vector<16xf32>
        %add3A_463 = arith.addf %exp3A_226, %exp3A_231 : vector<16xf32>
        %add3A_464 = arith.addf %exp3A_236, %exp3A_241 : vector<16xf32>
        %add3A_465 = arith.addf %exp3A_246, %exp3A_251 : vector<16xf32>
        %add3A_466 = arith.addf %exp3A_256, %exp3A_261 : vector<16xf32>
        %add3A_467 = arith.addf %exp3A_266, %exp3A_271 : vector<16xf32>
        %add3A_468 = arith.addf %exp3A_276, %exp3A_281 : vector<16xf32>
        %add3A_469 = arith.addf %exp3A_286, %exp3A_291 : vector<16xf32>
        %add3A_470 = arith.addf %exp3A_296, %exp3A_301 : vector<16xf32>
        %add3A_471 = arith.addf %exp3A_306, %exp3A_311 : vector<16xf32>
        %add3A_472 = arith.addf %exp3A_316, %exp3A_321 : vector<16xf32>
        %add3A_473 = arith.addf %exp3A_326, %exp3A_331 : vector<16xf32>
        %add3A_474 = arith.addf %exp3A_336, %exp3A_341 : vector<16xf32>
        %add3A_475 = arith.addf %exp3A_346, %exp3A_351 : vector<16xf32>
        %add3A_476 = arith.addf %exp3A_356, %exp3A_361 : vector<16xf32>
        %add3A_477 = arith.addf %exp3A_366, %exp3A_371 : vector<16xf32>
        %add3A_478 = arith.addf %exp3A_376, %exp3A_381 : vector<16xf32>
        %add3A_479 = arith.addf %exp3A_386, %exp3A_391 : vector<16xf32>
        %add3A_480 = arith.addf %exp3A_396, %exp3A_401 : vector<16xf32>
        %add3A_481 = arith.addf %exp3A_406, %exp3A_411 : vector<16xf32>
        %add3A_482 = arith.addf %exp3A_416, %exp3A_421 : vector<16xf32>
        %add3A_483 = arith.addf %exp3A_426, %exp3A_431 : vector<16xf32>
        %add3A_484 = arith.addf %exp3A_436, %exp3A_441 : vector<16xf32>
        %add3A_485 = arith.addf %exp3A_446, %exp3A_451 : vector<16xf32>
        %add3A_486 = arith.addf %add3A_454, %add3A_455 : vector<16xf32>
        %add3A_487 = arith.addf %add3A_456, %add3A_457 : vector<16xf32>
        %add3A_488 = arith.addf %add3A_458, %add3A_459 : vector<16xf32>
        %add3A_489 = arith.addf %add3A_460, %add3A_461 : vector<16xf32>
        %add3A_490 = arith.addf %add3A_462, %add3A_463 : vector<16xf32>
        %add3A_491 = arith.addf %add3A_464, %add3A_465 : vector<16xf32>
        %add3A_492 = arith.addf %add3A_466, %add3A_467 : vector<16xf32>
        %add3A_493 = arith.addf %add3A_468, %add3A_469 : vector<16xf32>
        %add3A_494 = arith.addf %add3A_470, %add3A_471 : vector<16xf32>
        %add3A_495 = arith.addf %add3A_472, %add3A_473 : vector<16xf32>
        %add3A_496 = arith.addf %add3A_474, %add3A_475 : vector<16xf32>
        %add3A_497 = arith.addf %add3A_476, %add3A_477 : vector<16xf32>
        %add3A_498 = arith.addf %add3A_478, %add3A_479 : vector<16xf32>
        %add3A_499 = arith.addf %add3A_480, %add3A_481 : vector<16xf32>
        %add3A_500 = arith.addf %add3A_482, %add3A_483 : vector<16xf32>
        %add3A_501 = arith.addf %add3A_484, %add3A_485 : vector<16xf32>
        %add3A_502 = arith.addf %add3A_486, %add3A_487 : vector<16xf32>
        %add3A_503 = arith.addf %add3A_488, %add3A_489 : vector<16xf32>
        %add3A_504 = arith.addf %add3A_490, %add3A_491 : vector<16xf32>
        %add3A_505 = arith.addf %add3A_492, %add3A_493 : vector<16xf32>
        %add3A_506 = arith.addf %add3A_494, %add3A_495 : vector<16xf32>
        %add3A_507 = arith.addf %add3A_496, %add3A_497 : vector<16xf32>
        %add3A_508 = arith.addf %add3A_498, %add3A_499 : vector<16xf32>
        %add3A_509 = arith.addf %add3A_500, %add3A_501 : vector<16xf32>
        %add3A_510 = arith.addf %add3A_502, %add3A_503 : vector<16xf32>
        %add3A_511 = arith.addf %add3A_504, %add3A_505 : vector<16xf32>
        %add3A_512 = arith.addf %add3A_506, %add3A_507 : vector<16xf32>
        %add3A_513 = arith.addf %add3A_508, %add3A_509 : vector<16xf32>
        %add3A_514 = arith.addf %add3A_510, %add3A_511 : vector<16xf32>
        %add3A_515 = arith.addf %add3A_512, %add3A_513 : vector<16xf32>
        %add3A_516 = arith.addf %add3A_514, %add3A_515 : vector<16xf32>
        %add3A_517 = arith.addf %get3A_453, %add3A_516 : vector<16xf32>
        %swap3A_518 = arith.index_cast %mul3A_126 : i32 to index
        %swap3A_519 = tpu.vector_load %arg9[%swap3A_518] {strides = array<i32>} : memref<128xf32, #tpu.memory_space<vmem>>, vector<16xf32>,
        tpu.vector_store %arg9[%swap3A_518], %add3A_517 {strides = array<i32>} : memref<128xf32, #tpu.memory_space<vmem>>, vector<16xf32>,
        %ge3A = arith.constant 0 : i32
        %ge3A_520 = vector.broadcast %ge3A : i32 to vector<16xi32>
        %ge3A_521 = arith.cmpi sge, %sub3A_132, %ge3A_520 : vector<16xi32>
        %lt3A = arith.constant 64 : i32
        %lt3A_522 = vector.broadcast %lt3A : i32 to vector<16xi32>
        %lt3A_523 = arith.cmpi slt, %sub3A_132, %lt3A_522 : vector<16xi32>
        %and3A = arith.andi %ge3A_521, %lt3A_523 : vector<16xi1>
        %jit3A = arith.constant 0 : i32
        %jit3A_524 = arith.constant 63 : i32
        %max3A = vector.broadcast %jit3A : i32 to vector<16xi32>
        %max3A_525 = arith.maxsi %max3A, %sub3A_132 : vector<16xi32>
        %min3A = vector.broadcast %jit3A_524 : i32 to vector<16xi32>
        %min3A_526 = arith.minsi %min3A, %max3A_525 : vector<16xi32>
        %add3A_527 = vector.broadcast %mul3A_126 : i32 to vector<16xi32>
        %add3A_528 = arith.addi %add3A_527, %iota3A : vector<16xi32>
        %gather3A = tpu.vector_load_idx %arg6[%min3A_526, %add3A_528] : memref<64x128xf32, #tpu.memory_space<vmem>>[vector<16xi32>, vector<16xi32>], vector<16xf32>,
        %get3A_529 = arith.index_cast %mul3A_126 : i32 to index
        %get3A_530 = tpu.vector_load %arg10[%get3A_529] {strides = array<i32>} : memref<128xf32, #tpu.memory_space<vmem>>, vector<16xf32>,
        %exp3A_531 = math.exp %gather3A : vector<16xf32>
        %jit3A_532 = arith.constant 0.000000e+00 : f32
        %broadcast_in_dim3A_533 = vector.broadcast %jit3A_532 : f32 to vector<16xf32>
        %select_n3A = arith.select %and3A, %exp3A_531, %broadcast_in_dim3A_533 : vector<16xi1>, vector<16xf32>
        %add3A_534 = arith.addf %get3A_530, %select_n3A : vector<16xf32>
        %swap3A_535 = arith.index_cast %mul3A_126 : i32 to index
        %swap3A_536 = tpu.vector_load %arg10[%swap3A_535] {strides = array<i32>} : memref<128xf32, #tpu.memory_space<vmem>>, vector<16xf32>,
        tpu.vector_store %arg10[%swap3A_535], %add3A_534 {strides = array<i32>} : memref<128xf32, #tpu.memory_space<vmem>>, vector<16xf32>,
      }
      %scan3A_123 = arith.constant 8 : i32
    }
    %scan3A_17 = arith.constant 2 : i32
    %dma_wait3A = arith.constant 256 : i32
    %dma_wait3A_18 = tpu.memref_slice %arg2[%dma_wait3A, %mul3A_2] : memref<340x16384xf32, #tpu.memory_space<hbm>> -> memref<64x128xf32, #tpu.memory_space<hbm>>
    %dma_wait3A_19 = arith.constant 256 : i32
    %dma_wait3A_20 = tpu.memref_slice %arg2[%dma_wait3A_19, %mul3A_2] : memref<340x16384xf32, #tpu.memory_space<hbm>> -> memref<64x128xf32, #tpu.memory_space<hbm>>
    tpu.wait_dma2 semaphore(%arg12 : memref<!tpu.dma_semaphore, #tpu.memory_space<semaphore_mem>>) src(%dma_wait3A_20 : memref<64x128xf32, #tpu.memory_space<hbm>>) dst(%arg5 : memref<64x128xf32, #tpu.memory_space<vmem>>)
    %scan3A_21 = arith.constant 0 : i32
    %scan3A_22 = arith.constant 0 : i32
    %scan3A_23 = arith.constant 8 : i32
    %scan3A_24 = arith.addi %scan3A_22, %scan3A_23 : i32
    %scan3A_25 = arith.constant 1 : i32
    scf.for %scan3A_89 = %scan3A_22 to %scan3A_24 step %scan3A_25  : i32 {
      %mul3A_90 = arith.constant 16 : i32
      %mul3A_91 = arith.muli %scan3A_89, %mul3A_90 : i32
      %get3A_92 = arith.index_cast %mul3A_91 : i32 to index
      %get3A_93 = tpu.vector_load %arg8[%get3A_92] {strides = array<i32>} : memref<128xi32, #tpu.memory_space<vmem>>, vector<16xi32>,
      %sub3A_94 = arith.constant 256 : i32
      %sub3A_95 = vector.broadcast %sub3A_94 : i32 to vector<16xi32>
      %sub3A_96 = arith.subi %get3A_93, %sub3A_95 : vector<16xi32>
      %get3A_97 = arith.constant 0 : i32
      %get3A_98 = arith.index_cast %get3A_97 : i32 to index
      %get3A_99 = arith.index_cast %mul3A_91 : i32 to index
      %get3A_100 = tpu.vector_load %arg5[%get3A_98, %get3A_99] {strides = array<i32>} : memref<64x128xf32, #tpu.memory_space<vmem>>, vector<16xf32>,
      %exp3A = math.exp %get3A_100 : vector<16xf32>
      %get3A_101 = arith.constant 1 : i32
      %get3A_102 = arith.index_cast %get3A_101 : i32 to index
      %get3A_103 = arith.index_cast %mul3A_91 : i32 to index
      %get3A_104 = tpu.vector_load %arg5[%get3A_102, %get3A_103] {strides = array<i32>} : memref<64x128xf32, #tpu.memory_space<vmem>>, vector<16xf32>,
      %exp3A_105 = math.exp %get3A_104 : vector<16xf32>
      %get3A_106 = arith.constant 2 : i32
      %get3A_107 = arith.index_cast %get3A_106 : i32 to index
      %get3A_108 = arith.index_cast %mul3A_91 : i32 to index
      %get3A_109 = tpu.vector_load %arg5[%get3A_107, %get3A_108] {strides = array<i32>} : memref<64x128xf32, #tpu.memory_space<vmem>>, vector<16xf32>,
      %exp3A_110 = math.exp %get3A_109 : vector<16xf32>
      %get3A_111 = arith.constant 3 : i32
      %get3A_112 = arith.index_cast %get3A_111 : i32 to index
      %get3A_113 = arith.index_cast %mul3A_91 : i32 to index
      %get3A_114 = tpu.vector_load %arg5[%get3A_112, %get3A_113] {strides = array<i32>} : memref<64x128xf32, #tpu.memory_space<vmem>>, vector<16xf32>,
      %exp3A_115 = math.exp %get3A_114 : vector<16xf32>
      %get3A_116 = arith.constant 4 : i32
      %get3A_117 = arith.index_cast %get3A_116 : i32 to index
      %get3A_118 = arith.index_cast %mul3A_91 : i32 to index
      %get3A_119 = tpu.vector_load %arg5[%get3A_117, %get3A_118] {strides = array<i32>} : memref<64x128xf32, #tpu.memory_space<vmem>>, vector<16xf32>,
      %exp3A_120 = math.exp %get3A_119 : vector<16xf32>
      %get3A_121 = arith.constant 5 : i32
      %get3A_122 = arith.index_cast %get3A_121 : i32 to index
      %get3A_123 = arith.index_cast %mul3A_91 : i32 to index
      %get3A_124 = tpu.vector_load %arg5[%get3A_122, %get3A_123] {strides = array<i32>} : memref<64x128xf32, #tpu.memory_space<vmem>>, vector<16xf32>,
      %exp3A_125 = math.exp %get3A_124 : vector<16xf32>
      %get3A_126 = arith.constant 6 : i32
      %get3A_127 = arith.index_cast %get3A_126 : i32 to index
      %get3A_128 = arith.index_cast %mul3A_91 : i32 to index
      %get3A_129 = tpu.vector_load %arg5[%get3A_127, %get3A_128] {strides = array<i32>} : memref<64x128xf32, #tpu.memory_space<vmem>>, vector<16xf32>,
      %exp3A_130 = math.exp %get3A_129 : vector<16xf32>
      %get3A_131 = arith.constant 7 : i32
      %get3A_132 = arith.index_cast %get3A_131 : i32 to index
      %get3A_133 = arith.index_cast %mul3A_91 : i32 to index
      %get3A_134 = tpu.vector_load %arg5[%get3A_132, %get3A_133] {strides = array<i32>} : memref<64x128xf32, #tpu.memory_space<vmem>>, vector<16xf32>,
      %exp3A_135 = math.exp %get3A_134 : vector<16xf32>
      %get3A_136 = arith.constant 8 : i32
      %get3A_137 = arith.index_cast %get3A_136 : i32 to index
      %get3A_138 = arith.index_cast %mul3A_91 : i32 to index
      %get3A_139 = tpu.vector_load %arg5[%get3A_137, %get3A_138] {strides = array<i32>} : memref<64x128xf32, #tpu.memory_space<vmem>>, vector<16xf32>,
      %exp3A_140 = math.exp %get3A_139 : vector<16xf32>
      %get3A_141 = arith.constant 9 : i32
      %get3A_142 = arith.index_cast %get3A_141 : i32 to index
      %get3A_143 = arith.index_cast %mul3A_91 : i32 to index
      %get3A_144 = tpu.vector_load %arg5[%get3A_142, %get3A_143] {strides = array<i32>} : memref<64x128xf32, #tpu.memory_space<vmem>>, vector<16xf32>,
      %exp3A_145 = math.exp %get3A_144 : vector<16xf32>
      %get3A_146 = arith.constant 10 : i32
      %get3A_147 = arith.index_cast %get3A_146 : i32 to index
      %get3A_148 = arith.index_cast %mul3A_91 : i32 to index
      %get3A_149 = tpu.vector_load %arg5[%get3A_147, %get3A_148] {strides = array<i32>} : memref<64x128xf32, #tpu.memory_space<vmem>>, vector<16xf32>,
      %exp3A_150 = math.exp %get3A_149 : vector<16xf32>
      %get3A_151 = arith.constant 11 : i32
      %get3A_152 = arith.index_cast %get3A_151 : i32 to index
      %get3A_153 = arith.index_cast %mul3A_91 : i32 to index
      %get3A_154 = tpu.vector_load %arg5[%get3A_152, %get3A_153] {strides = array<i32>} : memref<64x128xf32, #tpu.memory_space<vmem>>, vector<16xf32>,
      %exp3A_155 = math.exp %get3A_154 : vector<16xf32>
      %get3A_156 = arith.constant 12 : i32
      %get3A_157 = arith.index_cast %get3A_156 : i32 to index
      %get3A_158 = arith.index_cast %mul3A_91 : i32 to index
      %get3A_159 = tpu.vector_load %arg5[%get3A_157, %get3A_158] {strides = array<i32>} : memref<64x128xf32, #tpu.memory_space<vmem>>, vector<16xf32>,
      %exp3A_160 = math.exp %get3A_159 : vector<16xf32>
      %get3A_161 = arith.constant 13 : i32
      %get3A_162 = arith.index_cast %get3A_161 : i32 to index
      %get3A_163 = arith.index_cast %mul3A_91 : i32 to index
      %get3A_164 = tpu.vector_load %arg5[%get3A_162, %get3A_163] {strides = array<i32>} : memref<64x128xf32, #tpu.memory_space<vmem>>, vector<16xf32>,
      %exp3A_165 = math.exp %get3A_164 : vector<16xf32>
      %get3A_166 = arith.constant 14 : i32
      %get3A_167 = arith.index_cast %get3A_166 : i32 to index
      %get3A_168 = arith.index_cast %mul3A_91 : i32 to index
      %get3A_169 = tpu.vector_load %arg5[%get3A_167, %get3A_168] {strides = array<i32>} : memref<64x128xf32, #tpu.memory_space<vmem>>, vector<16xf32>,
      %exp3A_170 = math.exp %get3A_169 : vector<16xf32>
      %get3A_171 = arith.constant 15 : i32
      %get3A_172 = arith.index_cast %get3A_171 : i32 to index
      %get3A_173 = arith.index_cast %mul3A_91 : i32 to index
      %get3A_174 = tpu.vector_load %arg5[%get3A_172, %get3A_173] {strides = array<i32>} : memref<64x128xf32, #tpu.memory_space<vmem>>, vector<16xf32>,
      %exp3A_175 = math.exp %get3A_174 : vector<16xf32>
      %get3A_176 = arith.constant 16 : i32
      %get3A_177 = arith.index_cast %get3A_176 : i32 to index
      %get3A_178 = arith.index_cast %mul3A_91 : i32 to index
      %get3A_179 = tpu.vector_load %arg5[%get3A_177, %get3A_178] {strides = array<i32>} : memref<64x128xf32, #tpu.memory_space<vmem>>, vector<16xf32>,
      %exp3A_180 = math.exp %get3A_179 : vector<16xf32>
      %get3A_181 = arith.constant 17 : i32
      %get3A_182 = arith.index_cast %get3A_181 : i32 to index
      %get3A_183 = arith.index_cast %mul3A_91 : i32 to index
      %get3A_184 = tpu.vector_load %arg5[%get3A_182, %get3A_183] {strides = array<i32>} : memref<64x128xf32, #tpu.memory_space<vmem>>, vector<16xf32>,
      %exp3A_185 = math.exp %get3A_184 : vector<16xf32>
      %get3A_186 = arith.constant 18 : i32
      %get3A_187 = arith.index_cast %get3A_186 : i32 to index
      %get3A_188 = arith.index_cast %mul3A_91 : i32 to index
      %get3A_189 = tpu.vector_load %arg5[%get3A_187, %get3A_188] {strides = array<i32>} : memref<64x128xf32, #tpu.memory_space<vmem>>, vector<16xf32>,
      %exp3A_190 = math.exp %get3A_189 : vector<16xf32>
      %get3A_191 = arith.constant 19 : i32
      %get3A_192 = arith.index_cast %get3A_191 : i32 to index
      %get3A_193 = arith.index_cast %mul3A_91 : i32 to index
      %get3A_194 = tpu.vector_load %arg5[%get3A_192, %get3A_193] {strides = array<i32>} : memref<64x128xf32, #tpu.memory_space<vmem>>, vector<16xf32>,
      %exp3A_195 = math.exp %get3A_194 : vector<16xf32>
      %get3A_196 = arith.constant 20 : i32
      %get3A_197 = arith.index_cast %get3A_196 : i32 to index
      %get3A_198 = arith.index_cast %mul3A_91 : i32 to index
      %get3A_199 = tpu.vector_load %arg5[%get3A_197, %get3A_198] {strides = array<i32>} : memref<64x128xf32, #tpu.memory_space<vmem>>, vector<16xf32>,
      %exp3A_200 = math.exp %get3A_199 : vector<16xf32>
      %get3A_201 = arith.constant 21 : i32
      %get3A_202 = arith.index_cast %get3A_201 : i32 to index
      %get3A_203 = arith.index_cast %mul3A_91 : i32 to index
      %get3A_204 = tpu.vector_load %arg5[%get3A_202, %get3A_203] {strides = array<i32>} : memref<64x128xf32, #tpu.memory_space<vmem>>, vector<16xf32>,
      %exp3A_205 = math.exp %get3A_204 : vector<16xf32>
      %get3A_206 = arith.constant 22 : i32
      %get3A_207 = arith.index_cast %get3A_206 : i32 to index
      %get3A_208 = arith.index_cast %mul3A_91 : i32 to index
      %get3A_209 = tpu.vector_load %arg5[%get3A_207, %get3A_208] {strides = array<i32>} : memref<64x128xf32, #tpu.memory_space<vmem>>, vector<16xf32>,
      %exp3A_210 = math.exp %get3A_209 : vector<16xf32>
      %get3A_211 = arith.constant 23 : i32
      %get3A_212 = arith.index_cast %get3A_211 : i32 to index
      %get3A_213 = arith.index_cast %mul3A_91 : i32 to index
      %get3A_214 = tpu.vector_load %arg5[%get3A_212, %get3A_213] {strides = array<i32>} : memref<64x128xf32, #tpu.memory_space<vmem>>, vector<16xf32>,
      %exp3A_215 = math.exp %get3A_214 : vector<16xf32>
      %get3A_216 = arith.constant 24 : i32
      %get3A_217 = arith.index_cast %get3A_216 : i32 to index
      %get3A_218 = arith.index_cast %mul3A_91 : i32 to index
      %get3A_219 = tpu.vector_load %arg5[%get3A_217, %get3A_218] {strides = array<i32>} : memref<64x128xf32, #tpu.memory_space<vmem>>, vector<16xf32>,
      %exp3A_220 = math.exp %get3A_219 : vector<16xf32>
      %get3A_221 = arith.constant 25 : i32
      %get3A_222 = arith.index_cast %get3A_221 : i32 to index
      %get3A_223 = arith.index_cast %mul3A_91 : i32 to index
      %get3A_224 = tpu.vector_load %arg5[%get3A_222, %get3A_223] {strides = array<i32>} : memref<64x128xf32, #tpu.memory_space<vmem>>, vector<16xf32>,
      %exp3A_225 = math.exp %get3A_224 : vector<16xf32>
      %get3A_226 = arith.constant 26 : i32
      %get3A_227 = arith.index_cast %get3A_226 : i32 to index
      %get3A_228 = arith.index_cast %mul3A_91 : i32 to index
      %get3A_229 = tpu.vector_load %arg5[%get3A_227, %get3A_228] {strides = array<i32>} : memref<64x128xf32, #tpu.memory_space<vmem>>, vector<16xf32>,
      %exp3A_230 = math.exp %get3A_229 : vector<16xf32>
      %get3A_231 = arith.constant 27 : i32
      %get3A_232 = arith.index_cast %get3A_231 : i32 to index
      %get3A_233 = arith.index_cast %mul3A_91 : i32 to index
      %get3A_234 = tpu.vector_load %arg5[%get3A_232, %get3A_233] {strides = array<i32>} : memref<64x128xf32, #tpu.memory_space<vmem>>, vector<16xf32>,
      %exp3A_235 = math.exp %get3A_234 : vector<16xf32>
      %get3A_236 = arith.constant 28 : i32
      %get3A_237 = arith.index_cast %get3A_236 : i32 to index
      %get3A_238 = arith.index_cast %mul3A_91 : i32 to index
      %get3A_239 = tpu.vector_load %arg5[%get3A_237, %get3A_238] {strides = array<i32>} : memref<64x128xf32, #tpu.memory_space<vmem>>, vector<16xf32>,
      %exp3A_240 = math.exp %get3A_239 : vector<16xf32>
      %get3A_241 = arith.constant 29 : i32
      %get3A_242 = arith.index_cast %get3A_241 : i32 to index
      %get3A_243 = arith.index_cast %mul3A_91 : i32 to index
      %get3A_244 = tpu.vector_load %arg5[%get3A_242, %get3A_243] {strides = array<i32>} : memref<64x128xf32, #tpu.memory_space<vmem>>, vector<16xf32>,
      %exp3A_245 = math.exp %get3A_244 : vector<16xf32>
      %get3A_246 = arith.constant 30 : i32
      %get3A_247 = arith.index_cast %get3A_246 : i32 to index
      %get3A_248 = arith.index_cast %mul3A_91 : i32 to index
      %get3A_249 = tpu.vector_load %arg5[%get3A_247, %get3A_248] {strides = array<i32>} : memref<64x128xf32, #tpu.memory_space<vmem>>, vector<16xf32>,
      %exp3A_250 = math.exp %get3A_249 : vector<16xf32>
      %get3A_251 = arith.constant 31 : i32
      %get3A_252 = arith.index_cast %get3A_251 : i32 to index
      %get3A_253 = arith.index_cast %mul3A_91 : i32 to index
      %get3A_254 = tpu.vector_load %arg5[%get3A_252, %get3A_253] {strides = array<i32>} : memref<64x128xf32, #tpu.memory_space<vmem>>, vector<16xf32>,
      %exp3A_255 = math.exp %get3A_254 : vector<16xf32>
      %get3A_256 = arith.constant 32 : i32
      %get3A_257 = arith.index_cast %get3A_256 : i32 to index
      %get3A_258 = arith.index_cast %mul3A_91 : i32 to index
      %get3A_259 = tpu.vector_load %arg5[%get3A_257, %get3A_258] {strides = array<i32>} : memref<64x128xf32, #tpu.memory_space<vmem>>, vector<16xf32>,
      %exp3A_260 = math.exp %get3A_259 : vector<16xf32>
      %get3A_261 = arith.constant 33 : i32
      %get3A_262 = arith.index_cast %get3A_261 : i32 to index
      %get3A_263 = arith.index_cast %mul3A_91 : i32 to index
      %get3A_264 = tpu.vector_load %arg5[%get3A_262, %get3A_263] {strides = array<i32>} : memref<64x128xf32, #tpu.memory_space<vmem>>, vector<16xf32>,
      %exp3A_265 = math.exp %get3A_264 : vector<16xf32>
      %get3A_266 = arith.constant 34 : i32
      %get3A_267 = arith.index_cast %get3A_266 : i32 to index
      %get3A_268 = arith.index_cast %mul3A_91 : i32 to index
      %get3A_269 = tpu.vector_load %arg5[%get3A_267, %get3A_268] {strides = array<i32>} : memref<64x128xf32, #tpu.memory_space<vmem>>, vector<16xf32>,
      %exp3A_270 = math.exp %get3A_269 : vector<16xf32>
      %get3A_271 = arith.constant 35 : i32
      %get3A_272 = arith.index_cast %get3A_271 : i32 to index
      %get3A_273 = arith.index_cast %mul3A_91 : i32 to index
      %get3A_274 = tpu.vector_load %arg5[%get3A_272, %get3A_273] {strides = array<i32>} : memref<64x128xf32, #tpu.memory_space<vmem>>, vector<16xf32>,
      %exp3A_275 = math.exp %get3A_274 : vector<16xf32>
      %get3A_276 = arith.constant 36 : i32
      %get3A_277 = arith.index_cast %get3A_276 : i32 to index
      %get3A_278 = arith.index_cast %mul3A_91 : i32 to index
      %get3A_279 = tpu.vector_load %arg5[%get3A_277, %get3A_278] {strides = array<i32>} : memref<64x128xf32, #tpu.memory_space<vmem>>, vector<16xf32>,
      %exp3A_280 = math.exp %get3A_279 : vector<16xf32>
      %get3A_281 = arith.constant 37 : i32
      %get3A_282 = arith.index_cast %get3A_281 : i32 to index
      %get3A_283 = arith.index_cast %mul3A_91 : i32 to index
      %get3A_284 = tpu.vector_load %arg5[%get3A_282, %get3A_283] {strides = array<i32>} : memref<64x128xf32, #tpu.memory_space<vmem>>, vector<16xf32>,
      %exp3A_285 = math.exp %get3A_284 : vector<16xf32>
      %get3A_286 = arith.constant 38 : i32
      %get3A_287 = arith.index_cast %get3A_286 : i32 to index
      %get3A_288 = arith.index_cast %mul3A_91 : i32 to index
      %get3A_289 = tpu.vector_load %arg5[%get3A_287, %get3A_288] {strides = array<i32>} : memref<64x128xf32, #tpu.memory_space<vmem>>, vector<16xf32>,
      %exp3A_290 = math.exp %get3A_289 : vector<16xf32>
      %get3A_291 = arith.constant 39 : i32
      %get3A_292 = arith.index_cast %get3A_291 : i32 to index
      %get3A_293 = arith.index_cast %mul3A_91 : i32 to index
      %get3A_294 = tpu.vector_load %arg5[%get3A_292, %get3A_293] {strides = array<i32>} : memref<64x128xf32, #tpu.memory_space<vmem>>, vector<16xf32>,
      %exp3A_295 = math.exp %get3A_294 : vector<16xf32>
      %get3A_296 = arith.constant 40 : i32
      %get3A_297 = arith.index_cast %get3A_296 : i32 to index
      %get3A_298 = arith.index_cast %mul3A_91 : i32 to index
      %get3A_299 = tpu.vector_load %arg5[%get3A_297, %get3A_298] {strides = array<i32>} : memref<64x128xf32, #tpu.memory_space<vmem>>, vector<16xf32>,
      %exp3A_300 = math.exp %get3A_299 : vector<16xf32>
      %get3A_301 = arith.constant 41 : i32
      %get3A_302 = arith.index_cast %get3A_301 : i32 to index
      %get3A_303 = arith.index_cast %mul3A_91 : i32 to index
      %get3A_304 = tpu.vector_load %arg5[%get3A_302, %get3A_303] {strides = array<i32>} : memref<64x128xf32, #tpu.memory_space<vmem>>, vector<16xf32>,
      %exp3A_305 = math.exp %get3A_304 : vector<16xf32>
      %get3A_306 = arith.constant 42 : i32
      %get3A_307 = arith.index_cast %get3A_306 : i32 to index
      %get3A_308 = arith.index_cast %mul3A_91 : i32 to index
      %get3A_309 = tpu.vector_load %arg5[%get3A_307, %get3A_308] {strides = array<i32>} : memref<64x128xf32, #tpu.memory_space<vmem>>, vector<16xf32>,
      %exp3A_310 = math.exp %get3A_309 : vector<16xf32>
      %get3A_311 = arith.constant 43 : i32
      %get3A_312 = arith.index_cast %get3A_311 : i32 to index
      %get3A_313 = arith.index_cast %mul3A_91 : i32 to index
      %get3A_314 = tpu.vector_load %arg5[%get3A_312, %get3A_313] {strides = array<i32>} : memref<64x128xf32, #tpu.memory_space<vmem>>, vector<16xf32>,
      %exp3A_315 = math.exp %get3A_314 : vector<16xf32>
      %get3A_316 = arith.constant 44 : i32
      %get3A_317 = arith.index_cast %get3A_316 : i32 to index
      %get3A_318 = arith.index_cast %mul3A_91 : i32 to index
      %get3A_319 = tpu.vector_load %arg5[%get3A_317, %get3A_318] {strides = array<i32>} : memref<64x128xf32, #tpu.memory_space<vmem>>, vector<16xf32>,
      %exp3A_320 = math.exp %get3A_319 : vector<16xf32>
      %get3A_321 = arith.constant 45 : i32
      %get3A_322 = arith.index_cast %get3A_321 : i32 to index
      %get3A_323 = arith.index_cast %mul3A_91 : i32 to index
      %get3A_324 = tpu.vector_load %arg5[%get3A_322, %get3A_323] {strides = array<i32>} : memref<64x128xf32, #tpu.memory_space<vmem>>, vector<16xf32>,
      %exp3A_325 = math.exp %get3A_324 : vector<16xf32>
      %get3A_326 = arith.constant 46 : i32
      %get3A_327 = arith.index_cast %get3A_326 : i32 to index
      %get3A_328 = arith.index_cast %mul3A_91 : i32 to index
      %get3A_329 = tpu.vector_load %arg5[%get3A_327, %get3A_328] {strides = array<i32>} : memref<64x128xf32, #tpu.memory_space<vmem>>, vector<16xf32>,
      %exp3A_330 = math.exp %get3A_329 : vector<16xf32>
      %get3A_331 = arith.constant 47 : i32
      %get3A_332 = arith.index_cast %get3A_331 : i32 to index
      %get3A_333 = arith.index_cast %mul3A_91 : i32 to index
      %get3A_334 = tpu.vector_load %arg5[%get3A_332, %get3A_333] {strides = array<i32>} : memref<64x128xf32, #tpu.memory_space<vmem>>, vector<16xf32>,
      %exp3A_335 = math.exp %get3A_334 : vector<16xf32>
      %get3A_336 = arith.constant 48 : i32
      %get3A_337 = arith.index_cast %get3A_336 : i32 to index
      %get3A_338 = arith.index_cast %mul3A_91 : i32 to index
      %get3A_339 = tpu.vector_load %arg5[%get3A_337, %get3A_338] {strides = array<i32>} : memref<64x128xf32, #tpu.memory_space<vmem>>, vector<16xf32>,
      %exp3A_340 = math.exp %get3A_339 : vector<16xf32>
      %get3A_341 = arith.constant 49 : i32
      %get3A_342 = arith.index_cast %get3A_341 : i32 to index
      %get3A_343 = arith.index_cast %mul3A_91 : i32 to index
      %get3A_344 = tpu.vector_load %arg5[%get3A_342, %get3A_343] {strides = array<i32>} : memref<64x128xf32, #tpu.memory_space<vmem>>, vector<16xf32>,
      %exp3A_345 = math.exp %get3A_344 : vector<16xf32>
      %get3A_346 = arith.constant 50 : i32
      %get3A_347 = arith.index_cast %get3A_346 : i32 to index
      %get3A_348 = arith.index_cast %mul3A_91 : i32 to index
      %get3A_349 = tpu.vector_load %arg5[%get3A_347, %get3A_348] {strides = array<i32>} : memref<64x128xf32, #tpu.memory_space<vmem>>, vector<16xf32>,
      %exp3A_350 = math.exp %get3A_349 : vector<16xf32>
      %get3A_351 = arith.constant 51 : i32
      %get3A_352 = arith.index_cast %get3A_351 : i32 to index
      %get3A_353 = arith.index_cast %mul3A_91 : i32 to index
      %get3A_354 = tpu.vector_load %arg5[%get3A_352, %get3A_353] {strides = array<i32>} : memref<64x128xf32, #tpu.memory_space<vmem>>, vector<16xf32>,
      %exp3A_355 = math.exp %get3A_354 : vector<16xf32>
      %get3A_356 = arith.constant 52 : i32
      %get3A_357 = arith.index_cast %get3A_356 : i32 to index
      %get3A_358 = arith.index_cast %mul3A_91 : i32 to index
      %get3A_359 = tpu.vector_load %arg5[%get3A_357, %get3A_358] {strides = array<i32>} : memref<64x128xf32, #tpu.memory_space<vmem>>, vector<16xf32>,
      %exp3A_360 = math.exp %get3A_359 : vector<16xf32>
      %get3A_361 = arith.constant 53 : i32
      %get3A_362 = arith.index_cast %get3A_361 : i32 to index
      %get3A_363 = arith.index_cast %mul3A_91 : i32 to index
      %get3A_364 = tpu.vector_load %arg5[%get3A_362, %get3A_363] {strides = array<i32>} : memref<64x128xf32, #tpu.memory_space<vmem>>, vector<16xf32>,
      %exp3A_365 = math.exp %get3A_364 : vector<16xf32>
      %get3A_366 = arith.constant 54 : i32
      %get3A_367 = arith.index_cast %get3A_366 : i32 to index
      %get3A_368 = arith.index_cast %mul3A_91 : i32 to index
      %get3A_369 = tpu.vector_load %arg5[%get3A_367, %get3A_368] {strides = array<i32>} : memref<64x128xf32, #tpu.memory_space<vmem>>, vector<16xf32>,
      %exp3A_370 = math.exp %get3A_369 : vector<16xf32>
      %get3A_371 = arith.constant 55 : i32
      %get3A_372 = arith.index_cast %get3A_371 : i32 to index
      %get3A_373 = arith.index_cast %mul3A_91 : i32 to index
      %get3A_374 = tpu.vector_load %arg5[%get3A_372, %get3A_373] {strides = array<i32>} : memref<64x128xf32, #tpu.memory_space<vmem>>, vector<16xf32>,
      %exp3A_375 = math.exp %get3A_374 : vector<16xf32>
      %get3A_376 = arith.constant 56 : i32
      %get3A_377 = arith.index_cast %get3A_376 : i32 to index
      %get3A_378 = arith.index_cast %mul3A_91 : i32 to index
      %get3A_379 = tpu.vector_load %arg5[%get3A_377, %get3A_378] {strides = array<i32>} : memref<64x128xf32, #tpu.memory_space<vmem>>, vector<16xf32>,
      %exp3A_380 = math.exp %get3A_379 : vector<16xf32>
      %get3A_381 = arith.constant 57 : i32
      %get3A_382 = arith.index_cast %get3A_381 : i32 to index
      %get3A_383 = arith.index_cast %mul3A_91 : i32 to index
      %get3A_384 = tpu.vector_load %arg5[%get3A_382, %get3A_383] {strides = array<i32>} : memref<64x128xf32, #tpu.memory_space<vmem>>, vector<16xf32>,
      %exp3A_385 = math.exp %get3A_384 : vector<16xf32>
      %get3A_386 = arith.constant 58 : i32
      %get3A_387 = arith.index_cast %get3A_386 : i32 to index
      %get3A_388 = arith.index_cast %mul3A_91 : i32 to index
      %get3A_389 = tpu.vector_load %arg5[%get3A_387, %get3A_388] {strides = array<i32>} : memref<64x128xf32, #tpu.memory_space<vmem>>, vector<16xf32>,
      %exp3A_390 = math.exp %get3A_389 : vector<16xf32>
      %get3A_391 = arith.constant 59 : i32
      %get3A_392 = arith.index_cast %get3A_391 : i32 to index
      %get3A_393 = arith.index_cast %mul3A_91 : i32 to index
      %get3A_394 = tpu.vector_load %arg5[%get3A_392, %get3A_393] {strides = array<i32>} : memref<64x128xf32, #tpu.memory_space<vmem>>, vector<16xf32>,
      %exp3A_395 = math.exp %get3A_394 : vector<16xf32>
      %get3A_396 = arith.constant 60 : i32
      %get3A_397 = arith.index_cast %get3A_396 : i32 to index
      %get3A_398 = arith.index_cast %mul3A_91 : i32 to index
      %get3A_399 = tpu.vector_load %arg5[%get3A_397, %get3A_398] {strides = array<i32>} : memref<64x128xf32, #tpu.memory_space<vmem>>, vector<16xf32>,
      %exp3A_400 = math.exp %get3A_399 : vector<16xf32>
      %get3A_401 = arith.constant 61 : i32
      %get3A_402 = arith.index_cast %get3A_401 : i32 to index
      %get3A_403 = arith.index_cast %mul3A_91 : i32 to index
      %get3A_404 = tpu.vector_load %arg5[%get3A_402, %get3A_403] {strides = array<i32>} : memref<64x128xf32, #tpu.memory_space<vmem>>, vector<16xf32>,
      %exp3A_405 = math.exp %get3A_404 : vector<16xf32>
      %get3A_406 = arith.constant 62 : i32
      %get3A_407 = arith.index_cast %get3A_406 : i32 to index
      %get3A_408 = arith.index_cast %mul3A_91 : i32 to index
      %get3A_409 = tpu.vector_load %arg5[%get3A_407, %get3A_408] {strides = array<i32>} : memref<64x128xf32, #tpu.memory_space<vmem>>, vector<16xf32>,
      %exp3A_410 = math.exp %get3A_409 : vector<16xf32>
      %get3A_411 = arith.constant 63 : i32
      %get3A_412 = arith.index_cast %get3A_411 : i32 to index
      %get3A_413 = arith.index_cast %mul3A_91 : i32 to index
      %get3A_414 = tpu.vector_load %arg5[%get3A_412, %get3A_413] {strides = array<i32>} : memref<64x128xf32, #tpu.memory_space<vmem>>, vector<16xf32>,
      %exp3A_415 = math.exp %get3A_414 : vector<16xf32>
      %get3A_416 = arith.index_cast %mul3A_91 : i32 to index
      %get3A_417 = tpu.vector_load %arg9[%get3A_416] {strides = array<i32>} : memref<128xf32, #tpu.memory_space<vmem>>, vector<16xf32>,
      %add3A_418 = arith.addf %exp3A, %exp3A_105 : vector<16xf32>
      %add3A_419 = arith.addf %exp3A_110, %exp3A_115 : vector<16xf32>
      %add3A_420 = arith.addf %exp3A_120, %exp3A_125 : vector<16xf32>
      %add3A_421 = arith.addf %exp3A_130, %exp3A_135 : vector<16xf32>
      %add3A_422 = arith.addf %exp3A_140, %exp3A_145 : vector<16xf32>
      %add3A_423 = arith.addf %exp3A_150, %exp3A_155 : vector<16xf32>
      %add3A_424 = arith.addf %exp3A_160, %exp3A_165 : vector<16xf32>
      %add3A_425 = arith.addf %exp3A_170, %exp3A_175 : vector<16xf32>
      %add3A_426 = arith.addf %exp3A_180, %exp3A_185 : vector<16xf32>
      %add3A_427 = arith.addf %exp3A_190, %exp3A_195 : vector<16xf32>
      %add3A_428 = arith.addf %exp3A_200, %exp3A_205 : vector<16xf32>
      %add3A_429 = arith.addf %exp3A_210, %exp3A_215 : vector<16xf32>
      %add3A_430 = arith.addf %exp3A_220, %exp3A_225 : vector<16xf32>
      %add3A_431 = arith.addf %exp3A_230, %exp3A_235 : vector<16xf32>
      %add3A_432 = arith.addf %exp3A_240, %exp3A_245 : vector<16xf32>
      %add3A_433 = arith.addf %exp3A_250, %exp3A_255 : vector<16xf32>
      %add3A_434 = arith.addf %exp3A_260, %exp3A_265 : vector<16xf32>
      %add3A_435 = arith.addf %exp3A_270, %exp3A_275 : vector<16xf32>
      %add3A_436 = arith.addf %exp3A_280, %exp3A_285 : vector<16xf32>
      %add3A_437 = arith.addf %exp3A_290, %exp3A_295 : vector<16xf32>
      %add3A_438 = arith.addf %exp3A_300, %exp3A_305 : vector<16xf32>
      %add3A_439 = arith.addf %exp3A_310, %exp3A_315 : vector<16xf32>
      %add3A_440 = arith.addf %exp3A_320, %exp3A_325 : vector<16xf32>
      %add3A_441 = arith.addf %exp3A_330, %exp3A_335 : vector<16xf32>
      %add3A_442 = arith.addf %exp3A_340, %exp3A_345 : vector<16xf32>
      %add3A_443 = arith.addf %exp3A_350, %exp3A_355 : vector<16xf32>
      %add3A_444 = arith.addf %exp3A_360, %exp3A_365 : vector<16xf32>
      %add3A_445 = arith.addf %exp3A_370, %exp3A_375 : vector<16xf32>
      %add3A_446 = arith.addf %exp3A_380, %exp3A_385 : vector<16xf32>
      %add3A_447 = arith.addf %exp3A_390, %exp3A_395 : vector<16xf32>
      %add3A_448 = arith.addf %exp3A_400, %exp3A_405 : vector<16xf32>
      %add3A_449 = arith.addf %exp3A_410, %exp3A_415 : vector<16xf32>
      %add3A_450 = arith.addf %add3A_418, %add3A_419 : vector<16xf32>
      %add3A_451 = arith.addf %add3A_420, %add3A_421 : vector<16xf32>
      %add3A_452 = arith.addf %add3A_422, %add3A_423 : vector<16xf32>
      %add3A_453 = arith.addf %add3A_424, %add3A_425 : vector<16xf32>
      %add3A_454 = arith.addf %add3A_426, %add3A_427 : vector<16xf32>
      %add3A_455 = arith.addf %add3A_428, %add3A_429 : vector<16xf32>
      %add3A_456 = arith.addf %add3A_430, %add3A_431 : vector<16xf32>
      %add3A_457 = arith.addf %add3A_432, %add3A_433 : vector<16xf32>
      %add3A_458 = arith.addf %add3A_434, %add3A_435 : vector<16xf32>
      %add3A_459 = arith.addf %add3A_436, %add3A_437 : vector<16xf32>
      %add3A_460 = arith.addf %add3A_438, %add3A_439 : vector<16xf32>
      %add3A_461 = arith.addf %add3A_440, %add3A_441 : vector<16xf32>
      %add3A_462 = arith.addf %add3A_442, %add3A_443 : vector<16xf32>
      %add3A_463 = arith.addf %add3A_444, %add3A_445 : vector<16xf32>
      %add3A_464 = arith.addf %add3A_446, %add3A_447 : vector<16xf32>
      %add3A_465 = arith.addf %add3A_448, %add3A_449 : vector<16xf32>
      %add3A_466 = arith.addf %add3A_450, %add3A_451 : vector<16xf32>
      %add3A_467 = arith.addf %add3A_452, %add3A_453 : vector<16xf32>
      %add3A_468 = arith.addf %add3A_454, %add3A_455 : vector<16xf32>
      %add3A_469 = arith.addf %add3A_456, %add3A_457 : vector<16xf32>
      %add3A_470 = arith.addf %add3A_458, %add3A_459 : vector<16xf32>
      %add3A_471 = arith.addf %add3A_460, %add3A_461 : vector<16xf32>
      %add3A_472 = arith.addf %add3A_462, %add3A_463 : vector<16xf32>
      %add3A_473 = arith.addf %add3A_464, %add3A_465 : vector<16xf32>
      %add3A_474 = arith.addf %add3A_466, %add3A_467 : vector<16xf32>
      %add3A_475 = arith.addf %add3A_468, %add3A_469 : vector<16xf32>
      %add3A_476 = arith.addf %add3A_470, %add3A_471 : vector<16xf32>
      %add3A_477 = arith.addf %add3A_472, %add3A_473 : vector<16xf32>
      %add3A_478 = arith.addf %add3A_474, %add3A_475 : vector<16xf32>
      %add3A_479 = arith.addf %add3A_476, %add3A_477 : vector<16xf32>
      %add3A_480 = arith.addf %add3A_478, %add3A_479 : vector<16xf32>
      %add3A_481 = arith.addf %get3A_417, %add3A_480 : vector<16xf32>
      %swap3A_482 = arith.index_cast %mul3A_91 : i32 to index
      %swap3A_483 = tpu.vector_load %arg9[%swap3A_482] {strides = array<i32>} : memref<128xf32, #tpu.memory_space<vmem>>, vector<16xf32>,
      tpu.vector_store %arg9[%swap3A_482], %add3A_481 {strides = array<i32>} : memref<128xf32, #tpu.memory_space<vmem>>, vector<16xf32>,
      %ge3A = arith.constant 0 : i32
      %ge3A_484 = vector.broadcast %ge3A : i32 to vector<16xi32>
      %ge3A_485 = arith.cmpi sge, %sub3A_96, %ge3A_484 : vector<16xi32>
      %lt3A = arith.constant 64 : i32
      %lt3A_486 = vector.broadcast %lt3A : i32 to vector<16xi32>
      %lt3A_487 = arith.cmpi slt, %sub3A_96, %lt3A_486 : vector<16xi32>
      %and3A = arith.andi %ge3A_485, %lt3A_487 : vector<16xi1>
      %jit3A = arith.constant 0 : i32
      %jit3A_488 = arith.constant 63 : i32
      %max3A = vector.broadcast %jit3A : i32 to vector<16xi32>
      %max3A_489 = arith.maxsi %max3A, %sub3A_96 : vector<16xi32>
      %min3A = vector.broadcast %jit3A_488 : i32 to vector<16xi32>
      %min3A_490 = arith.minsi %min3A, %max3A_489 : vector<16xi32>
      %add3A_491 = vector.broadcast %mul3A_91 : i32 to vector<16xi32>
      %add3A_492 = arith.addi %add3A_491, %iota3A : vector<16xi32>
      %gather3A = tpu.vector_load_idx %arg5[%min3A_490, %add3A_492] : memref<64x128xf32, #tpu.memory_space<vmem>>[vector<16xi32>, vector<16xi32>], vector<16xf32>,
      %get3A_493 = arith.index_cast %mul3A_91 : i32 to index
      %get3A_494 = tpu.vector_load %arg10[%get3A_493] {strides = array<i32>} : memref<128xf32, #tpu.memory_space<vmem>>, vector<16xf32>,
      %exp3A_495 = math.exp %gather3A : vector<16xf32>
      %jit3A_496 = arith.constant 0.000000e+00 : f32
      %broadcast_in_dim3A_497 = vector.broadcast %jit3A_496 : f32 to vector<16xf32>
      %select_n3A = arith.select %and3A, %exp3A_495, %broadcast_in_dim3A_497 : vector<16xi1>, vector<16xf32>
      %add3A_498 = arith.addf %get3A_494, %select_n3A : vector<16xf32>
      %swap3A_499 = arith.index_cast %mul3A_91 : i32 to index
      %swap3A_500 = tpu.vector_load %arg10[%swap3A_499] {strides = array<i32>} : memref<128xf32, #tpu.memory_space<vmem>>, vector<16xf32>,
      tpu.vector_store %arg10[%swap3A_499], %add3A_498 {strides = array<i32>} : memref<128xf32, #tpu.memory_space<vmem>>, vector<16xf32>,
    }
    %scan3A_26 = arith.constant 8 : i32
    "tpu.region"() ({
      %run_scoped3A = tpu.sem_alloc : memref<!tpu.dma_semaphore, #tpu.memory_space<semaphore_mem>>
      %dma_start3A_89 = arith.constant 320 : i32
      %dma_start3A_90 = tpu.memref_slice %arg2[%dma_start3A_89, %mul3A_2] : memref<340x16384xf32, #tpu.memory_space<hbm>> -> memref<20x128xf32, #tpu.memory_space<hbm>>
      %dma_start3A_91 = arith.constant 320 : i32
      %dma_start3A_92 = tpu.memref_slice %arg2[%dma_start3A_91, %mul3A_2] : memref<340x16384xf32, #tpu.memory_space<hbm>> -> memref<20x128xf32, #tpu.memory_space<hbm>>
      tpu.enqueue_dma source(%dma_start3A_92 : memref<20x128xf32, #tpu.memory_space<hbm>>) target(%arg7 : memref<20x128xf32, #tpu.memory_space<vmem>>) target_semaphore(%run_scoped3A : memref<!tpu.dma_semaphore, #tpu.memory_space<semaphore_mem>>)
      %dma_wait3A_93 = arith.constant 320 : i32
      %dma_wait3A_94 = tpu.memref_slice %arg2[%dma_wait3A_93, %mul3A_2] : memref<340x16384xf32, #tpu.memory_space<hbm>> -> memref<20x128xf32, #tpu.memory_space<hbm>>
      %dma_wait3A_95 = arith.constant 320 : i32
      %dma_wait3A_96 = tpu.memref_slice %arg2[%dma_wait3A_95, %mul3A_2] : memref<340x16384xf32, #tpu.memory_space<hbm>> -> memref<20x128xf32, #tpu.memory_space<hbm>>
      tpu.wait_dma2 semaphore(%run_scoped3A : memref<!tpu.dma_semaphore, #tpu.memory_space<semaphore_mem>>) src(%dma_wait3A_96 : memref<20x128xf32, #tpu.memory_space<hbm>>) dst(%arg7 : memref<20x128xf32, #tpu.memory_space<vmem>>)
      tpu.yield
    }) : () -> ()
    %scan3A_27 = arith.constant 0 : i32
    %scan3A_28 = arith.constant 0 : i32
    %scan3A_29 = arith.constant 8 : i32
    %scan3A_30 = arith.addi %scan3A_28, %scan3A_29 : i32
    %scan3A_31 = arith.constant 1 : i32
    scf.for %scan3A_89 = %scan3A_28 to %scan3A_30 step %scan3A_31  : i32 {
      %mul3A_90 = arith.constant 16 : i32
      %mul3A_91 = arith.muli %scan3A_89, %mul3A_90 : i32
      %get3A_92 = arith.index_cast %mul3A_91 : i32 to index
      %get3A_93 = tpu.vector_load %arg8[%get3A_92] {strides = array<i32>} : memref<128xi32, #tpu.memory_space<vmem>>, vector<16xi32>,
      %sub3A_94 = arith.constant 320 : i32
      %sub3A_95 = vector.broadcast %sub3A_94 : i32 to vector<16xi32>
      %sub3A_96 = arith.subi %get3A_93, %sub3A_95 : vector<16xi32>
      %get3A_97 = arith.constant 0 : i32
      %get3A_98 = arith.index_cast %get3A_97 : i32 to index
      %get3A_99 = arith.index_cast %mul3A_91 : i32 to index
      %get3A_100 = tpu.vector_load %arg7[%get3A_98, %get3A_99] {strides = array<i32>} : memref<20x128xf32, #tpu.memory_space<vmem>>, vector<16xf32>,
      %exp3A = math.exp %get3A_100 : vector<16xf32>
      %get3A_101 = arith.constant 1 : i32
      %get3A_102 = arith.index_cast %get3A_101 : i32 to index
      %get3A_103 = arith.index_cast %mul3A_91 : i32 to index
      %get3A_104 = tpu.vector_load %arg7[%get3A_102, %get3A_103] {strides = array<i32>} : memref<20x128xf32, #tpu.memory_space<vmem>>, vector<16xf32>,
      %exp3A_105 = math.exp %get3A_104 : vector<16xf32>
      %get3A_106 = arith.constant 2 : i32
      %get3A_107 = arith.index_cast %get3A_106 : i32 to index
      %get3A_108 = arith.index_cast %mul3A_91 : i32 to index
      %get3A_109 = tpu.vector_load %arg7[%get3A_107, %get3A_108] {strides = array<i32>} : memref<20x128xf32, #tpu.memory_space<vmem>>, vector<16xf32>,
      %exp3A_110 = math.exp %get3A_109 : vector<16xf32>
      %get3A_111 = arith.constant 3 : i32
      %get3A_112 = arith.index_cast %get3A_111 : i32 to index
      %get3A_113 = arith.index_cast %mul3A_91 : i32 to index
      %get3A_114 = tpu.vector_load %arg7[%get3A_112, %get3A_113] {strides = array<i32>} : memref<20x128xf32, #tpu.memory_space<vmem>>, vector<16xf32>,
      %exp3A_115 = math.exp %get3A_114 : vector<16xf32>
      %get3A_116 = arith.constant 4 : i32
      %get3A_117 = arith.index_cast %get3A_116 : i32 to index
      %get3A_118 = arith.index_cast %mul3A_91 : i32 to index
      %get3A_119 = tpu.vector_load %arg7[%get3A_117, %get3A_118] {strides = array<i32>} : memref<20x128xf32, #tpu.memory_space<vmem>>, vector<16xf32>,
      %exp3A_120 = math.exp %get3A_119 : vector<16xf32>
      %get3A_121 = arith.constant 5 : i32
      %get3A_122 = arith.index_cast %get3A_121 : i32 to index
      %get3A_123 = arith.index_cast %mul3A_91 : i32 to index
      %get3A_124 = tpu.vector_load %arg7[%get3A_122, %get3A_123] {strides = array<i32>} : memref<20x128xf32, #tpu.memory_space<vmem>>, vector<16xf32>,
      %exp3A_125 = math.exp %get3A_124 : vector<16xf32>
      %get3A_126 = arith.constant 6 : i32
      %get3A_127 = arith.index_cast %get3A_126 : i32 to index
      %get3A_128 = arith.index_cast %mul3A_91 : i32 to index
      %get3A_129 = tpu.vector_load %arg7[%get3A_127, %get3A_128] {strides = array<i32>} : memref<20x128xf32, #tpu.memory_space<vmem>>, vector<16xf32>,
      %exp3A_130 = math.exp %get3A_129 : vector<16xf32>
      %get3A_131 = arith.constant 7 : i32
      %get3A_132 = arith.index_cast %get3A_131 : i32 to index
      %get3A_133 = arith.index_cast %mul3A_91 : i32 to index
      %get3A_134 = tpu.vector_load %arg7[%get3A_132, %get3A_133] {strides = array<i32>} : memref<20x128xf32, #tpu.memory_space<vmem>>, vector<16xf32>,
      %exp3A_135 = math.exp %get3A_134 : vector<16xf32>
      %get3A_136 = arith.constant 8 : i32
      %get3A_137 = arith.index_cast %get3A_136 : i32 to index
      %get3A_138 = arith.index_cast %mul3A_91 : i32 to index
      %get3A_139 = tpu.vector_load %arg7[%get3A_137, %get3A_138] {strides = array<i32>} : memref<20x128xf32, #tpu.memory_space<vmem>>, vector<16xf32>,
      %exp3A_140 = math.exp %get3A_139 : vector<16xf32>
      %get3A_141 = arith.constant 9 : i32
      %get3A_142 = arith.index_cast %get3A_141 : i32 to index
      %get3A_143 = arith.index_cast %mul3A_91 : i32 to index
      %get3A_144 = tpu.vector_load %arg7[%get3A_142, %get3A_143] {strides = array<i32>} : memref<20x128xf32, #tpu.memory_space<vmem>>, vector<16xf32>,
      %exp3A_145 = math.exp %get3A_144 : vector<16xf32>
      %get3A_146 = arith.constant 10 : i32
      %get3A_147 = arith.index_cast %get3A_146 : i32 to index
      %get3A_148 = arith.index_cast %mul3A_91 : i32 to index
      %get3A_149 = tpu.vector_load %arg7[%get3A_147, %get3A_148] {strides = array<i32>} : memref<20x128xf32, #tpu.memory_space<vmem>>, vector<16xf32>,
      %exp3A_150 = math.exp %get3A_149 : vector<16xf32>
      %get3A_151 = arith.constant 11 : i32
      %get3A_152 = arith.index_cast %get3A_151 : i32 to index
      %get3A_153 = arith.index_cast %mul3A_91 : i32 to index
      %get3A_154 = tpu.vector_load %arg7[%get3A_152, %get3A_153] {strides = array<i32>} : memref<20x128xf32, #tpu.memory_space<vmem>>, vector<16xf32>,
      %exp3A_155 = math.exp %get3A_154 : vector<16xf32>
      %get3A_156 = arith.constant 12 : i32
      %get3A_157 = arith.index_cast %get3A_156 : i32 to index
      %get3A_158 = arith.index_cast %mul3A_91 : i32 to index
      %get3A_159 = tpu.vector_load %arg7[%get3A_157, %get3A_158] {strides = array<i32>} : memref<20x128xf32, #tpu.memory_space<vmem>>, vector<16xf32>,
      %exp3A_160 = math.exp %get3A_159 : vector<16xf32>
      %get3A_161 = arith.constant 13 : i32
      %get3A_162 = arith.index_cast %get3A_161 : i32 to index
      %get3A_163 = arith.index_cast %mul3A_91 : i32 to index
      %get3A_164 = tpu.vector_load %arg7[%get3A_162, %get3A_163] {strides = array<i32>} : memref<20x128xf32, #tpu.memory_space<vmem>>, vector<16xf32>,
      %exp3A_165 = math.exp %get3A_164 : vector<16xf32>
      %get3A_166 = arith.constant 14 : i32
      %get3A_167 = arith.index_cast %get3A_166 : i32 to index
      %get3A_168 = arith.index_cast %mul3A_91 : i32 to index
      %get3A_169 = tpu.vector_load %arg7[%get3A_167, %get3A_168] {strides = array<i32>} : memref<20x128xf32, #tpu.memory_space<vmem>>, vector<16xf32>,
      %exp3A_170 = math.exp %get3A_169 : vector<16xf32>
      %get3A_171 = arith.constant 15 : i32
      %get3A_172 = arith.index_cast %get3A_171 : i32 to index
      %get3A_173 = arith.index_cast %mul3A_91 : i32 to index
      %get3A_174 = tpu.vector_load %arg7[%get3A_172, %get3A_173] {strides = array<i32>} : memref<20x128xf32, #tpu.memory_space<vmem>>, vector<16xf32>,
      %exp3A_175 = math.exp %get3A_174 : vector<16xf32>
      %get3A_176 = arith.constant 16 : i32
      %get3A_177 = arith.index_cast %get3A_176 : i32 to index
      %get3A_178 = arith.index_cast %mul3A_91 : i32 to index
      %get3A_179 = tpu.vector_load %arg7[%get3A_177, %get3A_178] {strides = array<i32>} : memref<20x128xf32, #tpu.memory_space<vmem>>, vector<16xf32>,
      %exp3A_180 = math.exp %get3A_179 : vector<16xf32>
      %get3A_181 = arith.constant 17 : i32
      %get3A_182 = arith.index_cast %get3A_181 : i32 to index
      %get3A_183 = arith.index_cast %mul3A_91 : i32 to index
      %get3A_184 = tpu.vector_load %arg7[%get3A_182, %get3A_183] {strides = array<i32>} : memref<20x128xf32, #tpu.memory_space<vmem>>, vector<16xf32>,
      %exp3A_185 = math.exp %get3A_184 : vector<16xf32>
      %get3A_186 = arith.constant 18 : i32
      %get3A_187 = arith.index_cast %get3A_186 : i32 to index
      %get3A_188 = arith.index_cast %mul3A_91 : i32 to index
      %get3A_189 = tpu.vector_load %arg7[%get3A_187, %get3A_188] {strides = array<i32>} : memref<20x128xf32, #tpu.memory_space<vmem>>, vector<16xf32>,
      %exp3A_190 = math.exp %get3A_189 : vector<16xf32>
      %get3A_191 = arith.constant 19 : i32
      %get3A_192 = arith.index_cast %get3A_191 : i32 to index
      %get3A_193 = arith.index_cast %mul3A_91 : i32 to index
      %get3A_194 = tpu.vector_load %arg7[%get3A_192, %get3A_193] {strides = array<i32>} : memref<20x128xf32, #tpu.memory_space<vmem>>, vector<16xf32>,
      %exp3A_195 = math.exp %get3A_194 : vector<16xf32>
      %get3A_196 = arith.index_cast %mul3A_91 : i32 to index
      %get3A_197 = tpu.vector_load %arg9[%get3A_196] {strides = array<i32>} : memref<128xf32, #tpu.memory_space<vmem>>, vector<16xf32>,
      %add3A_198 = arith.addf %exp3A, %exp3A_105 : vector<16xf32>
      %add3A_199 = arith.addf %exp3A_110, %exp3A_115 : vector<16xf32>
      %add3A_200 = arith.addf %exp3A_120, %exp3A_125 : vector<16xf32>
      %add3A_201 = arith.addf %exp3A_130, %exp3A_135 : vector<16xf32>
      %add3A_202 = arith.addf %exp3A_140, %exp3A_145 : vector<16xf32>
      %add3A_203 = arith.addf %exp3A_150, %exp3A_155 : vector<16xf32>
      %add3A_204 = arith.addf %exp3A_160, %exp3A_165 : vector<16xf32>
      %add3A_205 = arith.addf %exp3A_170, %exp3A_175 : vector<16xf32>
      %add3A_206 = arith.addf %exp3A_180, %exp3A_185 : vector<16xf32>
      %add3A_207 = arith.addf %exp3A_190, %exp3A_195 : vector<16xf32>
      %add3A_208 = arith.addf %add3A_198, %add3A_199 : vector<16xf32>
      %add3A_209 = arith.addf %add3A_200, %add3A_201 : vector<16xf32>
      %add3A_210 = arith.addf %add3A_202, %add3A_203 : vector<16xf32>
      %add3A_211 = arith.addf %add3A_204, %add3A_205 : vector<16xf32>
      %add3A_212 = arith.addf %add3A_206, %add3A_207 : vector<16xf32>
      %add3A_213 = arith.addf %add3A_208, %add3A_209 : vector<16xf32>
      %add3A_214 = arith.addf %add3A_210, %add3A_211 : vector<16xf32>
      %add3A_215 = arith.addf %add3A_213, %add3A_214 : vector<16xf32>
      %add3A_216 = arith.addf %add3A_215, %add3A_212 : vector<16xf32>
      %add3A_217 = arith.addf %get3A_197, %add3A_216 : vector<16xf32>
      %swap3A_218 = arith.index_cast %mul3A_91 : i32 to index
      %swap3A_219 = tpu.vector_load %arg9[%swap3A_218] {strides = array<i32>} : memref<128xf32, #tpu.memory_space<vmem>>, vector<16xf32>,
      tpu.vector_store %arg9[%swap3A_218], %add3A_217 {strides = array<i32>} : memref<128xf32, #tpu.memory_space<vmem>>, vector<16xf32>,
      %ge3A = arith.constant 0 : i32
      %ge3A_220 = vector.broadcast %ge3A : i32 to vector<16xi32>
      %ge3A_221 = arith.cmpi sge, %sub3A_96, %ge3A_220 : vector<16xi32>
      %lt3A = arith.constant 20 : i32
      %lt3A_222 = vector.broadcast %lt3A : i32 to vector<16xi32>
      %lt3A_223 = arith.cmpi slt, %sub3A_96, %lt3A_222 : vector<16xi32>
      %and3A = arith.andi %ge3A_221, %lt3A_223 : vector<16xi1>
      %jit3A = arith.constant 0 : i32
      %jit3A_224 = arith.constant 19 : i32
      %max3A = vector.broadcast %jit3A : i32 to vector<16xi32>
      %max3A_225 = arith.maxsi %max3A, %sub3A_96 : vector<16xi32>
      %min3A = vector.broadcast %jit3A_224 : i32 to vector<16xi32>
      %min3A_226 = arith.minsi %min3A, %max3A_225 : vector<16xi32>
      %add3A_227 = vector.broadcast %mul3A_91 : i32 to vector<16xi32>
      %add3A_228 = arith.addi %add3A_227, %iota3A : vector<16xi32>
      %gather3A = tpu.vector_load_idx %arg7[%min3A_226, %add3A_228] : memref<20x128xf32, #tpu.memory_space<vmem>>[vector<16xi32>, vector<16xi32>], vector<16xf32>,
      %get3A_229 = arith.index_cast %mul3A_91 : i32 to index
      %get3A_230 = tpu.vector_load %arg10[%get3A_229] {strides = array<i32>} : memref<128xf32, #tpu.memory_space<vmem>>, vector<16xf32>,
      %exp3A_231 = math.exp %gather3A : vector<16xf32>
      %jit3A_232 = arith.constant 0.000000e+00 : f32
      %broadcast_in_dim3A_233 = vector.broadcast %jit3A_232 : f32 to vector<16xf32>
      %select_n3A = arith.select %and3A, %exp3A_231, %broadcast_in_dim3A_233 : vector<16xi1>, vector<16xf32>
      %add3A_234 = arith.addf %get3A_230, %select_n3A : vector<16xf32>
      %swap3A_235 = arith.index_cast %mul3A_91 : i32 to index
      %swap3A_236 = tpu.vector_load %arg10[%swap3A_235] {strides = array<i32>} : memref<128xf32, #tpu.memory_space<vmem>>, vector<16xf32>,
      tpu.vector_store %arg10[%swap3A_235], %add3A_234 {strides = array<i32>} : memref<128xf32, #tpu.memory_space<vmem>>, vector<16xf32>,
    }
    %scan3A_32 = arith.constant 8 : i32
    %broadcast_in_dim3A_33 = arith.constant 0.000000e+00 : f32
    %broadcast_in_dim3A_34 = vector.broadcast %broadcast_in_dim3A_33 : f32 to vector<16xf32>
    %get3A = arith.constant 0 : index
    %get3A_35 = tpu.vector_load %arg9[%get3A] {strides = array<i32>} : memref<128xf32, #tpu.memory_space<vmem>>, vector<16xf32>,
    %get3A_36 = arith.constant 0 : index
    %get3A_37 = tpu.vector_load %arg10[%get3A_36] {strides = array<i32>} : memref<128xf32, #tpu.memory_space<vmem>>, vector<16xf32>,
    %sub3A = arith.subf %get3A_35, %get3A_37 : vector<16xf32>
    %div3A = arith.divf %sub3A, %get3A_37 : vector<16xf32>
    %add3A_38 = arith.addf %broadcast_in_dim3A_34, %div3A : vector<16xf32>
    %get3A_39 = arith.constant 16 : index
    %get3A_40 = tpu.vector_load %arg9[%get3A_39] {strides = array<i32>} : memref<128xf32, #tpu.memory_space<vmem>>, vector<16xf32>,
    %get3A_41 = arith.constant 16 : index
    %get3A_42 = tpu.vector_load %arg10[%get3A_41] {strides = array<i32>} : memref<128xf32, #tpu.memory_space<vmem>>, vector<16xf32>,
    %sub3A_43 = arith.subf %get3A_40, %get3A_42 : vector<16xf32>
    %div3A_44 = arith.divf %sub3A_43, %get3A_42 : vector<16xf32>
    %add3A_45 = arith.addf %add3A_38, %div3A_44 : vector<16xf32>
    %get3A_46 = arith.constant 32 : index
    %get3A_47 = tpu.vector_load %arg9[%get3A_46] {strides = array<i32>} : memref<128xf32, #tpu.memory_space<vmem>>, vector<16xf32>,
    %get3A_48 = arith.constant 32 : index
    %get3A_49 = tpu.vector_load %arg10[%get3A_48] {strides = array<i32>} : memref<128xf32, #tpu.memory_space<vmem>>, vector<16xf32>,
    %sub3A_50 = arith.subf %get3A_47, %get3A_49 : vector<16xf32>
    %div3A_51 = arith.divf %sub3A_50, %get3A_49 : vector<16xf32>
    %add3A_52 = arith.addf %add3A_45, %div3A_51 : vector<16xf32>
    %get3A_53 = arith.constant 48 : index
    %get3A_54 = tpu.vector_load %arg9[%get3A_53] {strides = array<i32>} : memref<128xf32, #tpu.memory_space<vmem>>, vector<16xf32>,
    %get3A_55 = arith.constant 48 : index
    %get3A_56 = tpu.vector_load %arg10[%get3A_55] {strides = array<i32>} : memref<128xf32, #tpu.memory_space<vmem>>, vector<16xf32>,
    %sub3A_57 = arith.subf %get3A_54, %get3A_56 : vector<16xf32>
    %div3A_58 = arith.divf %sub3A_57, %get3A_56 : vector<16xf32>
    %add3A_59 = arith.addf %add3A_52, %div3A_58 : vector<16xf32>
    %get3A_60 = arith.constant 64 : index
    %get3A_61 = tpu.vector_load %arg9[%get3A_60] {strides = array<i32>} : memref<128xf32, #tpu.memory_space<vmem>>, vector<16xf32>,
    %get3A_62 = arith.constant 64 : index
    %get3A_63 = tpu.vector_load %arg10[%get3A_62] {strides = array<i32>} : memref<128xf32, #tpu.memory_space<vmem>>, vector<16xf32>,
    %sub3A_64 = arith.subf %get3A_61, %get3A_63 : vector<16xf32>
    %div3A_65 = arith.divf %sub3A_64, %get3A_63 : vector<16xf32>
    %add3A_66 = arith.addf %add3A_59, %div3A_65 : vector<16xf32>
    %get3A_67 = arith.constant 80 : index
    %get3A_68 = tpu.vector_load %arg9[%get3A_67] {strides = array<i32>} : memref<128xf32, #tpu.memory_space<vmem>>, vector<16xf32>,
    %get3A_69 = arith.constant 80 : index
    %get3A_70 = tpu.vector_load %arg10[%get3A_69] {strides = array<i32>} : memref<128xf32, #tpu.memory_space<vmem>>, vector<16xf32>,
    %sub3A_71 = arith.subf %get3A_68, %get3A_70 : vector<16xf32>
    %div3A_72 = arith.divf %sub3A_71, %get3A_70 : vector<16xf32>
    %add3A_73 = arith.addf %add3A_66, %div3A_72 : vector<16xf32>
    %get3A_74 = arith.constant 96 : index
    %get3A_75 = tpu.vector_load %arg9[%get3A_74] {strides = array<i32>} : memref<128xf32, #tpu.memory_space<vmem>>, vector<16xf32>,
    %get3A_76 = arith.constant 96 : index
    %get3A_77 = tpu.vector_load %arg10[%get3A_76] {strides = array<i32>} : memref<128xf32, #tpu.memory_space<vmem>>, vector<16xf32>,
    %sub3A_78 = arith.subf %get3A_75, %get3A_77 : vector<16xf32>
    %div3A_79 = arith.divf %sub3A_78, %get3A_77 : vector<16xf32>
    %add3A_80 = arith.addf %add3A_73, %div3A_79 : vector<16xf32>
    %get3A_81 = arith.constant 112 : index
    %get3A_82 = tpu.vector_load %arg9[%get3A_81] {strides = array<i32>} : memref<128xf32, #tpu.memory_space<vmem>>, vector<16xf32>,
    %get3A_83 = arith.constant 112 : index
    %get3A_84 = tpu.vector_load %arg10[%get3A_83] {strides = array<i32>} : memref<128xf32, #tpu.memory_space<vmem>>, vector<16xf32>,
    %sub3A_85 = arith.subf %get3A_82, %get3A_84 : vector<16xf32>
    %div3A_86 = arith.divf %sub3A_85, %get3A_84 : vector<16xf32>
    %add3A_87 = arith.addf %add3A_80, %div3A_86 : vector<16xf32>
    %swap3A = arith.constant 0 : index
    %swap3A_88 = tpu.vector_load %arg11[%swap3A] {strides = array<i32>} : memref<16xf32, #tpu.memory_space<vmem>>, vector<16xf32>,
    tpu.vector_store %arg11[%swap3A], %add3A_87 {strides = array<i32>} : memref<16xf32, #tpu.memory_space<vmem>>, vector<16xf32>,
    "tpu.region"() ({
      %run_scoped3A = tpu.sem_alloc : memref<!tpu.dma_semaphore, #tpu.memory_space<semaphore_mem>>
      %dma_start3A_89 = arith.constant 0 : i32
      %dma_start3A_90 = tpu.memref_slice %arg4[%add3A, %dma_start3A_89] : memref<32x16xf32, #tpu.memory_space<hbm>> -> memref<1x16xf32, #tpu.memory_space<hbm>>
      %dma_start3A_91 = tpu.memref_squeeze %dma_start3A_90 : memref<1x16xf32, #tpu.memory_space<hbm>> -> memref<16xf32, #tpu.memory_space<hbm>>
      %dma_start3A_92 = arith.constant 0 : i32
      %dma_start3A_93 = tpu.memref_slice %arg4[%add3A, %dma_start3A_92] : memref<32x16xf32, #tpu.memory_space<hbm>> -> memref<1x16xf32, #tpu.memory_space<hbm>>
      %dma_start3A_94 = tpu.memref_squeeze %dma_start3A_93 : memref<1x16xf32, #tpu.memory_space<hbm>> -> memref<16xf32, #tpu.memory_space<hbm>>
      tpu.enqueue_dma source(%arg11 : memref<16xf32, #tpu.memory_space<vmem>>) target(%dma_start3A_94 : memref<16xf32, #tpu.memory_space<hbm>>) target_semaphore(%run_scoped3A : memref<!tpu.dma_semaphore, #tpu.memory_space<semaphore_mem>>)
      %dma_wait3A_95 = arith.constant 0 : i32
      %dma_wait3A_96 = tpu.memref_slice %arg4[%add3A, %dma_wait3A_95] : memref<32x16xf32, #tpu.memory_space<hbm>> -> memref<1x16xf32, #tpu.memory_space<hbm>>
      %dma_wait3A_97 = tpu.memref_squeeze %dma_wait3A_96 : memref<1x16xf32, #tpu.memory_space<hbm>> -> memref<16xf32, #tpu.memory_space<hbm>>
      %dma_wait3A_98 = arith.constant 0 : i32
      %dma_wait3A_99 = tpu.memref_slice %arg4[%add3A, %dma_wait3A_98] : memref<32x16xf32, #tpu.memory_space<hbm>> -> memref<1x16xf32, #tpu.memory_space<hbm>>
      %dma_wait3A_100 = tpu.memref_squeeze %dma_wait3A_99 : memref<1x16xf32, #tpu.memory_space<hbm>> -> memref<16xf32, #tpu.memory_space<hbm>>
      tpu.wait_dma2 semaphore(%run_scoped3A : memref<!tpu.dma_semaphore, #tpu.memory_space<semaphore_mem>>) src(%arg11 : memref<16xf32, #tpu.memory_space<vmem>>) dst(%dma_wait3A_100 : memref<16xf32, #tpu.memory_space<hbm>>)
      tpu.yield
    }) : () -> ()
    return
  }
}

module attributes {stable_mosaic.version = 14 : i64} {
  func.func @_tc_body(%arg0: i32, %arg1: memref<340x1024xf32, #tpu.memory_space<vmem>>, %arg2: memref<1x1024xi32, #tpu.memory_space<vmem>>, %arg3: memref<1x1xf32, #tpu.memory_space<smem>>) attributes {dimension_semantics = [#tpu.dimension_semantics<arbitrary>], iteration_bounds = array<i64: 12>, scalar_prefetch = 0 : i64, scratch_operands = 0 : i64, tpu.core_type = #tpu.core_type<tc>, window_params = [{transform_indices = @transform_0, window_bounds = array<i64: 340, 1024>}, {transform_indices = @transform_1, window_bounds = array<i64: 1, 1024>}, {transform_indices = @transform_2, window_bounds = array<i64: 1, 1>}]} {
    %get3A = arith.constant 0 : index
    %get3A_0 = arith.constant 0 : index
    %get3A_1 = vector.load %arg1[%get3A, %get3A_0] : memref<340x1024xf32, #tpu.memory_space<vmem>>, vector<340x1024xf32>
    %get3A_2 = arith.constant 0 : index
    %get3A_3 = arith.constant 0 : index
    %get3A_4 = vector.load %arg2[%get3A_2, %get3A_3] : memref<1x1024xi32, #tpu.memory_space<vmem>>, vector<1x1024xi32>
    %exp3A = math.exp %get3A_1 : vector<340x1024xf32>
    %reduce_sum3A = arith.constant dense<0.000000e+00> : vector<1024xf32>
    %reduce_sum3A_5 = vector.multi_reduction <add>, %exp3A, %reduce_sum3A [0] : vector<340x1024xf32> to vector<1024xf32>
    %iota3A = tpu.iota {dimensions = array<i32: 0>} : vector<340x1024xi32>
    %eq3A = vector.broadcast %get3A_4 : vector<1x1024xi32> to vector<340x1024xi32>
    %eq3A_6 = arith.cmpi eq, %iota3A, %eq3A : vector<340x1024xi32>
    %jit3A = arith.constant 0.000000e+00 : f32
    %broadcast_in_dim3A = vector.broadcast %jit3A : f32 to vector<340x1024xf32>
    %select_n3A = arith.select %eq3A_6, %get3A_1, %broadcast_in_dim3A : vector<340x1024xi1>, vector<340x1024xf32>
    %reduce_sum3A_7 = arith.constant dense<0.000000e+00> : vector<1024xf32>
    %reduce_sum3A_8 = vector.multi_reduction <add>, %select_n3A, %reduce_sum3A_7 [0] : vector<340x1024xf32> to vector<1024xf32>
    %neg3A = arith.constant 0.000000e+00 : f32
    %neg3A_9 = vector.broadcast %neg3A : f32 to vector<1024xf32>
    %neg3A_10 = arith.subf %neg3A_9, %reduce_sum3A_8 : vector<1024xf32>
    %exp3A_11 = math.exp %neg3A_10 : vector<1024xf32>
    %exp3A_12 = math.exp %reduce_sum3A_8 : vector<1024xf32>
    %sub3A = arith.subf %reduce_sum3A_5, %exp3A_12 : vector<1024xf32>
    %mul3A = arith.mulf %exp3A_11, %sub3A : vector<1024xf32>
    %reduce_sum3A_13 = vector.shape_cast %mul3A : vector<1024xf32> to vector<1x1024xf32>
    %reduce_sum3A_14 = arith.constant dense<0.000000e+00> : vector<1xf32>
    %reduce_sum3A_15 = vector.multi_reduction <add>, %reduce_sum3A_13, %reduce_sum3A_14 [1] : vector<1x1024xf32> to vector<1xf32>
    %reduce_sum3A_16 = vector.shape_cast %reduce_sum3A_15 : vector<1xf32> to vector<1x1xf32>
    %reduce_sum3A_17 = vector.extract %reduce_sum3A_16[0, 0] : f32 from vector<1x1xf32>
    %eq3A_18 = arith.constant 0 : i32
    %eq3A_19 = arith.cmpi eq, %arg0, %eq3A_18 : i32
    %convert_element_type3A = arith.extui %eq3A_19 : i1 to i32
    %cond3A = arith.constant 0 : i32
    %cond3A_20 = arith.cmpi ne, %convert_element_type3A, %cond3A : i32
    scf.if %cond3A_20 {
      %swap3A_26 = arith.constant 0.000000e+00 : f32
      %swap3A_27 = arith.constant 0 : index
      %swap3A_28 = arith.constant 0 : index
      %swap3A_29 = memref.load %arg3[%swap3A_27, %swap3A_28] : memref<1x1xf32, #tpu.memory_space<smem>>
      memref.store %swap3A_26, %arg3[%swap3A_27, %swap3A_28] : memref<1x1xf32, #tpu.memory_space<smem>>
    } else {
    }
    %get3A_21 = arith.constant 0 : index
    %get3A_22 = arith.constant 0 : index
    %get3A_23 = memref.load %arg3[%get3A_21, %get3A_22] : memref<1x1xf32, #tpu.memory_space<smem>>
    %add3A = arith.addf %get3A_23, %reduce_sum3A_17 : f32
    %swap3A = arith.constant 0 : index
    %swap3A_24 = arith.constant 0 : index
    %swap3A_25 = memref.load %arg3[%swap3A, %swap3A_24] : memref<1x1xf32, #tpu.memory_space<smem>>
    memref.store %add3A, %arg3[%swap3A, %swap3A_24] : memref<1x1xf32, #tpu.memory_space<smem>>
    return
  }
  func.func @transform_0(%arg0: i32) -> (i32, i32) {
    %add3A = arith.constant 4 : i32
    %add3A_0 = arith.addi %add3A, %arg0 : i32
    %c0_i32 = arith.constant 0 : i32
    %c0_i32_1 = arith.constant 0 : i32
    return %c0_i32, %add3A_0 : i32, i32
  }
  func.func @transform_1(%arg0: i32) -> (i32, i32) {
    %add3A = arith.constant 4 : i32
    %add3A_0 = arith.addi %add3A, %arg0 : i32
    %c0_i32 = arith.constant 0 : i32
    %c0_i32_1 = arith.constant 0 : i32
    return %c0_i32, %add3A_0 : i32, i32
  }
  func.func @transform_2(%arg0: i32) -> (i32, i32) {
    %c0_i32 = arith.constant 0 : i32
    %c0_i32_0 = arith.constant 0 : i32
    %c0_i32_1 = arith.constant 0 : i32
    return %c0_i32, %c0_i32_0 : i32, i32
  }
}

</mosaic_0001>

<sc_bundles>
// kernel: kernel.4.cloned.1.call-start
scs
__scs_entry_jumppad:
0x0: {  	(pc) =	sbr.rel $0x88, $3  }
0x1: {  	(tag) =	ssettag $0x0;
	lr =	simm.s32 $0x1  }
0x2: {  	[smem:$0x3F9F] =	sst lr;
	_ =	strace $0xD0000000  }
0x3: {  	_ = 	snop  }
0x4: {  	_ = 	snop  }
0x5: {  	_ = 	snop  }
0x6: {  	_ = 	snop  }
0x7: {  	_ = 	snop  }
__scs_overlays_trampoline_lowered:
0x8: {  	[smem:$0x3FAE] =	sst s0  }
0x9: {  	[smem:$0x3FAF] =	sst s1  }
0xa: {  	[smem:$0x3FB0] =	sst s2  }
0xb: {  	[smem:$0x3FB1] =	sst s3  }
0xc: {  	[smem:$0x3FB2] =	sst s4  }
0xd: {  	[smem:$0x3FB3] =	sst s5  }
0xe: {  	[smem:$0x3FB4] =	sst s6  }
0xf: {  	[smem:$0x3FB5] =	sst s7  }
0x10: {  	[smem:$0x3FB6] =	sst s8  }
0x11: {  	[smem:$0x3FB7] =	sst s9;
	s0 =	simm.s32 @!p0 $0x0  }
0x12: {  	s1 =	sld [smem:$0x3F9D];
	s0 =	simm.s32 @p0 $0x1  }
0x13: {  	[smem:$0x3FB8] =	sst s0;
	s0 =	simm.s32 @!p1 $0x0  }
0x14: {  	s2 =	sld [smem:$0x3F9C];
	s0 =	simm.s32 @p1 $0x1  }
0x15: {  	[smem:$0x3FB9] =	sst s0;
	s0 =	simm.s32 @!p2 $0x0  }
0x16: {  	s3 =	sld [smem:$0x3FDB];
	s0 =	simm.s32 @p2 $0x1  }
0x17: {  	s4 =	simm.s32 $0x1BF5;
	[smem:$0x3FBB] =	sst s0  }
0x18: {  	s0 =	sld [smem:$0x3F9E];
	_ =	swait.ge [sflag:s4], $0x0  }
0x19: {  	s7 =	sld [smem:$0x3F9F]  }
0x1a: {  	s8 =	sadd.s32 $0xFFFFE003, lr  }
0x1b: {  	s9 =	sadd.s32 $0xFFFFFEF7, lr;
	s5 =	simm.s32 $0xFFFFFFFF;
	p2 =	slt.u32 s8, $0xFFFFF086  }
0x1c: {  	p1 =	slt.u32 s9, $0xF7A;
	s5 =	simm.s32 @!p2 $0x0  }
0x1d: {  	s5 =	simm.s32 @p1 $0x1;
	p0 =	seq.s32 s7, s2  }
0x1e: {  	s7 =	smul.u32 @!p0 $0xF7A, s2;
	p2 =	seq.s32 @!p0 s5, $0x0  }
0x1f: {  	s9 =	smul.u32 $0xF7A, s1;
	s8 =	simm.s32 @!p0 $0x1BF5;
	p2 =	por !p2, p0  }
0x20: {  	[sflag:s8] =	ssyncset.s32 @!p0 $0xFFFFF086;
	s6 =	sadd.s32 @!p0 s3, s7;
	s7 =	simm.s32 @!p0 $0x108  }
0x21: {  	s3 =	sadd.s32 s3, s9;
	s6 =	sadd.s32 @!p0 $0x88, s6;
	s7 =	simm.s32 @p2 $0x1082  }
0x22: {  	[simem:s7], [sflag:s8] =	dma.local @!p0 [hbm:s6], $0xF7A  }
0x23: {  	s9 =	sor.u32 $0xD0000000, s2;
	s6 =	simm.s32 $0x108;
	_ =	swait.ge @!p0 [sflag:s8], $0x0  }
0x24: {  	s3 =	sadd.s32 $0x88, s3;
	s6 =	simm.s32 @!p1 $0x1082;
	[sflag:s4] =	ssyncset.s32 $0xFFFFF086  }
0x25: {  	[simem:s6], [sflag:s4] =	dma.local [hbm:s3], $0xF7A  }
0x26: {  	[smem:$0x3F9F] =	sst s1;
	(tag) =	ssettag s2;
	_ =	strace s9  }
0x27: {  	s1 =	sld [smem:$0x3FAF]  }
0x28: {  	s2 =	sld [smem:$0x3FB0]  }
0x29: {  	s4 =	sld [smem:$0x3FB2]  }
0x2a: {  	p0 =	seq.s32 s5, $0x0;
	s5 =	sld [smem:$0x3FB3]  }
0x2b: {  	s6 =	sld [smem:$0x3FB4]  }
0x2c: {  	s7 =	sld [smem:$0x3FB5]  }
0x2d: {  	s3 =	simm.s32 $0x108;
	s8 =	sld [smem:$0x3FB6]  }
0x2e: {  	s3 =	simm.s32 @!p0 $0x1082;
	s9 =	sld [smem:$0x3FB7]  }
0x2f: {  	lr =	sadd.s32 s0, s3;
	s0 =	sld [smem:$0x3FAE]  }
0x30: {  	s3 =	sld [smem:$0x3FB1]  }
0x31: {  	[smem:$0x3FBA] =	sst s10  }
0x32: {  	s10 =	sld [smem:$0x3FB8];
	_ =	sdelay $0x3  }
0x33: {  	p0 =	seq.s32 s10, $0x1;
	s10 =	sld [smem:$0x3FBA];
	_ =	sdelay $0x3  }
0x34: {  	[smem:$0x3FBA] =	sst s10  }
0x35: {  	s10 =	sld [smem:$0x3FB9];
	_ =	sdelay $0x3  }
0x36: {  	p1 =	seq.s32 s10, $0x1;
	s10 =	sld [smem:$0x3FBA];
	_ =	sdelay $0x3  }
0x37: {  	[smem:$0x3FBA] =	sst s10  }
0x38: {  	s10 =	sld [smem:$0x3FBB]  }
0x39: {  	_ = 	snop;
	(pc) =	sbr.ind lr, $3  }
0x3a: {  	_ = 	snop  }
0x3b: {  	_ = 	snop  }
0x3c: {  	p2 =	seq.s32 s10, $0x1;
	s10 =	sld [smem:$0x3FBA]  }
0x3d: {  	_ =	shalt  }
0x3e: {  	_ =	shalt  }
0x3f: {  	_ =	shalt  }
0x40: {  	_ =	shalt  }
0x41: {  	_ =	shalt  }
0x42: {  	_ =	shalt  }
0x43: {  	_ =	shalt  }
0x44: {  	_ =	shalt  }
0x45: {  	_ =	shalt  }
0x46: {  	_ =	shalt  }
0x47: {  	_ =	shalt  }
0x48: {  	_ =	shalt  }
0x49: {  	_ =	shalt  }
0x4a: {  	_ =	shalt  }
0x4b: {  	_ =	shalt  }
0x4c: {  	_ =	shalt  }
0x4d: {  	_ =	shalt  }
0x4e: {  	_ =	shalt  }
0x4f: {  	_ =	shalt  }
0x50: {  	_ =	shalt  }
0x51: {  	_ =	shalt  }
0x52: {  	_ =	shalt  }
0x53: {  	_ =	shalt  }
0x54: {  	_ =	shalt  }
0x55: {  	_ =	shalt  }
0x56: {  	_ =	shalt  }
0x57: {  	_ =	shalt  }
0x58: {  	_ =	shalt  }
0x59: {  	_ =	shalt  }
0x5a: {  	_ =	shalt  }
0x5b: {  	_ =	shalt  }
0x5c: {  	_ =	shalt  }
0x5d: {  	_ =	shalt  }
0x5e: {  	_ =	shalt  }
0x5f: {  	_ =	shalt  }
0x60: {  	_ =	shalt  }
0x61: {  	_ =	shalt  }
0x62: {  	_ =	shalt  }
0x63: {  	_ =	shalt  }
0x64: {  	_ =	shalt  }
0x65: {  	_ =	shalt  }
0x66: {  	_ =	shalt  }
0x67: {  	_ =	shalt  }
0x68: {  	_ =	shalt  }
0x69: {  	_ =	shalt  }
0x6a: {  	_ =	shalt  }
0x6b: {  	_ =	shalt  }
0x6c: {  	_ =	shalt  }
0x6d: {  	_ =	shalt  }
0x6e: {  	_ =	shalt  }
0x6f: {  	_ =	shalt  }
0x70: {  	_ =	shalt  }
0x71: {  	_ =	shalt  }
0x72: {  	_ =	shalt  }
0x73: {  	_ =	shalt  }
0x74: {  	_ =	shalt  }
0x75: {  	_ =	shalt  }
0x76: {  	_ =	shalt  }
0x77: {  	_ =	shalt  }
0x78: {  	_ =	shalt  }
0x79: {  	_ =	shalt  }
0x7a: {  	_ =	shalt  }
0x7b: {  	_ =	shalt  }
0x7c: {  	_ =	shalt  }
0x7d: {  	_ =	shalt  }
0x7e: {  	_ =	shalt  }
0x7f: {  	_ =	shalt  }
0x80: {  	_ =	shalt  }
0x81: {  	_ =	shalt  }
0x82: {  	_ =	shalt  }
0x83: {  	_ =	shalt  }
0x84: {  	_ =	shalt  }
0x85: {  	_ =	shalt  }
0x86: {  	_ =	shalt  }
0x87: {  	_ =	shalt  }
.Lfunc_end0:
.L_simem_size_0:
called_computation_lowered:
.L_overlay_start_0:
0x88: {  	s2 =	sld [smem:$0x3FD9]  }
0x89: {  	s3 =	sld [smem:$0x3FFE];
	_ =	sdelay $0x1  }
0x8a: {  	s1 =	srdreg.scid  }
0x8b: {  	s0 =	sand.u32 $0x1, s1  }
0x8c: {  	s17 =	sshll.u32 s0, $0xA;
	s2 =	sadd.s32 s3, s2  }
0x8d: {  	s2 =	sadd.s32 s2, s17  }
0x8e: {  	[smem:$0x3FC6] =	sst s2  }
0x8f: {  	_ = 	snop  }
0x90: {  	s2 =	sld [smem:$0x3FC9]  }
0x91: {  	s18 =	sld [smem:$0x3FC8];
	(tm) =	ssettm $0x1  }
0x92: {  	s4 =	sld [smem:$0x3FFB];
	_ =	sdelay $0x3  }
0x93: {  	_ =	strace s4  }
0x94: {  	s4 =	sld [smem:$0x3FFC];
	_ =	sdelay $0x3  }
0x95: {  	_ =	strace s4  }
0x96: {  	s4 =	sld [smem:$0x3FFD];
	_ =	sdelay $0x3  }
0x97: {  	_ =	strace s4  }
0x98: {  	_ =	strace $0x8FFFFFFF  }
0x99: {  	s19 =	sld [smem:$0x3FDB];
	_ =	sdelay $0x1  }
0x9a: {  	s5 =	simm.s32 $_scs_section_size  }
0x9b: {  	s6 =	simm.s32 $_size__tile_overlayer_lowered;
	s7 =	simm.s32 $_tile_overlayer_lowered  }
0x9c: {  	s22 =	simm.s32 $0x1BFF;
	s21 =	sshll.u32 s7, $0x1;
	s4 =	sadd.s32 s5, s19  }
0x9d: {  	s8 =	simm.s32 $0x0;
	s20 =	sshll.u32 s6, $0x1;
	s6 =	sadd.s32 s21, s4  }
0x9e: {  	[timem:s8], [sflag:s22] =	dma.local [hbm:s6], s20  }
0x9f: {  	_ =	swait.ge [sflag:s22], s20  }
0xa0: {  	s5 =	ssub.s32 $0x0, s20;
	[sflag:s22] =	ssyncset.done $0x0  }
0xa1: {  	[sflag:s22] =	ssyncadd.s32 s5;
	_ =	sdelay $0x1  }
0xa2: {  	s23 =	simm.s32 $0x1B8B  }
0xa3: {  	_ =	swait.ge [sflag:s23], $0x1  }
0xa4: {  	[sflag:s23] =	ssyncset.done $0x0  }
0xa5: {  	s25 =	simm.s32 $0x1B8E;
	s24 =	sld [smem:$0x3FFE];
	[sflag:s23] =	ssyncadd.s32 $0xFFFFFFFF  }
0xa6: {  	s26 =	simm.s32 $execute0_lowered;
	[smem:$0x3FD2] =	sst s25  }
0xa7: {  	s6 =	sshll.u32 s26, $0x1;
	_ =	strace $0x80000046;
	[dreg:$0x1] =	wrdreg $0xFFFFFFFF  }
0xa8: {  	s28 =	simm.s32 $_size_execute0_lowered;
	s4 =	sadd.s32 s4, s6;
	[dreg:$0x0] =	wrdreg $0x0  }
0xa9: {  	s6 =	sshll.u32 s28, $0x1;
	[dreg:$0x2] =	wrdreg s4  }
0xaa: {  	[dreg:$0x3] =	wrdreg s6  }
0xab: {  	[dreg:$0x4] =	wrdreg $0xC0  }
0xac: {  	_ =	task [dreg:s8], $0x5FFFF  }
0xad: {  	[dreg:$0x1] =	wrdreg $0xFFFFFFFF  }
0xae: {  	[dreg:$0x0] =	wrdreg $0x60  }
0xaf: {  	[dreg:$0x2] =	wrdreg s2  }
0xb0: {  	[dreg:$0x3] =	wrdreg s18  }
0xb1: {  	[dreg:$0x4] =	wrdreg s24  }
0xb2: {  	[dreg:$0x5] =	wrdreg $0x9  }
0xb3: {  	_ =	task.clear_ibuf [dreg:s8], $0x6FFFF;
	_ =	strace $0x90000046  }
0xb4: {  	s29 =	simm.s32 $0x9;
	_ =	strace $0x80000048  }
0xb5: {  	_ =	swait.ge [sflag:s29], $0x1  }
0xb6: {  	[sflag:s29] =	ssyncadd.s32 $0xFFFFFFFF  }
0xb7: {  	_ =	strace $0x90000048  }
0xb8: {  	_ =	sfence  }
0xb9: {  	s30 =	sld [smem:$0x0];
	_ =	sdelay $0x2  }
0xba: {  	s31 =	sshll.u32 s1, $0xD;
	s1 =	sshrl.u32 s1, $0x2  }
0xbb: {  	s3 =	sand.u32 $0x4000, s31;
	s1 =	sadd.s32 s1, s30  }
0xbc: {  	s0 =	sor.u32 s3, s0;
	s1 =	sshll.u32 s1, $0x11  }
0xbd: {  	s0 =	sor.u32 s1, s0  }
0xbe: {  	s0 =	sadd.s32 $0x8F2B, s0  }
0xbf: {  	[sflag:s0] =	ssyncadd.remote.s32 $0x1  }
0xc0: {  	_ =	sfence.sel $0xFFFF  }
0xc1: {  	[dreg:$0x0] =	wrdreg $0xFFFFFFFF;
	(pc) =	sbr.abs _section_cstart, $3  }
0xc2: {  	[dreg:$0x1] =	wrdreg $0xFFFFFFFF  }
0xc3: {  	_ =	task.clear_ibuf [dreg:s8], $0x2FFFF;
	_ =	strace $0x9FFFFFFF  }
0xc4: {  	(tm) =	ssettm $0x7FFFFFFF  }
0xc5: {  	_ =	shalt  }
tec
execute0_lowered:
.L_overlay_start_1:
0x0: {  	(tag) =	ssettag $0x1  }
0x1: {  	s1 =	rddreg [dreg:$0x0]  }
0x2: {  	s4 =	rddreg [dreg:$0x1]  }
0x3: {  	s5 =	rddreg [dreg:$0x2]  }
0x4: {  	s0 =	rddreg [dreg:$0x3]  }
0x5: {  	s6 =	srdreg.scid;
	s2 =	stileid.u32  }
0x6: {  	s3 =	simm.s32 $0x0;
	s12 =	simm.s32 $0x3;
	s13 =	simm.s32 $0x400  }
0x7: {  	s14 =	simm.s32 $0x20000;
	s15 =	simm.s32 $0x2000;
	s16 =	simm.s32 $0x1  }
0x8: {  	s17 =	simm.s32 $0x2;
	s18 =	simm.s32 $0x4000;
	s19 =	simm.s32 $0x4800  }
0x9: {  	s20 =	simm.s32 $0x4D80;
	s6 =	sand.u32 $0x1, s6;
	s7 =	sshll.u32 s2, $0x1  }
0xa: {  	s21 =	simm.s32 $0x0;
	[smem:$0x7FF] =	sst s3;
	s7 =	sor.u32 s6, s7  }
0xb: {  	s6 =	ssub.s32 $0x2, s6;
	_ =	strace $0x80000047;
	s8 =	sshll.u32 s7, $0x4  }
0xc: {  	s9 =	sshrl.u32 s6, $0x1;
	s31 =	sshll.u32 s7, $0x7;
	s10 =	sadd.s32 s8, s5  }
0xd: {  	s11 =	ssub.s32 s6, s9;
	s5 =	sshll.u32 s7, $0xA;
	s6 =	sadd.s32 s1, s31  }
0xe: {  	s4 =	sadd.s32 s4, s8;
	s7 =	sor.u32 $0x200000, s5;
	s8 =	sadd.s32 $0xA0000, s6  }
0xf: {  	v0 =	vimm.f32 $0.0e+00;
	v1 =	vlaneseq.u32;
	s9 =	sadd.s32 $0x400, s10;
	s10 =	smax.u32 s11, $0x1;
	s11 =	simm.s32 $0x4C00  }
.LBB2_1:
0x10: {  	[tilespmem:s11], [sflag:$0x3] =	stream.linear.gather [hbm4b:s4+s3], $0x80, $0x38;
	[tilespmem:$0x4E00] =	vst v63  }
0x11: {  	_ =	swait.ge [sflag:s12], $0x80  }
0x12: {  	[sflag:s12] =	ssyncset.done $0x0  }
0x13: {  	[sflag:s12] =	ssyncadd.s32 $0xFFFFFF80  }
0x14: {  	[tilespmem:$0x4C80] =	vst v0  }
0x15: {  	[tilespmem:$0x4D00] =	vst v0  }
0x16: {  	[tilespmem:$0x4C90] =	vst v0  }
0x17: {  	[tilespmem:$0x4D10] =	vst v0  }
0x18: {  	[tilespmem:$0x4CA0] =	vst v0  }
0x19: {  	[tilespmem:$0x4D20] =	vst v0  }
0x1a: {  	[tilespmem:$0x4CB0] =	vst v0  }
0x1b: {  	[tilespmem:$0x4D30] =	vst v0  }
0x1c: {  	[tilespmem:$0x4CC0] =	vst v0  }
0x1d: {  	[tilespmem:$0x4D40] =	vst v0  }
0x1e: {  	[tilespmem:$0x4CD0] =	vst v0  }
0x1f: {  	[tilespmem:$0x4D50] =	vst v0  }
0x20: {  	[tilespmem:$0x4CE0] =	vst v0  }
0x21: {  	[tilespmem:$0x4D60] =	vst v0  }
0x22: {  	[tilespmem:$0x4CF0] =	vst v0  }
0x23: {  	p1 =	por $0x1, $0x1;
	s23 =	simm.s32 $0x0;
	[tilespmem:$0x4D70] =	vst v0  }
0x24: {  	[tilespmem:s3], [sflag:$0x1] =	stream.strided.gather [hbm4b:s6+s13], $0x2000, s14, s13, $0x38;
	[tilespmem:$0x4E00] =	vst v63  }
.LBB2_2:
0x25: {  	s25 =	sshll.u32 s23, $0x7  }
0x26: {  	s22 =	sor.u32 $0x40, s25  }
0x27: {  	s24 =	sshll.u32 s22, $0xE  }
0x28: {  	s24 =	sor.u32 s5, s24  }
0x29: {  	s24 =	sshrl.u32 s24, $0x3  }
0x2a: {  	s24 =	sadd.s32 s1, s24  }
0x2b: {  	[tilespmem:s15], [sflag:$0x2] =	stream.strided.gather [hbm4b:s24+s13], $0x2000, s14, s13, $0x38;
	[tilespmem:$0x4E00] =	vst v63  }
0x2c: {  	_ =	swait.ge [sflag:s16], $0x2000  }
0x2d: {  	[sflag:s16] =	ssyncset.done $0x0  }
0x2e: {  	s31 =	simm.s32 $0x1000;
	[sflag:s16] =	ssyncadd.s32 $0xFFFFE000  }
0x2f: {  	v2 =	vld [tilespmem:s31+$0xFFFFF000]  }
0x30: {  	v3 =	vld [tilespmem:s31+$0xFFFFF080]  }
0x31: {  	v4 =	vld [tilespmem:s31+$0xFFFFF100]  }
0x32: {  	v5 =	vld [tilespmem:s31+$0xFFFFF180]  }
0x33: {  	v6 =	vld [tilespmem:s31+$0xFFFFF200]  }
0x34: {  	v7 =	vld [tilespmem:s31+$0xFFFFF280]  }
0x35: {  	v8 =	vld [tilespmem:s31+$0xFFFFF300];
	v2 =	vmul.f32 $1.442695020e+00, v2  }
0x36: {  	v9 =	vld [tilespmem:s31+$0xFFFFF380];
	v3 =	vmul.f32 $1.442695020e+00, v3;
	v4 =	vmul.f32 $1.442695020e+00, v4  }
0x37: {  	(erf) = vpow2.f32 v2;
	v2 =	vmul.f32 $1.442695020e+00, v5;
	v5 =	vld [tilespmem:s31+$0xFFFFF400]  }
0x38: {  	(erf) = vpow2.f32 v3;
	v3 =	vmul.f32 $1.442695020e+00, v6;
	v6 =	vld [tilespmem:s31+$0xFFFFF480]  }
0x39: {  	(erf) = vpow2.f32 v4;
	v4 =	vmul.f32 $1.442695020e+00, v7;
	v7 =	vld [tilespmem:s31+$0xFFFFF500]  }
0x3a: {  	(erf) = vpow2.f32 v2;
	v2 =	vmul.f32 $1.442695020e+00, v8;
	v8 =	vld [tilespmem:s31+$0xFFFFF580]  }
0x3b: {  	(erf) = vpow2.f32 v3;
	v3 =	vmul.f32 $1.442695020e+00, v9;
	v9 =	vld [tilespmem:s31+$0xFFFFF600]  }
0x3c: {  	(erf) = vpow2.f32 v4;
	v4 =	vmul.f32 $1.442695020e+00, v5;
	v5 =	vld [tilespmem:s31+$0xFFFFF680]  }
0x3d: {  	(erf) = vpow2.f32 v2;
	v2 =	vmul.f32 $1.442695020e+00, v6;
	v6 =	vld [tilespmem:s31+$0xFFFFF700]  }
0x3e: {  	(erf) = vpow2.f32 v3;
	v3 =	vmul.f32 $1.442695020e+00, v7;
	v7 =	vld [tilespmem:s31+$0xFFFFF780]  }
0x3f: {  	(erf) = vpow2.f32 v4;
	v4 =	vmul.f32 $1.442695020e+00, v8;
	v8 =	vld [tilespmem:s31+$0xFFFFF800]  }
0x40: {  	v10 =	vpop (erf);
	(erf) = vpow2.f32 v2;
	v2 =	vmul.f32 $1.442695020e+00, v9;
	v9 =	vld [tilespmem:s31+$0xFFFFF880]  }
0x41: {  	v11 =	vpop (erf);
	(erf) = vpow2.f32 v3;
	v3 =	vmul.f32 $1.442695020e+00, v5;
	v5 =	vld [tilespmem:s31+$0xFFFFF900]  }
0x42: {  	v12 =	vpop (erf);
	(erf) = vpow2.f32 v4;
	v4 =	vmul.f32 $1.442695020e+00, v6;
	v6 =	vld [tilespmem:s31+$0xFFFFF980]  }
0x43: {  	v13 =	vpop (erf);
	(erf) = vpow2.f32 v2;
	v2 =	vmul.f32 $1.442695020e+00, v7;
	v7 =	vld [tilespmem:s31+$0xFFFFFA00]  }
0x44: {  	v14 =	vpop (erf);
	(erf) = vpow2.f32 v3;
	v3 =	vmul.f32 $1.442695020e+00, v8;
	v8 =	vld [tilespmem:s31+$0xFFFFFA80]  }
0x45: {  	v15 =	vpop (erf);
	(erf) = vpow2.f32 v4;
	v4 =	vmul.f32 $1.442695020e+00, v9;
	v9 =	vld [tilespmem:s31+$0xFFFFFB00]  }
0x46: {  	v16 =	vpop (erf);
	(erf) = vpow2.f32 v2;
	v2 =	vmul.f32 $1.442695020e+00, v5;
	v5 =	vld [tilespmem:s31+$0xFFFFFB80]  }
0x47: {  	v17 =	vpop (erf);
	(erf) = vpow2.f32 v3;
	v3 =	vmul.f32 $1.442695020e+00, v6;
	v6 =	vld [tilespmem:s31+$0xFFFFFC00]  }
0x48: {  	v18 =	vpop (erf);
	(erf) = vpow2.f32 v4;
	v4 =	vmul.f32 $1.442695020e+00, v7;
	v7 =	vld [tilespmem:s31+$0xFFFFFC80]  }
0x49: {  	v19 =	vpop (erf);
	(erf) = vpow2.f32 v2;
	v2 =	vmul.f32 $1.442695020e+00, v8;
	v8 =	vld [tilespmem:s31+$0xFFFFFD00]  }
0x4a: {  	v20 =	vpop (erf);
	(erf) = vpow2.f32 v3;
	v3 =	vmul.f32 $1.442695020e+00, v9;
	v9 =	vld [tilespmem:s31+$0xFFFFFD80]  }
0x4b: {  	v21 =	vpop (erf);
	(erf) = vpow2.f32 v4;
	v4 =	vmul.f32 $1.442695020e+00, v5;
	v5 =	vld [tilespmem:s31+$0xFFFFFE00]  }
0x4c: {  	v22 =	vpop (erf);
	(erf) = vpow2.f32 v2;
	v2 =	vmul.f32 $1.442695020e+00, v6;
	v6 =	vld [tilespmem:s31+$0xFFFFFE80]  }
0x4d: {  	v23 =	vpop (erf);
	(erf) = vpow2.f32 v3;
	v3 =	vmul.f32 $1.442695020e+00, v7;
	v7 =	vld [tilespmem:s31+$0xFFFFFF00]  }
0x4e: {  	v24 =	vpop (erf);
	(erf) = vpow2.f32 v4;
	v4 =	vmul.f32 $1.442695020e+00, v8;
	v8 =	vld [tilespmem:s31+$0xFFFFFF80]  }
0x4f: {  	v25 =	vpop (erf);
	(erf) = vpow2.f32 v2;
	v2 =	vmul.f32 $1.442695020e+00, v9;
	v9 =	vld [tilespmem:s31+$0x0]  }
0x50: {  	v26 =	vpop (erf);
	(erf) = vpow2.f32 v3;
	v3 =	vmul.f32 $1.442695020e+00, v5;
	v5 =	vld [tilespmem:s31+$0x80]  }
0x51: {  	v27 =	vpop (erf);
	(erf) = vpow2.f32 v4;
	v4 =	vmul.f32 $1.442695020e+00, v6;
	v6 =	vld [tilespmem:s31+$0x100]  }
0x52: {  	v28 =	vpop (erf);
	(erf) = vpow2.f32 v2;
	v2 =	vmul.f32 $1.442695020e+00, v7;
	v7 =	vld [tilespmem:s31+$0x180]  }
0x53: {  	v29 =	vpop (erf);
	(erf) = vpow2.f32 v3;
	v3 =	vmul.f32 $1.442695020e+00, v8;
	v8 =	vld [tilespmem:s31+$0x200]  }
0x54: {  	v30 =	vpop (erf);
	(erf) = vpow2.f32 v4;
	v4 =	vmul.f32 $1.442695020e+00, v9;
	v9 =	vld [tilespmem:s31+$0x280]  }
0x55: {  	v31 =	vpop (erf);
	(erf) = vpow2.f32 v2;
	v2 =	vmul.f32 $1.442695020e+00, v5;
	v5 =	vld [tilespmem:s31+$0x300]  }
0x56: {  	v32 =	vpop (erf);
	(erf) = vpow2.f32 v3;
	v3 =	vmul.f32 $1.442695020e+00, v6;
	v6 =	vld [tilespmem:s31+$0x380]  }
0x57: {  	v33 =	vpop (erf);
	(erf) = vpow2.f32 v4;
	v4 =	vmul.f32 $1.442695020e+00, v7;
	v7 =	vld [tilespmem:s31+$0x400]  }
0x58: {  	v34 =	vpop (erf);
	(erf) = vpow2.f32 v2;
	v2 =	vmul.f32 $1.442695020e+00, v8;
	v8 =	vld [tilespmem:s31+$0x480]  }
0x59: {  	v35 =	vpop (erf);
	(erf) = vpow2.f32 v3;
	v3 =	vmul.f32 $1.442695020e+00, v9;
	v9 =	vld [tilespmem:s31+$0x500]  }
0x5a: {  	v36 =	vpop (erf);
	(erf) = vpow2.f32 v4;
	v4 =	vmul.f32 $1.442695020e+00, v5;
	v5 =	vld [tilespmem:s31+$0x580]  }
0x5b: {  	v37 =	vpop (erf);
	(erf) = vpow2.f32 v2;
	v2 =	vmul.f32 $1.442695020e+00, v6;
	v6 =	vld [tilespmem:s31+$0x600]  }
0x5c: {  	v10 =	vadd.f32 v11, v10;
	v38 =	vpop (erf);
	(erf) = vpow2.f32 v3;
	v3 =	vmul.f32 $1.442695020e+00, v7;
	v7 =	vld [tilespmem:s31+$0x680]  }
0x5d: {  	v12 =	vadd.f32 v13, v12;
	v11 =	vpop (erf);
	(erf) = vpow2.f32 v4;
	v4 =	vmul.f32 $1.442695020e+00, v8;
	v8 =	vld [tilespmem:s31+$0x700]  }
0x5e: {  	v16 =	vadd.f32 v17, v16;
	v13 =	vpop (erf);
	(erf) = vpow2.f32 v2;
	v2 =	vmul.f32 $1.442695020e+00, v9;
	v9 =	vld [tilespmem:s31+$0x780]  }
0x5f: {  	v14 =	vadd.f32 v15, v14;
	v15 =	vpop (erf);
	(erf) = vpow2.f32 v3;
	v3 =	vmul.f32 $1.442695020e+00, v5;
	v5 =	vld [tilespmem:s31+$0x800]  }
0x60: {  	v10 =	vadd.f32 v12, v10;
	v17 =	vpop (erf);
	(erf) = vpow2.f32 v4;
	v4 =	vmul.f32 $1.442695020e+00, v6;
	v6 =	vld [tilespmem:s31+$0x880]  }
0x61: {  	v14 =	vadd.f32 v16, v14;
	v12 =	vpop (erf);
	(erf) = vpow2.f32 v2;
	v2 =	vmul.f32 $1.442695020e+00, v7;
	v7 =	vld [tilespmem:s31+$0x900]  }
0x62: {  	v18 =	vadd.f32 v19, v18;
	v16 =	vpop (erf);
	(erf) = vpow2.f32 v3;
	v3 =	vmul.f32 $1.442695020e+00, v8;
	v8 =	vld [tilespmem:s31+$0x980]  }
0x63: {  	v20 =	vadd.f32 v21, v20;
	v19 =	vpop (erf);
	(erf) = vpow2.f32 v4;
	v4 =	vmul.f32 $1.442695020e+00, v9;
	v9 =	vld [tilespmem:s31+$0xA00]  }
0x64: {  	v24 =	vadd.f32 v25, v24;
	v21 =	vpop (erf);
	(erf) = vpow2.f32 v2;
	v2 =	vmul.f32 $1.442695020e+00, v5;
	v5 =	vld [tilespmem:s31+$0xA80]  }
0x65: {  	v22 =	vadd.f32 v23, v22;
	v23 =	vpop (erf);
	(erf) = vpow2.f32 v3;
	v3 =	vmul.f32 $1.442695020e+00, v6;
	v6 =	vld [tilespmem:s31+$0xB00]  }
0x66: {  	v18 =	vadd.f32 v20, v18;
	v25 =	vpop (erf);
	(erf) = vpow2.f32 v4;
	v4 =	vmul.f32 $1.442695020e+00, v7;
	v7 =	vld [tilespmem:s31+$0xB80]  }
0x67: {  	v22 =	vadd.f32 v24, v22;
	v20 =	vpop (erf);
	(erf) = vpow2.f32 v2;
	v2 =	vmul.f32 $1.442695020e+00, v8;
	v8 =	vld [tilespmem:s31+$0xC00]  }
0x68: {  	v26 =	vadd.f32 v27, v26;
	v24 =	vpop (erf);
	(erf) = vpow2.f32 v3;
	v3 =	vmul.f32 $1.442695020e+00, v9;
	v9 =	vld [tilespmem:s31+$0xC80]  }
0x69: {  	v28 =	vadd.f32 v29, v28;
	v27 =	vpop (erf);
	(erf) = vpow2.f32 v4;
	v4 =	vmul.f32 $1.442695020e+00, v5;
	v5 =	vld [tilespmem:s31+$0xD00]  }
0x6a: {  	v29 =	vpop (erf);
	(erf) = vpow2.f32 v2;
	v2 =	vmul.f32 $1.442695020e+00, v6;
	v6 =	vld [tilespmem:s31+$0xD80]  }
0x6b: {  	v30 =	vadd.f32 v31, v30;
	v31 =	vpop (erf);
	(erf) = vpow2.f32 v3;
	v3 =	vmul.f32 $1.442695020e+00, v7;
	v7 =	vld [tilespmem:s31+$0xE00]  }
0x6c: {  	v43 =	vpop (erf);
	(erf) = vpow2.f32 v4;
	v4 =	vmul.f32 $1.442695020e+00, v8;
	v8 =	vld [tilespmem:s31+$0xE80]  }
0x6d: {  	v26 =	vadd.f32 v28, v26;
	v28 =	vpop (erf);
	(erf) = vpow2.f32 v2;
	v2 =	vmul.f32 $1.442695020e+00, v9  }
0x6e: {  	v34 =	vadd.f32 v35, v34;
	v9 =	vld [tilespmem:s31+$0xF00];
	v44 =	vpop (erf);
	(erf) = vpow2.f32 v3;
	v3 =	vmul.f32 $1.442695020e+00, v5  }
0x6f: {  	v5 =	vld [tilespmem:s31+$0xF80];
	v45 =	vpop (erf);
	(erf) = vpow2.f32 v4;
	v4 =	vmul.f32 $1.442695020e+00, v6;
	v6 =	vadd.f32 v37, v36  }
0x70: {  	v46 =	vpop (erf);
	(erf) = vpow2.f32 v2;
	v2 =	vmul.f32 $1.442695020e+00, v7;
	v7 =	vadd.f32 v11, v38  }
0x71: {  	v32 =	vadd.f32 v33, v32;
	v11 =	vpop (erf);
	(erf) = vpow2.f32 v3;
	v3 =	vmul.f32 $1.442695020e+00, v8  }
0x72: {  	v8 =	vadd.f32 v15, v13;
	v6 =	vadd.f32 v6, v34;
	v13 =	vpop (erf);
	(erf) = vpow2.f32 v4  }
0x73: {  	v30 =	vadd.f32 v32, v30;
	v4 =	vmul.f32 $1.442695020e+00, v9;
	v9 =	vpop (erf);
	(erf) = vpow2.f32 v2  }
0x74: {  	v2 =	vmul.f32 $1.442695020e+00, v5;
	v5 =	vadd.f32 v8, v7;
	v7 =	vpop (erf);
	(erf) = vpow2.f32 v3  }
0x75: {  	v15 =	vadd.f32 v23, v21;
	v3 =	vadd.f32 v14, v10;
	v10 =	vpop (erf);
	(erf) = vpow2.f32 v4  }
0x76: {  	v21 =	vadd.f32 v28, v43;
	v5 =	vadd.f32 v5, v6;
	v6 =	vpop (erf);
	(erf) = vpow2.f32 v2  }
0x77: {  	v11 =	vadd.f32 v11, v46;
	v2 =	vadd.f32 v12, v17;
	v14 =	vpop (erf)  }
0x78: {  	v12 =	vadd.f32 v19, v16;
	v19 =	vadd.f32 v31, v29;
	v17 =	vpop (erf)  }
0x79: {  	v8 =	vadd.f32 v22, v18;
	v16 =	vadd.f32 v20, v25;
	v20 =	vpop (erf)  }
0x7a: {  	v18 =	vadd.f32 v27, v24;
	v22 =	vadd.f32 v45, v44;
	v23 =	vpop (erf)  }
0x7b: {  	v9 =	vadd.f32 v9, v13;
	v12 =	vadd.f32 v12, v2;
	v2 =	vpop (erf)  }
0x7c: {  	v15 =	vadd.f32 v16, v15;
	v16 =	vadd.f32 v19, v18;
	v19 =	vpop (erf)  }
0x7d: {  	v4 =	vadd.f32 v30, v26;
	v7 =	vadd.f32 v10, v7;
	v13 =	vpop (erf)  }
0x7e: {  	s24 =	simm.s32 $0x4C00;
	v9 =	vadd.f32 v9, v11;
	v6 =	vadd.f32 v14, v6;
	v10 =	vpop (erf)  }
0x7f: {  	v14 =	vld [tilespmem:s24+$0x0];
	v17 =	vadd.f32 v20, v17;
	v2 =	vadd.f32 v2, v23;
	v20 =	vpop (erf)  }
0x80: {  	v13 =	vadd.f32 v13, v19;
	v10 =	vadd.f32 v20, v10  }
0x81: {  	v18 =	vadd.f32 v22, v21;
	v6 =	vadd.f32 v6, v7  }
0x82: {  	v7 =	vadd.f32 v2, v17;
	v10 =	vadd.f32 v10, v13  }
0x83: {  	v11 =	vadd.f32 v15, v12;
	v12 =	vadd.f32 v18, v16;
	v2 =	vmov s25  }
0x84: {  	v6 =	vadd.f32 v6, v9;
	v13 =	vsub.s32 v14, v2;
	v7 =	vadd.f32 v10, v7  }
0x85: {  	v3 =	vadd.f32 v8, v3;
	v4 =	vadd.f32 v5, v4;
	vm0 =	vgt.s32 v13, $0x0  }
0x86: {  	v5 =	vadd.f32 v12, v11;
	s25 =	simm.s32 $0x4C80;
	v6 =	vadd.f32 v7, v6;
	v7 =	vnsel vm0, $0x0, v13  }
0x87: {  	v8 =	vld [tilespmem:s25+$0x0];
	v7 =	vmin.u32 v7, $0x3F  }
0x88: {  	s26 =	simm.s32 $0x0;
	v3 =	vadd.f32 v4, v3;
	v4 =	vadd.f32 v6, v5;
	v5 =	vshll.u32 v7, $0x7  }
0x89: {  	v5 =	vadd.s32 s26, v5  }
0x8a: {  	v3 =	vadd.f32 v4, v3;
	v4 =	vadd.s32 v1, v5;
	_ =	sdelay $0x1  }
0x8b: {  	v3 =	vadd.f32 v3, v8;
	_ =	sdelay $0x1  }
0x8c: {  	[tilespmem:s25+$0x0] =	vst v3  }
0x8d: {  	v3 =	vld.idx.msk [tilespmem:v4+s3+$0x0], $0xffff;
	_ =	sdelay $0x4  }
0x8e: {  	v3 =	vmul.f32 $1.442695020e+00, v3;
	_ =	sdelay $0x1  }
0x8f: {  	(erf) = vpow2.f32 v3;
	_ =	sdelay $0x4  }
0x90: {  	s26 =	simm.s32 $0x4D00  }
0x91: {  	v3 =	vld [tilespmem:s26+$0x0];
	_ =	sdelay $0x2  }
0x92: {  	vm15 =	vlt.u32 v13, $0x40;
	v4 =	vpop (erf)  }
0x93: {  	v4 =	vnsel vm15, $0x0, v4  }
0x94: {  	v3 =	vadd.f32 v4, v3;
	_ =	sdelay $0x1  }
0x95: {  	s28 =	simm.s32 $0x1010;
	[tilespmem:s26+$0x0] =	vst v3  }
0x96: {  	v3 =	vld [tilespmem:s28+$0xFFFFF000]  }
0x97: {  	v4 =	vld [tilespmem:s28+$0xFFFFF080]  }
0x98: {  	v5 =	vld [tilespmem:s28+$0xFFFFF100]  }
0x99: {  	v6 =	vld [tilespmem:s28+$0xFFFFF180]  }
0x9a: {  	v52 =	vld [tilespmem:s28+$0x500]  }
0x9b: {  	v7 =	vld [tilespmem:s28+$0xFFFFF200]  }
0x9c: {  	v8 =	vld [tilespmem:s28+$0xFFFFF280]  }
0x9d: {  	v9 =	vld [tilespmem:s28+$0xFFFFF300];
	v3 =	vmul.f32 $1.442695020e+00, v3  }
0x9e: {  	v10 =	vld [tilespmem:s28+$0xFFFFF380];
	v4 =	vmul.f32 $1.442695020e+00, v4;
	v5 =	vmul.f32 $1.442695020e+00, v5  }
0x9f: {  	v31 =	vld [tilespmem:s28+$0x480];
	v37 =	vmul.f32 $1.442695020e+00, v52;
	(erf) = vpow2.f32 v3  }
0xa0: {  	v3 =	vmul.f32 $1.442695020e+00, v6;
	v6 =	vld [tilespmem:s28+$0xFFFFF400];
	(erf) = vpow2.f32 v4  }
0xa1: {  	v4 =	vmul.f32 $1.442695020e+00, v7;
	v7 =	vld [tilespmem:s28+$0xFFFFF480];
	(erf) = vpow2.f32 v5  }
0xa2: {  	v5 =	vmul.f32 $1.442695020e+00, v8;
	v8 =	vld [tilespmem:s28+$0xFFFFF500];
	(erf) = vpow2.f32 v3  }
0xa3: {  	v3 =	vmul.f32 $1.442695020e+00, v9;
	v9 =	vld [tilespmem:s28+$0xFFFFF580];
	(erf) = vpow2.f32 v4  }
0xa4: {  	v4 =	vmul.f32 $1.442695020e+00, v10;
	v10 =	vld [tilespmem:s28+$0xFFFFF600];
	(erf) = vpow2.f32 v5  }
0xa5: {  	v5 =	vmul.f32 $1.442695020e+00, v6;
	v6 =	vld [tilespmem:s28+$0xFFFFF680];
	(erf) = vpow2.f32 v3  }
0xa6: {  	v3 =	vmul.f32 $1.442695020e+00, v7;
	v7 =	vld [tilespmem:s28+$0xFFFFF700];
	(erf) = vpow2.f32 v4  }
0xa7: {  	v4 =	vmul.f32 $1.442695020e+00, v8;
	v8 =	vld [tilespmem:s28+$0xFFFFF780];
	(erf) = vpow2.f32 v5  }
0xa8: {  	v5 =	vmul.f32 $1.442695020e+00, v9;
	v9 =	vld [tilespmem:s28+$0xFFFFF800];
	v11 =	vpop (erf);
	(erf) = vpow2.f32 v3  }
0xa9: {  	v3 =	vmul.f32 $1.442695020e+00, v10;
	v10 =	vld [tilespmem:s28+$0xFFFFF880];
	v12 =	vpop (erf);
	(erf) = vpow2.f32 v4  }
0xaa: {  	v4 =	vmul.f32 $1.442695020e+00, v6;
	v6 =	vld [tilespmem:s28+$0xFFFFF900];
	v13 =	vpop (erf);
	(erf) = vpow2.f32 v5  }
0xab: {  	v5 =	vmul.f32 $1.442695020e+00, v7;
	v7 =	vld [tilespmem:s28+$0xFFFFF980];
	v11 =	vadd.f32 v12, v11;
	v12 =	vmul.f32 $1.442695020e+00, v31  }
0xac: {  	v14 =	vpop (erf);
	(erf) = vpow2.f32 v3;
	v3 =	vmul.f32 $1.442695020e+00, v8;
	v8 =	vld [tilespmem:s28+$0xFFFFFA00]  }
0xad: {  	v15 =	vpop (erf);
	(erf) = vpow2.f32 v4;
	v4 =	vmul.f32 $1.442695020e+00, v9;
	v9 =	vld [tilespmem:s28+$0xFFFFFA80]  }
0xae: {  	v16 =	vpop (erf);
	(erf) = vpow2.f32 v5;
	v5 =	vmul.f32 $1.442695020e+00, v10;
	v10 =	vld [tilespmem:s28+$0xFFFFFB00]  }
0xaf: {  	v17 =	vpop (erf);
	(erf) = vpow2.f32 v3;
	v3 =	vmul.f32 $1.442695020e+00, v6;
	v6 =	vld [tilespmem:s28+$0xFFFFFB80]  }
0xb0: {  	v18 =	vpop (erf);
	(erf) = vpow2.f32 v4;
	v4 =	vmul.f32 $1.442695020e+00, v7;
	v7 =	vld [tilespmem:s28+$0xFFFFFC00]  }
0xb1: {  	v19 =	vpop (erf);
	(erf) = vpow2.f32 v5;
	v5 =	vmul.f32 $1.442695020e+00, v8;
	v8 =	vld [tilespmem:s28+$0xFFFFFC80]  }
0xb2: {  	v20 =	vpop (erf);
	(erf) = vpow2.f32 v3;
	v3 =	vmul.f32 $1.442695020e+00, v9;
	v9 =	vld [tilespmem:s28+$0xFFFFFD00]  }
0xb3: {  	v21 =	vpop (erf);
	(erf) = vpow2.f32 v4;
	v4 =	vmul.f32 $1.442695020e+00, v10;
	v10 =	vld [tilespmem:s28+$0xFFFFFD80]  }
0xb4: {  	v22 =	vpop (erf);
	(erf) = vpow2.f32 v5;
	v5 =	vmul.f32 $1.442695020e+00, v6;
	v6 =	vld [tilespmem:s28+$0xFFFFFE00]  }
0xb5: {  	v23 =	vpop (erf);
	(erf) = vpow2.f32 v3;
	v3 =	vmul.f32 $1.442695020e+00, v7;
	v7 =	vld [tilespmem:s28+$0xFFFFFE80]  }
0xb6: {  	v24 =	vpop (erf);
	(erf) = vpow2.f32 v4;
	v4 =	vmul.f32 $1.442695020e+00, v8;
	v8 =	vld [tilespmem:s28+$0xFFFFFF00]  }
0xb7: {  	v25 =	vpop (erf);
	(erf) = vpow2.f32 v5;
	v5 =	vmul.f32 $1.442695020e+00, v9;
	v9 =	vld [tilespmem:s28+$0xFFFFFF80]  }
0xb8: {  	v26 =	vpop (erf);
	(erf) = vpow2.f32 v3;
	v3 =	vmul.f32 $1.442695020e+00, v10;
	v10 =	vld [tilespmem:s28+$0x0]  }
0xb9: {  	v27 =	vpop (erf);
	(erf) = vpow2.f32 v4;
	v4 =	vmul.f32 $1.442695020e+00, v6;
	v6 =	vld [tilespmem:s28+$0x80]  }
0xba: {  	v28 =	vpop (erf);
	(erf) = vpow2.f32 v5;
	v5 =	vmul.f32 $1.442695020e+00, v7;
	v7 =	vld [tilespmem:s28+$0x100]  }
0xbb: {  	v29 =	vpop (erf);
	(erf) = vpow2.f32 v3;
	v3 =	vmul.f32 $1.442695020e+00, v8;
	v8 =	vld [tilespmem:s28+$0x180]  }
0xbc: {  	v30 =	vpop (erf);
	(erf) = vpow2.f32 v4;
	v4 =	vmul.f32 $1.442695020e+00, v9;
	v9 =	vld [tilespmem:s28+$0x200]  }
0xbd: {  	v47 =	vpop (erf);
	(erf) = vpow2.f32 v5;
	v5 =	vmul.f32 $1.442695020e+00, v10;
	v10 =	vld [tilespmem:s28+$0x280]  }
0xbe: {  	v48 =	vpop (erf);
	(erf) = vpow2.f32 v3;
	v3 =	vmul.f32 $1.442695020e+00, v6;
	v6 =	vld [tilespmem:s28+$0x300]  }
0xbf: {  	v49 =	vpop (erf);
	(erf) = vpow2.f32 v4;
	v4 =	vmul.f32 $1.442695020e+00, v7;
	v7 =	vld [tilespmem:s28+$0x380]  }
0xc0: {  	v50 =	vpop (erf);
	(erf) = vpow2.f32 v5;
	v5 =	vmul.f32 $1.442695020e+00, v8;
	v8 =	vld [tilespmem:s28+$0x400]  }
0xc1: {  	v40 =	vld [tilespmem:s28+$0x680];
	v51 =	vpop (erf);
	(erf) = vpow2.f32 v3;
	v9 =	vmul.f32 $1.442695020e+00, v9  }
0xc2: {  	v39 =	vpop (erf);
	(erf) = vpow2.f32 v4;
	v4 =	vmul.f32 $1.442695020e+00, v10  }
0xc3: {  	v53 =	vld [tilespmem:s28+$0x580];
	v3 =	vpop (erf);
	(erf) = vpow2.f32 v5;
	v10 =	vmul.f32 $1.442695020e+00, v6  }
0xc4: {  	v31 =	vld [tilespmem:s28+$0x700];
	v5 =	vpop (erf);
	(erf) = vpow2.f32 v9;
	v7 =	vmul.f32 $1.442695020e+00, v7  }
0xc5: {  	v9 =	vld [tilespmem:s28+$0x600];
	v6 =	vpop (erf);
	(erf) = vpow2.f32 v4;
	v4 =	vmul.f32 $1.442695020e+00, v8  }
0xc6: {  	v60 =	vld [tilespmem:s28+$0xC00];
	v55 =	vmul.f32 $1.442695020e+00, v40;
	v8 =	vpop (erf);
	(erf) = vpow2.f32 v10  }
0xc7: {  	v41 =	vld [tilespmem:s28+$0x780];
	v15 =	vadd.f32 v16, v15;
	v17 =	vadd.f32 v18, v17;
	v10 =	vpop (erf);
	(erf) = vpow2.f32 v7  }
0xc8: {  	v54 =	vld [tilespmem:s28+$0x800];
	v14 =	vadd.f32 v14, v13;
	v16 =	vmul.f32 $1.442695020e+00, v53;
	v13 =	vpop (erf);
	(erf) = vpow2.f32 v4  }
0xc9: {  	v42 =	vld [tilespmem:s28+$0x880];
	v15 =	vadd.f32 v17, v15;
	v17 =	vmul.f32 $1.442695020e+00, v31;
	v4 =	vpop (erf);
	(erf) = vpow2.f32 v12  }
0xca: {  	v31 =	vld [tilespmem:s28+$0x980];
	v18 =	vmul.f32 $1.442695020e+00, v9;
	v7 =	vpop (erf);
	(erf) = vpow2.f32 v37  }
0xcb: {  	v56 =	vld [tilespmem:s28+$0x900];
	v63 =	vmul.f32 $1.442695020e+00, v60;
	v11 =	vadd.f32 v14, v11;
	v9 =	vpop (erf);
	(erf) = vpow2.f32 v16  }
0xcc: {  	v19 =	vadd.f32 v20, v19;
	v20 =	vld [tilespmem:s28+$0xA00];
	v12 =	vpop (erf);
	(erf) = vpow2.f32 v18;
	v18 =	vmul.f32 $1.442695020e+00, v41  }
0xcd: {  	v57 =	vld [tilespmem:s28+$0xA80];
	v21 =	vadd.f32 v22, v21;
	v22 =	vmul.f32 $1.442695020e+00, v54;
	v14 =	vpop (erf);
	(erf) = vpow2.f32 v55  }
0xce: {  	v58 =	vld [tilespmem:s28+$0xB00];
	v23 =	vadd.f32 v24, v23;
	v24 =	vmul.f32 $1.442695020e+00, v42;
	v16 =	vpop (erf);
	(erf) = vpow2.f32 v17  }
0xcf: {  	v59 =	vld [tilespmem:s28+$0xB80];
	v31 =	vmul.f32 $1.442695020e+00, v31;
	v25 =	vadd.f32 v26, v25;
	v17 =	vpop (erf);
	(erf) = vpow2.f32 v18  }
0xd0: {  	v43 =	vld [tilespmem:s28+$0xD00];
	v21 =	vadd.f32 v21, v19;
	v26 =	vmul.f32 $1.442695020e+00, v56;
	v18 =	vpop (erf);
	(erf) = vpow2.f32 v22  }
0xd1: {  	v23 =	vadd.f32 v25, v23;
	v25 =	vmul.f32 $1.442695020e+00, v20;
	v19 =	vpop (erf);
	(erf) = vpow2.f32 v24  }
0xd2: {  	v61 =	vld [tilespmem:s28+$0xC80];
	v27 =	vadd.f32 v28, v27;
	v28 =	vmul.f32 $1.442695020e+00, v57;
	v20 =	vpop (erf);
	(erf) = vpow2.f32 v26  }
0xd3: {  	v29 =	vadd.f32 v30, v29;
	v30 =	vmul.f32 $1.442695020e+00, v58;
	v22 =	vpop (erf);
	(erf) = vpow2.f32 v31  }
0xd4: {  	v31 =	vld [tilespmem:s28+$0xD80];
	v24 =	vpop (erf);
	(erf) = vpow2.f32 v25;
	v25 =	vmul.f32 $1.442695020e+00, v59  }
0xd5: {  	v32 =	vld [tilespmem:s28+$0xE00];
	v38 =	vmul.f32 $1.442695020e+00, v43;
	v62 =	vadd.f32 v48, v47;
	v26 =	vpop (erf);
	(erf) = vpow2.f32 v28  }
0xd6: {  	v33 =	vld [tilespmem:s28+$0xE80];
	v29 =	vadd.f32 v29, v27;
	v35 =	vadd.f32 v50, v49;
	v27 =	vpop (erf);
	(erf) = vpow2.f32 v30  }
0xd7: {  	v34 =	vld [tilespmem:s28+$0xF00];
	v37 =	vmul.f32 $1.442695020e+00, v61;
	v28 =	vpop (erf);
	(erf) = vpow2.f32 v25  }
0xd8: {  	p0 =	por p1, p1;
	s29 =	simm.s32 $0x10;
	s30 =	simm.s32 $0x20;
	v36 =	vadd.f32 v39, v51;
	v30 =	vadd.f32 v35, v62;
	v35 =	vld [tilespmem:s28+$0xF80];
	v25 =	vpop (erf);
	(erf) = vpow2.f32 v63  }
.LBB2_3:
0xd9: {  	p1 =	sne.s32 s30, $0x70;
	v31 =	vmul.f32 $1.442695020e+00, v31;
	v3 =	vadd.f32 v5, v3;
	v5 =	vpop (erf);
	(erf) = vpow2.f32 v37  }
0xda: {  	v6 =	vadd.f32 v8, v6;
	v32 =	vmul.f32 $1.442695020e+00, v32;
	v8 =	vpop (erf);
	(erf) = vpow2.f32 v38  }
0xdb: {  	v37 =	vadd.f32 v13, v10;
	v33 =	vmul.f32 $1.442695020e+00, v33;
	v13 =	vpop (erf);
	(erf) = vpow2.f32 v31  }
0xdc: {  	v3 =	vadd.f32 v3, v36;
	v31 =	vmul.f32 $1.442695020e+00, v34;
	v34 =	vpop (erf);
	(erf) = vpow2.f32 v32  }
0xdd: {  	v32 =	vmul.f32 $1.442695020e+00, v35;
	v35 =	vadd.f32 v37, v6;
	v10 =	vpop (erf);
	(erf) = vpow2.f32 v33  }
0xde: {  	v11 =	vadd.f32 v15, v11;
	v15 =	vadd.f32 v23, v21;
	v21 =	vpop (erf);
	(erf) = vpow2.f32 v31  }
0xdf: {  	v23 =	vadd.f32 v30, v29;
	v3 =	vadd.f32 v35, v3;
	v6 =	vpop (erf);
	(erf) = vpow2.f32 v32  }
0xe0: {  	v4 =	vadd.f32 v7, v4;
	v7 =	vadd.f32 v12, v9;
	v9 =	vpop (erf)  }
0xe1: {  	v29 =	vadd.f32 v16, v14;
	v14 =	vadd.f32 v18, v17;
	v16 =	vpop (erf)  }
0xe2: {  	v17 =	vadd.f32 v20, v19;
	v30 =	vadd.f32 v24, v22;
	v19 =	vpop (erf)  }
0xe3: {  	v20 =	vadd.f32 v27, v26;
	v22 =	vadd.f32 v25, v28;
	v24 =	vpop (erf)  }
0xe4: {  	v4 =	vadd.f32 v7, v4;
	v7 =	vadd.f32 v14, v29;
	v12 =	vpop (erf)  }
0xe5: {  	v14 =	vadd.f32 v30, v17;
	v17 =	vadd.f32 v22, v20;
	v18 =	vpop (erf)  }
0xe6: {  	v5 =	vadd.f32 v8, v5;
	v8 =	vadd.f32 v34, v13;
	v13 =	vpop (erf)  }
0xe7: {  	s24 =	sadd.s32 $0x10, s24;
	v10 =	vadd.f32 v21, v10;
	v6 =	vadd.f32 v9, v6;
	v9 =	vpop (erf)  }
0xe8: {  	v16 =	vadd.f32 v19, v16;
	v12 =	vadd.f32 v12, v24;
	v20 =	vld [tilespmem:s24+$0x0];
	v19 =	vpop (erf)  }
0xe9: {  	v13 =	vadd.f32 v13, v18;
	v9 =	vadd.f32 v19, v9  }
0xea: {  	v5 =	vadd.f32 v8, v5;
	v6 =	vadd.f32 v6, v10  }
0xeb: {  	v8 =	vadd.f32 v12, v16;
	v9 =	vadd.f32 v9, v13  }
0xec: {  	v4 =	vadd.f32 v7, v4;
	v7 =	vadd.f32 v17, v14  }
0xed: {  	v5 =	vadd.f32 v6, v5;
	v10 =	vsub.s32 v20, v2;
	v6 =	vadd.f32 v9, v8  }
0xee: {  	v3 =	vadd.f32 v3, v23;
	v8 =	vadd.f32 v15, v11;
	vm0 =	vgt.s32 v10, $0x0  }
0xef: {  	s25 =	sadd.s32 $0x10, s25;
	v4 =	vadd.f32 v7, v4;
	v5 =	vadd.f32 v6, v5;
	v6 =	vnsel vm0, $0x0, v10  }
0xf0: {  	v7 =	vld [tilespmem:s25+$0x0];
	v6 =	vmin.u32 v6, $0x3F  }
0xf1: {  	v3 =	vadd.f32 v3, v8;
	v4 =	vadd.f32 v5, v4;
	v5 =	vshll.u32 v6, $0x7  }
0xf2: {  	v5 =	vadd.s32 s29, v5;
	s29 =	smov.u32 s30  }
0xf3: {  	v3 =	vadd.f32 v4, v3;
	v4 =	vadd.s32 v1, v5;
	_ =	sdelay $0x1  }
0xf4: {  	v3 =	vadd.f32 v3, v7;
	_ =	sdelay $0x1  }
0xf5: {  	[tilespmem:s25+$0x0] =	vst v3  }
0xf6: {  	s26 =	sadd.s32 $0x10, s26;
	v3 =	vld.idx.msk [tilespmem:v4+s3+$0x0], $0xffff  }
0xf7: {  	v4 =	vld [tilespmem:s26+$0x0];
	_ =	sdelay $0x4  }
0xf8: {  	v3 =	vmul.f32 $1.442695020e+00, v3;
	_ =	sdelay $0x1  }
0xf9: {  	(erf) = vpow2.f32 v3;
	_ =	sdelay $0x8  }
0xfa: {  	vm0 =	vlt.u32 v10, $0x40;
	v3 =	vpop (erf)  }
0xfb: {  	v3 =	vnsel vm0, $0x0, v3  }
0xfc: {  	v3 =	vadd.f32 v3, v4;
	_ =	sdelay $0x1  }
0xfd: {  	s28 =	sadd.s32 $0x10, s28;
	[tilespmem:s26+$0x0] =	vst v3  }
0xfe: {  	v3 =	vld [tilespmem:s28+$0xFFFFF000]  }
0xff: {  	v4 =	vld [tilespmem:s28+$0xFFFFF080]  }
0x100: {  	v5 =	vld [tilespmem:s28+$0xFFFFF100]  }
0x101: {  	v6 =	vld [tilespmem:s28+$0xFFFFF180]  }
0x102: {  	v7 =	vld [tilespmem:s28+$0xFFFFF200]  }
0x103: {  	v3 =	vmul.f32 $1.442695020e+00, v3;
	v8 =	vld [tilespmem:s28+$0xFFFFF280]  }
0x104: {  	v4 =	vmul.f32 $1.442695020e+00, v4;
	v9 =	vld [tilespmem:s28+$0xFFFFF300]  }
0x105: {  	v5 =	vmul.f32 $1.442695020e+00, v5;
	v10 =	vld [tilespmem:s28+$0xFFFFF380];
	(erf) = vpow2.f32 v3  }
0x106: {  	v3 =	vmul.f32 $1.442695020e+00, v6;
	v6 =	vld [tilespmem:s28+$0xFFFFF400];
	(erf) = vpow2.f32 v4  }
0x107: {  	v4 =	vmul.f32 $1.442695020e+00, v7;
	v7 =	vld [tilespmem:s28+$0xFFFFF480];
	(erf) = vpow2.f32 v5  }
0x108: {  	v5 =	vmul.f32 $1.442695020e+00, v8;
	v8 =	vld [tilespmem:s28+$0xFFFFF500];
	(erf) = vpow2.f32 v3  }
0x109: {  	v3 =	vmul.f32 $1.442695020e+00, v9;
	v9 =	vld [tilespmem:s28+$0xFFFFF580];
	(erf) = vpow2.f32 v4  }
0x10a: {  	v4 =	vmul.f32 $1.442695020e+00, v10;
	v10 =	vld [tilespmem:s28+$0xFFFFF600];
	(erf) = vpow2.f32 v5  }
0x10b: {  	v5 =	vmul.f32 $1.442695020e+00, v6;
	v6 =	vld [tilespmem:s28+$0xFFFFF680];
	(erf) = vpow2.f32 v3  }
0x10c: {  	v3 =	vmul.f32 $1.442695020e+00, v7;
	v11 =	vld [tilespmem:s28+$0xFFFFF700];
	(erf) = vpow2.f32 v4  }
0x10d: {  	v16 =	vmul.f32 $1.442695020e+00, v8;
	v12 =	vld [tilespmem:s28+$0xFFFFF780];
	(erf) = vpow2.f32 v5  }
0x10e: {  	v5 =	vmul.f32 $1.442695020e+00, v9;
	v13 =	vld [tilespmem:s28+$0xFFFFF800];
	v4 =	vpop (erf);
	(erf) = vpow2.f32 v3  }
0x10f: {  	v3 =	vmul.f32 $1.442695020e+00, v10;
	v14 =	vld [tilespmem:s28+$0xFFFFF880];
	v8 =	vpop (erf);
	(erf) = vpow2.f32 v16  }
0x110: {  	v6 =	vmul.f32 $1.442695020e+00, v6;
	v15 =	vld [tilespmem:s28+$0xFFFFF900];
	v7 =	vpop (erf);
	(erf) = vpow2.f32 v5  }
0x111: {  	v5 =	vmul.f32 $1.442695020e+00, v11;
	v16 =	vld [tilespmem:s28+$0xFFFFF980];
	v10 =	vpop (erf);
	(erf) = vpow2.f32 v3  }
0x112: {  	v3 =	vmul.f32 $1.442695020e+00, v12;
	v17 =	vld [tilespmem:s28+$0xFFFFFA00];
	v9 =	vpop (erf);
	(erf) = vpow2.f32 v6  }
0x113: {  	v6 =	vmul.f32 $1.442695020e+00, v13;
	v18 =	vld [tilespmem:s28+$0xFFFFFA80];
	v13 =	vpop (erf);
	(erf) = vpow2.f32 v5  }
0x114: {  	v5 =	vmul.f32 $1.442695020e+00, v14;
	v19 =	vld [tilespmem:s28+$0xFFFFFB00];
	v11 =	vpop (erf);
	(erf) = vpow2.f32 v3  }
0x115: {  	v3 =	vmul.f32 $1.442695020e+00, v15;
	v15 =	vld [tilespmem:s28+$0xFFFFFB80];
	v21 =	vpop (erf);
	(erf) = vpow2.f32 v6  }
0x116: {  	v6 =	vmul.f32 $1.442695020e+00, v16;
	v20 =	vld [tilespmem:s28+$0xFFFFFC00];
	v12 =	vpop (erf);
	(erf) = vpow2.f32 v5  }
0x117: {  	v5 =	vmul.f32 $1.442695020e+00, v17;
	v22 =	vld [tilespmem:s28+$0xFFFFFC80];
	v16 =	vpop (erf);
	(erf) = vpow2.f32 v3  }
0x118: {  	v3 =	vmul.f32 $1.442695020e+00, v18;
	v23 =	vld [tilespmem:s28+$0xFFFFFD00];
	v14 =	vpop (erf);
	(erf) = vpow2.f32 v6  }
0x119: {  	v6 =	vmul.f32 $1.442695020e+00, v19;
	v24 =	vld [tilespmem:s28+$0xFFFFFD80];
	v18 =	vpop (erf);
	(erf) = vpow2.f32 v5  }
0x11a: {  	v5 =	vmul.f32 $1.442695020e+00, v15;
	v15 =	vld [tilespmem:s28+$0xFFFFFE00];
	v17 =	vpop (erf);
	(erf) = vpow2.f32 v3  }
0x11b: {  	v3 =	vmul.f32 $1.442695020e+00, v20;
	v25 =	vld [tilespmem:s28+$0xFFFFFE80];
	v27 =	vpop (erf);
	(erf) = vpow2.f32 v6  }
0x11c: {  	v6 =	vmul.f32 $1.442695020e+00, v22;
	v26 =	vld [tilespmem:s28+$0xFFFFFF00];
	v19 =	vpop (erf);
	(erf) = vpow2.f32 v5  }
0x11d: {  	v5 =	vmul.f32 $1.442695020e+00, v23;
	v23 =	vld [tilespmem:s28+$0xFFFFFF80];
	v28 =	vpop (erf);
	(erf) = vpow2.f32 v3  }
0x11e: {  	v3 =	vmul.f32 $1.442695020e+00, v24;
	v29 =	vld [tilespmem:s28+$0x0];
	v20 =	vpop (erf);
	(erf) = vpow2.f32 v6  }
0x11f: {  	v6 =	vmul.f32 $1.442695020e+00, v15;
	v15 =	vld [tilespmem:s28+$0x80];
	v24 =	vpop (erf);
	(erf) = vpow2.f32 v5  }
0x120: {  	v5 =	vmul.f32 $1.442695020e+00, v25;
	v25 =	vld [tilespmem:s28+$0x100];
	v22 =	vpop (erf);
	(erf) = vpow2.f32 v3  }
0x121: {  	v3 =	vmul.f32 $1.442695020e+00, v26;
	v30 =	vld [tilespmem:s28+$0x180];
	v31 =	vpop (erf);
	(erf) = vpow2.f32 v6  }
0x122: {  	v6 =	vmul.f32 $1.442695020e+00, v23;
	v23 =	vld [tilespmem:s28+$0x200];
	v26 =	vpop (erf);
	(erf) = vpow2.f32 v5  }
0x123: {  	v5 =	vmul.f32 $1.442695020e+00, v29;
	v29 =	vld [tilespmem:s28+$0x280];
	v32 =	vpop (erf);
	(erf) = vpow2.f32 v3  }
0x124: {  	v3 =	vmul.f32 $1.442695020e+00, v15;
	v15 =	vld [tilespmem:s28+$0x300];
	v33 =	vpop (erf);
	(erf) = vpow2.f32 v6  }
0x125: {  	v6 =	vmul.f32 $1.442695020e+00, v25;
	v34 =	vld [tilespmem:s28+$0x380];
	v35 =	vpop (erf);
	(erf) = vpow2.f32 v5  }
0x126: {  	v40 =	vmul.f32 $1.442695020e+00, v30;
	v30 =	vld [tilespmem:s28+$0x400];
	v25 =	vpop (erf);
	(erf) = vpow2.f32 v3  }
0x127: {  	v23 =	vmul.f32 $1.442695020e+00, v23;
	v36 =	vld [tilespmem:s28+$0x480];
	v39 =	vpop (erf);
	(erf) = vpow2.f32 v6  }
0x128: {  	v29 =	vmul.f32 $1.442695020e+00, v29;
	v37 =	vld [tilespmem:s28+$0x500];
	v3 =	vpop (erf);
	(erf) = vpow2.f32 v40  }
0x129: {  	v15 =	vmul.f32 $1.442695020e+00, v15;
	v38 =	vld [tilespmem:s28+$0x580];
	v5 =	vpop (erf);
	(erf) = vpow2.f32 v23  }
0x12a: {  	v23 =	vmul.f32 $1.442695020e+00, v34;
	v34 =	vld [tilespmem:s28+$0x600];
	v6 =	vpop (erf);
	(erf) = vpow2.f32 v29  }
0x12b: {  	v40 =	vadd.f32 v8, v4;
	v29 =	vmul.f32 $1.442695020e+00, v30;
	v30 =	vld [tilespmem:s28+$0x680];
	v8 =	vpop (erf);
	(erf) = vpow2.f32 v15  }
0x12c: {  	v42 =	vadd.f32 v10, v7;
	v15 =	vmul.f32 $1.442695020e+00, v36;
	v36 =	vld [tilespmem:s28+$0x700];
	v10 =	vpop (erf);
	(erf) = vpow2.f32 v23  }
0x12d: {  	v43 =	vadd.f32 v13, v9;
	v23 =	vmul.f32 $1.442695020e+00, v37;
	v37 =	vld [tilespmem:s28+$0x780];
	v13 =	vpop (erf);
	(erf) = vpow2.f32 v29  }
0x12e: {  	v21 =	vadd.f32 v21, v11;
	v29 =	vmul.f32 $1.442695020e+00, v38;
	v38 =	vld [tilespmem:s28+$0x800];
	v4 =	vpop (erf);
	(erf) = vpow2.f32 v15  }
0x12f: {  	v11 =	vadd.f32 v42, v40;
	v34 =	vmul.f32 $1.442695020e+00, v34;
	v41 =	vld [tilespmem:s28+$0x880];
	v7 =	vpop (erf);
	(erf) = vpow2.f32 v23  }
0x130: {  	v15 =	vadd.f32 v21, v43;
	v23 =	vmul.f32 $1.442695020e+00, v30;
	v30 =	vld [tilespmem:s28+$0x900];
	v9 =	vpop (erf);
	(erf) = vpow2.f32 v29  }
0x131: {  	v21 =	vmul.f32 $1.442695020e+00, v36;
	v29 =	vld [tilespmem:s28+$0x980];
	v36 =	vadd.f32 v16, v12;
	v12 =	vpop (erf);
	(erf) = vpow2.f32 v34  }
0x132: {  	v42 =	vadd.f32 v18, v14;
	v34 =	vmul.f32 $1.442695020e+00, v37;
	v37 =	vld [tilespmem:s28+$0xA00];
	v14 =	vpop (erf);
	(erf) = vpow2.f32 v23  }
0x133: {  	v27 =	vadd.f32 v27, v17;
	v23 =	vmul.f32 $1.442695020e+00, v38;
	v38 =	vld [tilespmem:s28+$0xA80];
	v16 =	vpop (erf);
	(erf) = vpow2.f32 v21  }
0x134: {  	v43 =	vadd.f32 v28, v19;
	v40 =	vmul.f32 $1.442695020e+00, v41;
	v41 =	vld [tilespmem:s28+$0xB00];
	v17 =	vpop (erf);
	(erf) = vpow2.f32 v34  }
0x135: {  	v21 =	vadd.f32 v42, v36;
	v28 =	vmul.f32 $1.442695020e+00, v30;
	v30 =	vld [tilespmem:s28+$0xB80];
	v18 =	vpop (erf);
	(erf) = vpow2.f32 v23  }
0x136: {  	v23 =	vadd.f32 v43, v27;
	v29 =	vmul.f32 $1.442695020e+00, v29;
	v34 =	vld [tilespmem:s28+$0xC00];
	v19 =	vpop (erf);
	(erf) = vpow2.f32 v40  }
0x137: {  	v27 =	vmul.f32 $1.442695020e+00, v37;
	v36 =	vld [tilespmem:s28+$0xC80];
	v37 =	vadd.f32 v24, v20;
	v20 =	vpop (erf);
	(erf) = vpow2.f32 v28  }
0x138: {  	v40 =	vadd.f32 v31, v22;
	v28 =	vmul.f32 $1.442695020e+00, v38;
	v38 =	vld [tilespmem:s28+$0xD00];
	v22 =	vpop (erf);
	(erf) = vpow2.f32 v29  }
.Ltmp0:
0x139: {  	v42 =	vadd.f32 v32, v26;
	v41 =	vmul.f32 $1.442695020e+00, v41;
	v31 =	vld [tilespmem:s28+$0xD80];
	v24 =	vpop (erf);
	(erf) = vpow2.f32 v27;
	(pc) =	sbr.rel @p1 .LBB2_3-.Ltmp0, $4  }
0x13a: {  	v43 =	vmul.f32 $1.442695020e+00, v30;
	v32 =	vld [tilespmem:s28+$0xE00];
	v30 =	vadd.f32 v35, v33;
	v26 =	vpop (erf);
	(erf) = vpow2.f32 v28  }
0x13b: {  	v29 =	vadd.f32 v40, v37;
	v44 =	vmul.f32 $1.442695020e+00, v34;
	v33 =	vld [tilespmem:s28+$0xE80];
	v27 =	vpop (erf);
	(erf) = vpow2.f32 v41  }
0x13c: {  	v37 =	vmul.f32 $1.442695020e+00, v36;
	v34 =	vld [tilespmem:s28+$0xF00];
	v30 =	vadd.f32 v30, v42;
	v28 =	vpop (erf);
	(erf) = vpow2.f32 v43  }
0x13d: {  	s30 =	sadd.s32 $0x10, s30;
	v36 =	vadd.f32 v39, v25;
	v38 =	vmul.f32 $1.442695020e+00, v38;
	v35 =	vld [tilespmem:s28+$0xF80];
	v25 =	vpop (erf);
	(erf) = vpow2.f32 v44  }
0x13e: {  	v31 =	vmul.f32 $1.442695020e+00, v31;
	v3 =	vadd.f32 v5, v3  }
0x13f: {  	v5 =	vpop (erf);
	(erf) = vpow2.f32 v37;
	v6 =	vadd.f32 v8, v6;
	v10 =	vadd.f32 v13, v10  }
0x140: {  	v32 =	vmul.f32 $1.442695020e+00, v32;
	v8 =	vpop (erf);
	(erf) = vpow2.f32 v38  }
0x141: {  	v33 =	vmul.f32 $1.442695020e+00, v33;
	v13 =	vpop (erf);
	(erf) = vpow2.f32 v31;
	v6 =	vadd.f32 v10, v6  }
0x142: {  	v31 =	vmul.f32 $1.442695020e+00, v34;
	v58 =	vpop (erf);
	(erf) = vpow2.f32 v32  }
0x143: {  	v3 =	vadd.f32 v3, v36;
	v59 =	vmul.f32 $1.442695020e+00, v35;
	v10 =	vpop (erf);
	(erf) = vpow2.f32 v33  }
0x144: {  	v11 =	vadd.f32 v15, v11;
	v15 =	vadd.f32 v23, v21;
	v21 =	vpop (erf);
	(erf) = vpow2.f32 v31  }
0x145: {  	v4 =	vadd.f32 v7, v4;
	v3 =	vadd.f32 v6, v3;
	v6 =	vpop (erf);
	(erf) = vpow2.f32 v59  }
0x146: {  	v7 =	vadd.f32 v12, v9;
	v12 =	vadd.f32 v16, v14;
	v9 =	vpop (erf)  }
0x147: {  	v14 =	vadd.f32 v18, v17;
	v18 =	vadd.f32 v24, v22;
	v16 =	vpop (erf)  }
0x148: {  	v23 =	vadd.f32 v30, v29;
	v17 =	vadd.f32 v20, v19;
	v19 =	vpop (erf)  }
0x149: {  	v20 =	vadd.f32 v27, v26;
	v22 =	vadd.f32 v25, v28;
	v24 =	vpop (erf)  }
0x14a: {  	v4 =	vadd.f32 v7, v4;
	v7 =	vadd.f32 v14, v12;
	v12 =	vpop (erf)  }
0x14b: {  	v14 =	vadd.f32 v18, v17;
	v17 =	vadd.f32 v22, v20;
	v18 =	vpop (erf)  }
0x14c: {  	v5 =	vadd.f32 v8, v5;
	v8 =	vadd.f32 v58, v13;
	v13 =	vpop (erf)  }
0x14d: {  	s24 =	sadd.s32 $0x10, s24;
	v10 =	vadd.f32 v21, v10;
	v6 =	vadd.f32 v9, v6;
	v9 =	vpop (erf)  }
0x14e: {  	v20 =	vld [tilespmem:s24+$0x0];
	v16 =	vadd.f32 v19, v16;
	v12 =	vadd.f32 v12, v24;
	v19 =	vpop (erf)  }
0x14f: {  	v13 =	vadd.f32 v13, v18;
	v9 =	vadd.f32 v19, v9  }
0x150: {  	v5 =	vadd.f32 v8, v5;
	v6 =	vadd.f32 v6, v10  }
0x151: {  	v8 =	vadd.f32 v12, v16;
	v9 =	vadd.f32 v9, v13  }
0x152: {  	v4 =	vadd.f32 v7, v4;
	v7 =	vadd.f32 v17, v14  }
0x153: {  	v2 =	vsub.s32 v20, v2;
	v5 =	vadd.f32 v6, v5;
	v6 =	vadd.f32 v9, v8  }
0x154: {  	v3 =	vadd.f32 v3, v23;
	v4 =	vadd.f32 v7, v4;
	vm0 =	vgt.s32 v2, $0x0  }
0x155: {  	s25 =	sadd.s32 $0x10, s25;
	v8 =	vadd.f32 v15, v11;
	v5 =	vadd.f32 v6, v5;
	v6 =	vnsel vm0, $0x0, v2  }
0x156: {  	v7 =	vld [tilespmem:s25+$0x0];
	v6 =	vmin.u32 v6, $0x3F  }
0x157: {  	v3 =	vadd.f32 v3, v8;
	v4 =	vadd.f32 v5, v4;
	v5 =	vshll.u32 v6, $0x7  }
0x158: {  	v5 =	vadd.s32 s29, v5  }
0x159: {  	v3 =	vadd.f32 v4, v3;
	v4 =	vadd.s32 v1, v5;
	_ =	sdelay $0x1  }
0x15a: {  	v3 =	vadd.f32 v3, v7;
	_ =	sdelay $0x1  }
0x15b: {  	[tilespmem:s25+$0x0] =	vst v3  }
0x15c: {  	v3 =	vld.idx.msk [tilespmem:v4+s3+$0x0], $0xffff;
	_ =	sdelay $0x4  }
0x15d: {  	v3 =	vmul.f32 $1.442695020e+00, v3;
	_ =	sdelay $0x1  }
0x15e: {  	(erf) = vpow2.f32 v3;
	_ =	sdelay $0x4  }
0x15f: {  	s29 =	sadd.s32 $0x10, s26  }
0x160: {  	v3 =	vld [tilespmem:s29+$0x0];
	_ =	sdelay $0x2  }
0x161: {  	vm13 =	vlt.u32 v2, $0x40;
	v2 =	vpop (erf)  }
0x162: {  	s23 =	sshll.u32 s23, $0x15;
	v2 =	vnsel vm13, $0x0, v2  }
0x163: {  	s23 =	sadd.s32 s7, s23;
	v2 =	vadd.f32 v2, v3  }
0x164: {  	s23 =	sshrl.u32 s23, $0x3  }
0x165: {  	s30 =	simm.s32 $0x0;
	s23 =	sadd.s32 s1, s23;
	[tilespmem:s29+$0x0] =	vst v2  }
0x166: {  	[tilespmem:s30], [sflag:$0x1] =	stream.strided.gather [hbm4b:s23+s13], $0x2000, s14, s13, $0x38;
	[tilespmem:$0x4E00] =	vst v63  }
0x167: {  	_ =	swait.ge [sflag:s17], $0x2000  }
0x168: {  	[sflag:s17] =	ssyncset.done $0x0  }
0x169: {  	s31 =	simm.s32 $0x3000;
	[sflag:s17] =	ssyncadd.s32 $0xFFFFE000  }
0x16a: {  	v2 =	vld [tilespmem:s31+$0xFFFFF000]  }
0x16b: {  	v3 =	vld [tilespmem:s31+$0xFFFFF080]  }
0x16c: {  	v4 =	vld [tilespmem:s31+$0xFFFFF100]  }
0x16d: {  	v5 =	vld [tilespmem:s31+$0xFFFFF180]  }
0x16e: {  	v6 =	vld [tilespmem:s31+$0xFFFFF200]  }
0x16f: {  	v7 =	vld [tilespmem:s31+$0xFFFFF280]  }
0x170: {  	v8 =	vld [tilespmem:s31+$0xFFFFF300];
	v2 =	vmul.f32 $1.442695020e+00, v2  }
0x171: {  	v9 =	vld [tilespmem:s31+$0xFFFFF380];
	v3 =	vmul.f32 $1.442695020e+00, v3;
	v4 =	vmul.f32 $1.442695020e+00, v4  }
0x172: {  	(erf) = vpow2.f32 v2;
	v2 =	vmul.f32 $1.442695020e+00, v5;
	v5 =	vld [tilespmem:s31+$0xFFFFF400]  }
0x173: {  	(erf) = vpow2.f32 v3;
	v3 =	vmul.f32 $1.442695020e+00, v6;
	v6 =	vld [tilespmem:s31+$0xFFFFF480]  }
0x174: {  	(erf) = vpow2.f32 v4;
	v4 =	vmul.f32 $1.442695020e+00, v7;
	v7 =	vld [tilespmem:s31+$0xFFFFF500]  }
0x175: {  	(erf) = vpow2.f32 v2;
	v2 =	vmul.f32 $1.442695020e+00, v8;
	v8 =	vld [tilespmem:s31+$0xFFFFF580]  }
0x176: {  	(erf) = vpow2.f32 v3;
	v3 =	vmul.f32 $1.442695020e+00, v9;
	v9 =	vld [tilespmem:s31+$0xFFFFF600]  }
0x177: {  	(erf) = vpow2.f32 v4;
	v4 =	vmul.f32 $1.442695020e+00, v5;
	v5 =	vld [tilespmem:s31+$0xFFFFF680]  }
0x178: {  	(erf) = vpow2.f32 v2;
	v2 =	vmul.f32 $1.442695020e+00, v6;
	v6 =	vld [tilespmem:s31+$0xFFFFF700]  }
0x179: {  	(erf) = vpow2.f32 v3;
	v3 =	vmul.f32 $1.442695020e+00, v7;
	v7 =	vld [tilespmem:s31+$0xFFFFF780]  }
0x17a: {  	(erf) = vpow2.f32 v4;
	v4 =	vmul.f32 $1.442695020e+00, v8;
	v8 =	vld [tilespmem:s31+$0xFFFFF800]  }
0x17b: {  	v10 =	vpop (erf);
	(erf) = vpow2.f32 v2;
	v2 =	vmul.f32 $1.442695020e+00, v9;
	v9 =	vld [tilespmem:s31+$0xFFFFF880]  }
0x17c: {  	v11 =	vpop (erf);
	(erf) = vpow2.f32 v3;
	v3 =	vmul.f32 $1.442695020e+00, v5;
	v5 =	vld [tilespmem:s31+$0xFFFFF900]  }
0x17d: {  	v12 =	vpop (erf);
	(erf) = vpow2.f32 v4;
	v4 =	vmul.f32 $1.442695020e+00, v6;
	v6 =	vld [tilespmem:s31+$0xFFFFF980]  }
0x17e: {  	v13 =	vpop (erf);
	(erf) = vpow2.f32 v2;
	v2 =	vmul.f32 $1.442695020e+00, v7;
	v7 =	vld [tilespmem:s31+$0xFFFFFA00]  }
0x17f: {  	v14 =	vpop (erf);
	(erf) = vpow2.f32 v3;
	v3 =	vmul.f32 $1.442695020e+00, v8;
	v8 =	vld [tilespmem:s31+$0xFFFFFA80]  }
0x180: {  	v15 =	vpop (erf);
	(erf) = vpow2.f32 v4;
	v4 =	vmul.f32 $1.442695020e+00, v9;
	v9 =	vld [tilespmem:s31+$0xFFFFFB00]  }
0x181: {  	v16 =	vpop (erf);
	(erf) = vpow2.f32 v2;
	v2 =	vmul.f32 $1.442695020e+00, v5;
	v5 =	vld [tilespmem:s31+$0xFFFFFB80]  }
0x182: {  	v17 =	vpop (erf);
	(erf) = vpow2.f32 v3;
	v3 =	vmul.f32 $1.442695020e+00, v6;
	v6 =	vld [tilespmem:s31+$0xFFFFFC00]  }
0x183: {  	v18 =	vpop (erf);
	(erf) = vpow2.f32 v4;
	v4 =	vmul.f32 $1.442695020e+00, v7;
	v7 =	vld [tilespmem:s31+$0xFFFFFC80]  }
0x184: {  	v19 =	vpop (erf);
	(erf) = vpow2.f32 v2;
	v2 =	vmul.f32 $1.442695020e+00, v8;
	v8 =	vld [tilespmem:s31+$0xFFFFFD00]  }
0x185: {  	v20 =	vpop (erf);
	(erf) = vpow2.f32 v3;
	v3 =	vmul.f32 $1.442695020e+00, v9;
	v9 =	vld [tilespmem:s31+$0xFFFFFD80]  }
0x186: {  	v21 =	vpop (erf);
	(erf) = vpow2.f32 v4;
	v4 =	vmul.f32 $1.442695020e+00, v5;
	v5 =	vld [tilespmem:s31+$0xFFFFFE00]  }
0x187: {  	v22 =	vpop (erf);
	(erf) = vpow2.f32 v2;
	v2 =	vmul.f32 $1.442695020e+00, v6;
	v6 =	vld [tilespmem:s31+$0xFFFFFE80]  }
0x188: {  	v23 =	vpop (erf);
	(erf) = vpow2.f32 v3;
	v3 =	vmul.f32 $1.442695020e+00, v7;
	v7 =	vld [tilespmem:s31+$0xFFFFFF00]  }
0x189: {  	v24 =	vpop (erf);
	(erf) = vpow2.f32 v4;
	v4 =	vmul.f32 $1.442695020e+00, v8;
	v8 =	vld [tilespmem:s31+$0xFFFFFF80]  }
0x18a: {  	v25 =	vpop (erf);
	(erf) = vpow2.f32 v2;
	v2 =	vmul.f32 $1.442695020e+00, v9;
	v9 =	vld [tilespmem:s31+$0x0]  }
0x18b: {  	v26 =	vpop (erf);
	(erf) = vpow2.f32 v3;
	v3 =	vmul.f32 $1.442695020e+00, v5;
	v5 =	vld [tilespmem:s31+$0x80]  }
0x18c: {  	v27 =	vpop (erf);
	(erf) = vpow2.f32 v4;
	v4 =	vmul.f32 $1.442695020e+00, v6;
	v6 =	vld [tilespmem:s31+$0x100]  }
0x18d: {  	v28 =	vpop (erf);
	(erf) = vpow2.f32 v2;
	v2 =	vmul.f32 $1.442695020e+00, v7;
	v7 =	vld [tilespmem:s31+$0x180]  }
0x18e: {  	v29 =	vpop (erf);
	(erf) = vpow2.f32 v3;
	v3 =	vmul.f32 $1.442695020e+00, v8;
	v8 =	vld [tilespmem:s31+$0x200]  }
0x18f: {  	v30 =	vpop (erf);
	(erf) = vpow2.f32 v4;
	v4 =	vmul.f32 $1.442695020e+00, v9;
	v9 =	vld [tilespmem:s31+$0x280]  }
0x190: {  	v31 =	vpop (erf);
	(erf) = vpow2.f32 v2;
	v2 =	vmul.f32 $1.442695020e+00, v5;
	v5 =	vld [tilespmem:s31+$0x300]  }
0x191: {  	v60 =	vpop (erf);
	(erf) = vpow2.f32 v3;
	v3 =	vmul.f32 $1.442695020e+00, v6;
	v6 =	vld [tilespmem:s31+$0x380]  }
0x192: {  	v61 =	vpop (erf);
	(erf) = vpow2.f32 v4;
	v4 =	vmul.f32 $1.442695020e+00, v7;
	v7 =	vld [tilespmem:s31+$0x400]  }
0x193: {  	v62 =	vpop (erf);
	(erf) = vpow2.f32 v2;
	v2 =	vmul.f32 $1.442695020e+00, v8;
	v8 =	vld [tilespmem:s31+$0x480]  }
0x194: {  	v63 =	vpop (erf);
	(erf) = vpow2.f32 v3;
	v3 =	vmul.f32 $1.442695020e+00, v9;
	v9 =	vld [tilespmem:s31+$0x500]  }
0x195: {  	v40 =	vpop (erf);
	(erf) = vpow2.f32 v4;
	v4 =	vmul.f32 $1.442695020e+00, v5;
	v5 =	vld [tilespmem:s31+$0x580]  }
0x196: {  	v41 =	vpop (erf);
	(erf) = vpow2.f32 v2;
	v2 =	vmul.f32 $1.442695020e+00, v6;
	v6 =	vld [tilespmem:s31+$0x600]  }
0x197: {  	v10 =	vadd.f32 v11, v10;
	v42 =	vpop (erf);
	(erf) = vpow2.f32 v3;
	v3 =	vmul.f32 $1.442695020e+00, v7;
	v7 =	vld [tilespmem:s31+$0x680]  }
0x198: {  	v12 =	vadd.f32 v13, v12;
	v11 =	vpop (erf);
	(erf) = vpow2.f32 v4;
	v4 =	vmul.f32 $1.442695020e+00, v8;
	v8 =	vld [tilespmem:s31+$0x700]  }
0x199: {  	v16 =	vadd.f32 v17, v16;
	v13 =	vpop (erf);
	(erf) = vpow2.f32 v2;
	v2 =	vmul.f32 $1.442695020e+00, v9;
	v9 =	vld [tilespmem:s31+$0x780]  }
0x19a: {  	v14 =	vadd.f32 v15, v14;
	v15 =	vpop (erf);
	(erf) = vpow2.f32 v3;
	v3 =	vmul.f32 $1.442695020e+00, v5;
	v5 =	vld [tilespmem:s31+$0x800]  }
0x19b: {  	v10 =	vadd.f32 v12, v10;
	v17 =	vpop (erf);
	(erf) = vpow2.f32 v4;
	v4 =	vmul.f32 $1.442695020e+00, v6;
	v6 =	vld [tilespmem:s31+$0x880]  }
0x19c: {  	v14 =	vadd.f32 v16, v14;
	v12 =	vpop (erf);
	(erf) = vpow2.f32 v2;
	v2 =	vmul.f32 $1.442695020e+00, v7;
	v7 =	vld [tilespmem:s31+$0x900]  }
0x19d: {  	v18 =	vadd.f32 v19, v18;
	v16 =	vpop (erf);
	(erf) = vpow2.f32 v3;
	v3 =	vmul.f32 $1.442695020e+00, v8;
	v8 =	vld [tilespmem:s31+$0x980]  }
0x19e: {  	v20 =	vadd.f32 v21, v20;
	v19 =	vpop (erf);
	(erf) = vpow2.f32 v4;
	v4 =	vmul.f32 $1.442695020e+00, v9;
	v9 =	vld [tilespmem:s31+$0xA00]  }
0x19f: {  	v24 =	vadd.f32 v25, v24;
	v21 =	vpop (erf);
	(erf) = vpow2.f32 v2;
	v2 =	vmul.f32 $1.442695020e+00, v5;
	v5 =	vld [tilespmem:s31+$0xA80]  }
0x1a0: {  	v22 =	vadd.f32 v23, v22;
	v23 =	vpop (erf);
	(erf) = vpow2.f32 v3;
	v3 =	vmul.f32 $1.442695020e+00, v6;
	v6 =	vld [tilespmem:s31+$0xB00]  }
0x1a1: {  	v18 =	vadd.f32 v20, v18;
	v25 =	vpop (erf);
	(erf) = vpow2.f32 v4;
	v4 =	vmul.f32 $1.442695020e+00, v7;
	v7 =	vld [tilespmem:s31+$0xB80]  }
0x1a2: {  	v22 =	vadd.f32 v24, v22;
	v20 =	vpop (erf);
	(erf) = vpow2.f32 v2;
	v2 =	vmul.f32 $1.442695020e+00, v8;
	v8 =	vld [tilespmem:s31+$0xC00]  }
0x1a3: {  	v26 =	vadd.f32 v27, v26;
	v24 =	vpop (erf);
	(erf) = vpow2.f32 v3;
	v3 =	vmul.f32 $1.442695020e+00, v9;
	v9 =	vld [tilespmem:s31+$0xC80]  }
0x1a4: {  	v28 =	vadd.f32 v29, v28;
	v27 =	vpop (erf);
	(erf) = vpow2.f32 v4;
	v4 =	vmul.f32 $1.442695020e+00, v5;
	v5 =	vld [tilespmem:s31+$0xD00]  }
0x1a5: {  	v29 =	vpop (erf);
	(erf) = vpow2.f32 v2;
	v2 =	vmul.f32 $1.442695020e+00, v6;
	v6 =	vld [tilespmem:s31+$0xD80]  }
0x1a6: {  	v30 =	vadd.f32 v31, v30;
	v31 =	vpop (erf);
	(erf) = vpow2.f32 v3;
	v3 =	vmul.f32 $1.442695020e+00, v7;
	v7 =	vld [tilespmem:s31+$0xE00]  }
0x1a7: {  	v43 =	vpop (erf);
	(erf) = vpow2.f32 v4;
	v4 =	vmul.f32 $1.442695020e+00, v8;
	v8 =	vld [tilespmem:s31+$0xE80]  }
0x1a8: {  	v26 =	vadd.f32 v28, v26;
	v28 =	vpop (erf);
	(erf) = vpow2.f32 v2;
	v2 =	vmul.f32 $1.442695020e+00, v9  }
0x1a9: {  	v34 =	vadd.f32 v63, v62;
	v9 =	vld [tilespmem:s31+$0xF00];
	v44 =	vpop (erf);
	(erf) = vpow2.f32 v3;
	v3 =	vmul.f32 $1.442695020e+00, v5  }
0x1aa: {  	v5 =	vld [tilespmem:s31+$0xF80];
	v45 =	vpop (erf);
	(erf) = vpow2.f32 v4;
	v4 =	vmul.f32 $1.442695020e+00, v6;
	v6 =	vadd.f32 v41, v40  }
0x1ab: {  	v46 =	vpop (erf);
	(erf) = vpow2.f32 v2;
	v2 =	vmul.f32 $1.442695020e+00, v7;
	v7 =	vadd.f32 v11, v42  }
0x1ac: {  	v32 =	vadd.f32 v61, v60;
	v11 =	vpop (erf);
	(erf) = vpow2.f32 v3;
	v3 =	vmul.f32 $1.442695020e+00, v8  }
0x1ad: {  	v8 =	vadd.f32 v15, v13;
	v6 =	vadd.f32 v6, v34;
	v13 =	vpop (erf);
	(erf) = vpow2.f32 v4  }
0x1ae: {  	v30 =	vadd.f32 v32, v30;
	v4 =	vmul.f32 $1.442695020e+00, v9;
	v9 =	vpop (erf);
	(erf) = vpow2.f32 v2  }
0x1af: {  	v2 =	vmul.f32 $1.442695020e+00, v5;
	v5 =	vadd.f32 v8, v7;
	v7 =	vpop (erf);
	(erf) = vpow2.f32 v3  }
0x1b0: {  	v15 =	vadd.f32 v23, v21;
	v3 =	vadd.f32 v14, v10;
	v10 =	vpop (erf);
	(erf) = vpow2.f32 v4  }
0x1b1: {  	v21 =	vadd.f32 v28, v43;
	v5 =	vadd.f32 v5, v6;
	v6 =	vpop (erf);
	(erf) = vpow2.f32 v2  }
0x1b2: {  	v11 =	vadd.f32 v11, v46;
	v2 =	vadd.f32 v12, v17;
	v14 =	vpop (erf)  }
0x1b3: {  	v12 =	vadd.f32 v19, v16;
	v19 =	vadd.f32 v31, v29;
	v17 =	vpop (erf)  }
0x1b4: {  	v8 =	vadd.f32 v22, v18;
	v16 =	vadd.f32 v20, v25;
	v20 =	vpop (erf)  }
0x1b5: {  	v18 =	vadd.f32 v27, v24;
	v22 =	vadd.f32 v45, v44;
	v23 =	vpop (erf)  }
0x1b6: {  	v9 =	vadd.f32 v9, v13;
	v12 =	vadd.f32 v12, v2;
	v2 =	vpop (erf)  }
0x1b7: {  	v15 =	vadd.f32 v16, v15;
	v16 =	vadd.f32 v19, v18;
	v19 =	vpop (erf)  }
0x1b8: {  	v4 =	vadd.f32 v30, v26;
	v7 =	vadd.f32 v10, v7;
	v13 =	vpop (erf)  }
0x1b9: {  	s23 =	simm.s32 $0x4C00;
	v9 =	vadd.f32 v9, v11;
	v6 =	vadd.f32 v14, v6;
	v10 =	vpop (erf)  }
0x1ba: {  	v14 =	vld [tilespmem:s23+$0x0];
	v17 =	vadd.f32 v20, v17;
	v2 =	vadd.f32 v2, v23;
	v20 =	vpop (erf)  }
0x1bb: {  	v13 =	vadd.f32 v13, v19;
	v10 =	vadd.f32 v20, v10  }
0x1bc: {  	v18 =	vadd.f32 v22, v21;
	v6 =	vadd.f32 v6, v7  }
0x1bd: {  	v7 =	vadd.f32 v2, v17;
	v10 =	vadd.f32 v10, v13  }
0x1be: {  	v11 =	vadd.f32 v15, v12;
	v12 =	vadd.f32 v18, v16;
	v2 =	vmov s22  }
0x1bf: {  	v6 =	vadd.f32 v6, v9;
	v13 =	vsub.s32 v14, v2;
	v7 =	vadd.f32 v10, v7  }
0x1c0: {  	v3 =	vadd.f32 v8, v3;
	v4 =	vadd.f32 v5, v4;
	vm14 =	vgt.s32 v13, $0x0  }
0x1c1: {  	v5 =	vadd.f32 v12, v11;
	s22 =	simm.s32 $0x4C80;
	v6 =	vadd.f32 v7, v6;
	v7 =	vnsel vm14, $0x0, v13  }
0x1c2: {  	v8 =	vld [tilespmem:s22+$0x0];
	v7 =	vmin.u32 v7, $0x3F  }
0x1c3: {  	v3 =	vadd.f32 v4, v3;
	v4 =	vadd.f32 v6, v5;
	v5 =	vshll.u32 v7, $0x7  }
0x1c4: {  	v5 =	vadd.s32 s30, v5  }
0x1c5: {  	v3 =	vadd.f32 v4, v3;
	v4 =	vadd.s32 v1, v5;
	_ =	sdelay $0x1  }
0x1c6: {  	v3 =	vadd.f32 v3, v8;
	_ =	sdelay $0x1  }
0x1c7: {  	[tilespmem:s22+$0x0] =	vst v3  }
0x1c8: {  	v3 =	vld.idx.msk [tilespmem:v4+s15+$0x0], $0xffff;
	_ =	sdelay $0x4  }
0x1c9: {  	v3 =	vmul.f32 $1.442695020e+00, v3;
	_ =	sdelay $0x1  }
0x1ca: {  	(erf) = vpow2.f32 v3;
	_ =	sdelay $0x4  }
0x1cb: {  	s24 =	simm.s32 $0x4D00  }
0x1cc: {  	v3 =	vld [tilespmem:s24+$0x0];
	_ =	sdelay $0x2  }
0x1cd: {  	vm15 =	vlt.u32 v13, $0x40;
	v4 =	vpop (erf)  }
0x1ce: {  	v4 =	vnsel vm15, $0x0, v4  }
0x1cf: {  	v3 =	vadd.f32 v4, v3;
	_ =	sdelay $0x1  }
0x1d0: {  	s25 =	simm.s32 $0x3010;
	[tilespmem:s24+$0x0] =	vst v3  }
0x1d1: {  	v3 =	vld [tilespmem:s25+$0xFFFFF000]  }
0x1d2: {  	v4 =	vld [tilespmem:s25+$0xFFFFF080]  }
0x1d3: {  	v5 =	vld [tilespmem:s25+$0xFFFFF100]  }
0x1d4: {  	v6 =	vld [tilespmem:s25+$0xFFFFF180]  }
0x1d5: {  	v52 =	vld [tilespmem:s25+$0x500]  }
0x1d6: {  	v7 =	vld [tilespmem:s25+$0xFFFFF200]  }
0x1d7: {  	v8 =	vld [tilespmem:s25+$0xFFFFF280]  }
0x1d8: {  	v9 =	vld [tilespmem:s25+$0xFFFFF300];
	v3 =	vmul.f32 $1.442695020e+00, v3  }
0x1d9: {  	v10 =	vld [tilespmem:s25+$0xFFFFF380];
	v4 =	vmul.f32 $1.442695020e+00, v4;
	v5 =	vmul.f32 $1.442695020e+00, v5  }
0x1da: {  	v31 =	vld [tilespmem:s25+$0x480];
	v37 =	vmul.f32 $1.442695020e+00, v52;
	(erf) = vpow2.f32 v3  }
0x1db: {  	v3 =	vmul.f32 $1.442695020e+00, v6;
	v6 =	vld [tilespmem:s25+$0xFFFFF400];
	(erf) = vpow2.f32 v4  }
0x1dc: {  	v4 =	vmul.f32 $1.442695020e+00, v7;
	v7 =	vld [tilespmem:s25+$0xFFFFF480];
	(erf) = vpow2.f32 v5  }
0x1dd: {  	v5 =	vmul.f32 $1.442695020e+00, v8;
	v8 =	vld [tilespmem:s25+$0xFFFFF500];
	(erf) = vpow2.f32 v3  }
0x1de: {  	v3 =	vmul.f32 $1.442695020e+00, v9;
	v9 =	vld [tilespmem:s25+$0xFFFFF580];
	(erf) = vpow2.f32 v4  }
0x1df: {  	v4 =	vmul.f32 $1.442695020e+00, v10;
	v10 =	vld [tilespmem:s25+$0xFFFFF600];
	(erf) = vpow2.f32 v5  }
0x1e0: {  	v5 =	vmul.f32 $1.442695020e+00, v6;
	v6 =	vld [tilespmem:s25+$0xFFFFF680];
	(erf) = vpow2.f32 v3  }
0x1e1: {  	v3 =	vmul.f32 $1.442695020e+00, v7;
	v7 =	vld [tilespmem:s25+$0xFFFFF700];
	(erf) = vpow2.f32 v4  }
0x1e2: {  	v4 =	vmul.f32 $1.442695020e+00, v8;
	v8 =	vld [tilespmem:s25+$0xFFFFF780];
	(erf) = vpow2.f32 v5  }
0x1e3: {  	v5 =	vmul.f32 $1.442695020e+00, v9;
	v9 =	vld [tilespmem:s25+$0xFFFFF800];
	v11 =	vpop (erf);
	(erf) = vpow2.f32 v3  }
0x1e4: {  	v3 =	vmul.f32 $1.442695020e+00, v10;
	v10 =	vld [tilespmem:s25+$0xFFFFF880];
	v12 =	vpop (erf);
	(erf) = vpow2.f32 v4  }
0x1e5: {  	v4 =	vmul.f32 $1.442695020e+00, v6;
	v6 =	vld [tilespmem:s25+$0xFFFFF900];
	v13 =	vpop (erf);
	(erf) = vpow2.f32 v5  }
0x1e6: {  	v5 =	vmul.f32 $1.442695020e+00, v7;
	v7 =	vld [tilespmem:s25+$0xFFFFF980];
	v11 =	vadd.f32 v12, v11;
	v12 =	vmul.f32 $1.442695020e+00, v31  }
0x1e7: {  	v14 =	vpop (erf);
	(erf) = vpow2.f32 v3;
	v3 =	vmul.f32 $1.442695020e+00, v8;
	v8 =	vld [tilespmem:s25+$0xFFFFFA00]  }
0x1e8: {  	v15 =	vpop (erf);
	(erf) = vpow2.f32 v4;
	v4 =	vmul.f32 $1.442695020e+00, v9;
	v9 =	vld [tilespmem:s25+$0xFFFFFA80]  }
0x1e9: {  	v16 =	vpop (erf);
	(erf) = vpow2.f32 v5;
	v5 =	vmul.f32 $1.442695020e+00, v10;
	v10 =	vld [tilespmem:s25+$0xFFFFFB00]  }
0x1ea: {  	v17 =	vpop (erf);
	(erf) = vpow2.f32 v3;
	v3 =	vmul.f32 $1.442695020e+00, v6;
	v6 =	vld [tilespmem:s25+$0xFFFFFB80]  }
0x1eb: {  	v18 =	vpop (erf);
	(erf) = vpow2.f32 v4;
	v4 =	vmul.f32 $1.442695020e+00, v7;
	v7 =	vld [tilespmem:s25+$0xFFFFFC00]  }
0x1ec: {  	v19 =	vpop (erf);
	(erf) = vpow2.f32 v5;
	v5 =	vmul.f32 $1.442695020e+00, v8;
	v8 =	vld [tilespmem:s25+$0xFFFFFC80]  }
0x1ed: {  	v20 =	vpop (erf);
	(erf) = vpow2.f32 v3;
	v3 =	vmul.f32 $1.442695020e+00, v9;
	v9 =	vld [tilespmem:s25+$0xFFFFFD00]  }
0x1ee: {  	v21 =	vpop (erf);
	(erf) = vpow2.f32 v4;
	v4 =	vmul.f32 $1.442695020e+00, v10;
	v10 =	vld [tilespmem:s25+$0xFFFFFD80]  }
0x1ef: {  	v22 =	vpop (erf);
	(erf) = vpow2.f32 v5;
	v5 =	vmul.f32 $1.442695020e+00, v6;
	v6 =	vld [tilespmem:s25+$0xFFFFFE00]  }
0x1f0: {  	v23 =	vpop (erf);
	(erf) = vpow2.f32 v3;
	v3 =	vmul.f32 $1.442695020e+00, v7;
	v7 =	vld [tilespmem:s25+$0xFFFFFE80]  }
0x1f1: {  	v24 =	vpop (erf);
	(erf) = vpow2.f32 v4;
	v4 =	vmul.f32 $1.442695020e+00, v8;
	v8 =	vld [tilespmem:s25+$0xFFFFFF00]  }
0x1f2: {  	v25 =	vpop (erf);
	(erf) = vpow2.f32 v5;
	v5 =	vmul.f32 $1.442695020e+00, v9;
	v9 =	vld [tilespmem:s25+$0xFFFFFF80]  }
0x1f3: {  	v26 =	vpop (erf);
	(erf) = vpow2.f32 v3;
	v3 =	vmul.f32 $1.442695020e+00, v10;
	v10 =	vld [tilespmem:s25+$0x0]  }
0x1f4: {  	v27 =	vpop (erf);
	(erf) = vpow2.f32 v4;
	v4 =	vmul.f32 $1.442695020e+00, v6;
	v6 =	vld [tilespmem:s25+$0x80]  }
0x1f5: {  	v28 =	vpop (erf);
	(erf) = vpow2.f32 v5;
	v5 =	vmul.f32 $1.442695020e+00, v7;
	v7 =	vld [tilespmem:s25+$0x100]  }
0x1f6: {  	v29 =	vpop (erf);
	(erf) = vpow2.f32 v3;
	v3 =	vmul.f32 $1.442695020e+00, v8;
	v8 =	vld [tilespmem:s25+$0x180]  }
0x1f7: {  	v30 =	vpop (erf);
	(erf) = vpow2.f32 v4;
	v4 =	vmul.f32 $1.442695020e+00, v9;
	v9 =	vld [tilespmem:s25+$0x200]  }
0x1f8: {  	v47 =	vpop (erf);
	(erf) = vpow2.f32 v5;
	v5 =	vmul.f32 $1.442695020e+00, v10;
	v10 =	vld [tilespmem:s25+$0x280]  }
0x1f9: {  	v48 =	vpop (erf);
	(erf) = vpow2.f32 v3;
	v3 =	vmul.f32 $1.442695020e+00, v6;
	v6 =	vld [tilespmem:s25+$0x300]  }
0x1fa: {  	v49 =	vpop (erf);
	(erf) = vpow2.f32 v4;
	v4 =	vmul.f32 $1.442695020e+00, v7;
	v7 =	vld [tilespmem:s25+$0x380]  }
0x1fb: {  	v50 =	vpop (erf);
	(erf) = vpow2.f32 v5;
	v5 =	vmul.f32 $1.442695020e+00, v8;
	v8 =	vld [tilespmem:s25+$0x400]  }
0x1fc: {  	v40 =	vld [tilespmem:s25+$0x680];
	v51 =	vpop (erf);
	(erf) = vpow2.f32 v3;
	v9 =	vmul.f32 $1.442695020e+00, v9  }
0x1fd: {  	v39 =	vpop (erf);
	(erf) = vpow2.f32 v4;
	v4 =	vmul.f32 $1.442695020e+00, v10  }
0x1fe: {  	v53 =	vld [tilespmem:s25+$0x580];
	v3 =	vpop (erf);
	(erf) = vpow2.f32 v5;
	v10 =	vmul.f32 $1.442695020e+00, v6  }
0x1ff: {  	v31 =	vld [tilespmem:s25+$0x700];
	v5 =	vpop (erf);
	(erf) = vpow2.f32 v9;
	v7 =	vmul.f32 $1.442695020e+00, v7  }
0x200: {  	v9 =	vld [tilespmem:s25+$0x600];
	v6 =	vpop (erf);
	(erf) = vpow2.f32 v4;
	v4 =	vmul.f32 $1.442695020e+00, v8  }
0x201: {  	v60 =	vld [tilespmem:s25+$0xC00];
	v55 =	vmul.f32 $1.442695020e+00, v40;
	v8 =	vpop (erf);
	(erf) = vpow2.f32 v10  }
0x202: {  	v41 =	vld [tilespmem:s25+$0x780];
	v15 =	vadd.f32 v16, v15;
	v17 =	vadd.f32 v18, v17;
	v10 =	vpop (erf);
	(erf) = vpow2.f32 v7  }
0x203: {  	v54 =	vld [tilespmem:s25+$0x800];
	v14 =	vadd.f32 v14, v13;
	v16 =	vmul.f32 $1.442695020e+00, v53;
	v13 =	vpop (erf);
	(erf) = vpow2.f32 v4  }
0x204: {  	v42 =	vld [tilespmem:s25+$0x880];
	v15 =	vadd.f32 v17, v15;
	v17 =	vmul.f32 $1.442695020e+00, v31;
	v4 =	vpop (erf);
	(erf) = vpow2.f32 v12  }
0x205: {  	v31 =	vld [tilespmem:s25+$0x980];
	v18 =	vmul.f32 $1.442695020e+00, v9;
	v7 =	vpop (erf);
	(erf) = vpow2.f32 v37  }
0x206: {  	v56 =	vld [tilespmem:s25+$0x900];
	v63 =	vmul.f32 $1.442695020e+00, v60;
	v11 =	vadd.f32 v14, v11;
	v9 =	vpop (erf);
	(erf) = vpow2.f32 v16  }
0x207: {  	v19 =	vadd.f32 v20, v19;
	v20 =	vld [tilespmem:s25+$0xA00];
	v12 =	vpop (erf);
	(erf) = vpow2.f32 v18;
	v18 =	vmul.f32 $1.442695020e+00, v41  }
0x208: {  	v57 =	vld [tilespmem:s25+$0xA80];
	v21 =	vadd.f32 v22, v21;
	v22 =	vmul.f32 $1.442695020e+00, v54;
	v14 =	vpop (erf);
	(erf) = vpow2.f32 v55  }
0x209: {  	v58 =	vld [tilespmem:s25+$0xB00];
	v23 =	vadd.f32 v24, v23;
	v24 =	vmul.f32 $1.442695020e+00, v42;
	v16 =	vpop (erf);
	(erf) = vpow2.f32 v17  }
0x20a: {  	v59 =	vld [tilespmem:s25+$0xB80];
	v31 =	vmul.f32 $1.442695020e+00, v31;
	v25 =	vadd.f32 v26, v25;
	v17 =	vpop (erf);
	(erf) = vpow2.f32 v18  }
0x20b: {  	v43 =	vld [tilespmem:s25+$0xD00];
	v21 =	vadd.f32 v21, v19;
	v26 =	vmul.f32 $1.442695020e+00, v56;
	v18 =	vpop (erf);
	(erf) = vpow2.f32 v22  }
0x20c: {  	v23 =	vadd.f32 v25, v23;
	v25 =	vmul.f32 $1.442695020e+00, v20;
	v19 =	vpop (erf);
	(erf) = vpow2.f32 v24  }
0x20d: {  	v61 =	vld [tilespmem:s25+$0xC80];
	v27 =	vadd.f32 v28, v27;
	v28 =	vmul.f32 $1.442695020e+00, v57;
	v20 =	vpop (erf);
	(erf) = vpow2.f32 v26  }
0x20e: {  	v29 =	vadd.f32 v30, v29;
	v30 =	vmul.f32 $1.442695020e+00, v58;
	v22 =	vpop (erf);
	(erf) = vpow2.f32 v31  }
0x20f: {  	v31 =	vld [tilespmem:s25+$0xD80];
	v24 =	vpop (erf);
	(erf) = vpow2.f32 v25;
	v25 =	vmul.f32 $1.442695020e+00, v59  }
0x210: {  	v32 =	vld [tilespmem:s25+$0xE00];
	v38 =	vmul.f32 $1.442695020e+00, v43;
	v62 =	vadd.f32 v48, v47;
	v26 =	vpop (erf);
	(erf) = vpow2.f32 v28  }
0x211: {  	v33 =	vld [tilespmem:s25+$0xE80];
	v29 =	vadd.f32 v29, v27;
	v35 =	vadd.f32 v50, v49;
	v27 =	vpop (erf);
	(erf) = vpow2.f32 v30  }
0x212: {  	v34 =	vld [tilespmem:s25+$0xF00];
	v37 =	vmul.f32 $1.442695020e+00, v61;
	v28 =	vpop (erf);
	(erf) = vpow2.f32 v25  }
0x213: {  	s28 =	simm.s32 $0x20;
	s26 =	simm.s32 $0x10;
	v36 =	vadd.f32 v39, v51;
	v30 =	vadd.f32 v35, v62;
	v35 =	vld [tilespmem:s25+$0xF80];
	v25 =	vpop (erf);
	(erf) = vpow2.f32 v63  }
.LBB2_5:
0x214: {  	p1 =	sne.s32 s28, $0x70;
	v31 =	vmul.f32 $1.442695020e+00, v31;
	v3 =	vadd.f32 v5, v3;
	v5 =	vpop (erf);
	(erf) = vpow2.f32 v37  }
0x215: {  	v6 =	vadd.f32 v8, v6;
	v32 =	vmul.f32 $1.442695020e+00, v32;
	v8 =	vpop (erf);
	(erf) = vpow2.f32 v38  }
0x216: {  	v37 =	vadd.f32 v13, v10;
	v33 =	vmul.f32 $1.442695020e+00, v33;
	v13 =	vpop (erf);
	(erf) = vpow2.f32 v31  }
0x217: {  	v3 =	vadd.f32 v3, v36;
	v31 =	vmul.f32 $1.442695020e+00, v34;
	v34 =	vpop (erf);
	(erf) = vpow2.f32 v32  }
0x218: {  	v32 =	vmul.f32 $1.442695020e+00, v35;
	v35 =	vadd.f32 v37, v6;
	v10 =	vpop (erf);
	(erf) = vpow2.f32 v33  }
0x219: {  	v11 =	vadd.f32 v15, v11;
	v15 =	vadd.f32 v23, v21;
	v21 =	vpop (erf);
	(erf) = vpow2.f32 v31  }
0x21a: {  	v23 =	vadd.f32 v30, v29;
	v3 =	vadd.f32 v35, v3;
	v6 =	vpop (erf);
	(erf) = vpow2.f32 v32  }
0x21b: {  	v4 =	vadd.f32 v7, v4;
	v7 =	vadd.f32 v12, v9;
	v9 =	vpop (erf)  }
0x21c: {  	v29 =	vadd.f32 v16, v14;
	v14 =	vadd.f32 v18, v17;
	v16 =	vpop (erf)  }
0x21d: {  	v17 =	vadd.f32 v20, v19;
	v30 =	vadd.f32 v24, v22;
	v19 =	vpop (erf)  }
0x21e: {  	v20 =	vadd.f32 v27, v26;
	v22 =	vadd.f32 v25, v28;
	v24 =	vpop (erf)  }
0x21f: {  	v4 =	vadd.f32 v7, v4;
	v7 =	vadd.f32 v14, v29;
	v12 =	vpop (erf)  }
0x220: {  	v14 =	vadd.f32 v30, v17;
	v17 =	vadd.f32 v22, v20;
	v18 =	vpop (erf)  }
0x221: {  	v5 =	vadd.f32 v8, v5;
	v8 =	vadd.f32 v34, v13;
	v13 =	vpop (erf)  }
0x222: {  	s23 =	sadd.s32 $0x10, s23;
	v10 =	vadd.f32 v21, v10;
	v6 =	vadd.f32 v9, v6;
	v9 =	vpop (erf)  }
0x223: {  	v16 =	vadd.f32 v19, v16;
	v12 =	vadd.f32 v12, v24;
	v20 =	vld [tilespmem:s23+$0x0];
	v19 =	vpop (erf)  }
0x224: {  	v13 =	vadd.f32 v13, v18;
	v9 =	vadd.f32 v19, v9  }
0x225: {  	v5 =	vadd.f32 v8, v5;
	v6 =	vadd.f32 v6, v10  }
0x226: {  	v8 =	vadd.f32 v12, v16;
	v9 =	vadd.f32 v9, v13  }
0x227: {  	v4 =	vadd.f32 v7, v4;
	v7 =	vadd.f32 v17, v14  }
0x228: {  	v5 =	vadd.f32 v6, v5;
	v10 =	vsub.s32 v20, v2;
	v6 =	vadd.f32 v9, v8  }
0x229: {  	v3 =	vadd.f32 v3, v23;
	v8 =	vadd.f32 v15, v11;
	vm0 =	vgt.s32 v10, $0x0  }
0x22a: {  	s22 =	sadd.s32 $0x10, s22;
	v4 =	vadd.f32 v7, v4;
	v5 =	vadd.f32 v6, v5;
	v6 =	vnsel vm0, $0x0, v10  }
0x22b: {  	v7 =	vld [tilespmem:s22+$0x0];
	v6 =	vmin.u32 v6, $0x3F  }
0x22c: {  	v3 =	vadd.f32 v3, v8;
	v4 =	vadd.f32 v5, v4;
	v5 =	vshll.u32 v6, $0x7  }
0x22d: {  	v5 =	vadd.s32 s26, v5;
	s26 =	smov.u32 s28  }
0x22e: {  	v3 =	vadd.f32 v4, v3;
	v4 =	vadd.s32 v1, v5;
	_ =	sdelay $0x1  }
0x22f: {  	v3 =	vadd.f32 v3, v7;
	_ =	sdelay $0x1  }
0x230: {  	[tilespmem:s22+$0x0] =	vst v3  }
0x231: {  	s24 =	sadd.s32 $0x10, s24;
	v3 =	vld.idx.msk [tilespmem:v4+s15+$0x0], $0xffff  }
0x232: {  	v4 =	vld [tilespmem:s24+$0x0];
	_ =	sdelay $0x4  }
0x233: {  	v3 =	vmul.f32 $1.442695020e+00, v3;
	_ =	sdelay $0x1  }
0x234: {  	(erf) = vpow2.f32 v3;
	_ =	sdelay $0x8  }
0x235: {  	vm0 =	vlt.u32 v10, $0x40;
	v3 =	vpop (erf)  }
0x236: {  	v3 =	vnsel vm0, $0x0, v3  }
0x237: {  	v3 =	vadd.f32 v3, v4;
	_ =	sdelay $0x1  }
0x238: {  	s25 =	sadd.s32 $0x10, s25;
	[tilespmem:s24+$0x0] =	vst v3  }
0x239: {  	v3 =	vld [tilespmem:s25+$0xFFFFF000]  }
0x23a: {  	v4 =	vld [tilespmem:s25+$0xFFFFF080]  }
0x23b: {  	v5 =	vld [tilespmem:s25+$0xFFFFF100]  }
0x23c: {  	v6 =	vld [tilespmem:s25+$0xFFFFF180]  }
0x23d: {  	v7 =	vld [tilespmem:s25+$0xFFFFF200]  }
0x23e: {  	v3 =	vmul.f32 $1.442695020e+00, v3;
	v8 =	vld [tilespmem:s25+$0xFFFFF280]  }
0x23f: {  	v4 =	vmul.f32 $1.442695020e+00, v4;
	v9 =	vld [tilespmem:s25+$0xFFFFF300]  }
0x240: {  	v5 =	vmul.f32 $1.442695020e+00, v5;
	v10 =	vld [tilespmem:s25+$0xFFFFF380];
	(erf) = vpow2.f32 v3  }
0x241: {  	v3 =	vmul.f32 $1.442695020e+00, v6;
	v6 =	vld [tilespmem:s25+$0xFFFFF400];
	(erf) = vpow2.f32 v4  }
0x242: {  	v4 =	vmul.f32 $1.442695020e+00, v7;
	v7 =	vld [tilespmem:s25+$0xFFFFF480];
	(erf) = vpow2.f32 v5  }
0x243: {  	v5 =	vmul.f32 $1.442695020e+00, v8;
	v8 =	vld [tilespmem:s25+$0xFFFFF500];
	(erf) = vpow2.f32 v3  }
0x244: {  	v3 =	vmul.f32 $1.442695020e+00, v9;
	v9 =	vld [tilespmem:s25+$0xFFFFF580];
	(erf) = vpow2.f32 v4  }
0x245: {  	v4 =	vmul.f32 $1.442695020e+00, v10;
	v10 =	vld [tilespmem:s25+$0xFFFFF600];
	(erf) = vpow2.f32 v5  }
0x246: {  	v5 =	vmul.f32 $1.442695020e+00, v6;
	v6 =	vld [tilespmem:s25+$0xFFFFF680];
	(erf) = vpow2.f32 v3  }
0x247: {  	v3 =	vmul.f32 $1.442695020e+00, v7;
	v11 =	vld [tilespmem:s25+$0xFFFFF700];
	(erf) = vpow2.f32 v4  }
0x248: {  	v16 =	vmul.f32 $1.442695020e+00, v8;
	v12 =	vld [tilespmem:s25+$0xFFFFF780];
	(erf) = vpow2.f32 v5  }
0x249: {  	v5 =	vmul.f32 $1.442695020e+00, v9;
	v13 =	vld [tilespmem:s25+$0xFFFFF800];
	v4 =	vpop (erf);
	(erf) = vpow2.f32 v3  }
0x24a: {  	v3 =	vmul.f32 $1.442695020e+00, v10;
	v14 =	vld [tilespmem:s25+$0xFFFFF880];
	v8 =	vpop (erf);
	(erf) = vpow2.f32 v16  }
0x24b: {  	v6 =	vmul.f32 $1.442695020e+00, v6;
	v15 =	vld [tilespmem:s25+$0xFFFFF900];
	v7 =	vpop (erf);
	(erf) = vpow2.f32 v5  }
0x24c: {  	v5 =	vmul.f32 $1.442695020e+00, v11;
	v16 =	vld [tilespmem:s25+$0xFFFFF980];
	v10 =	vpop (erf);
	(erf) = vpow2.f32 v3  }
0x24d: {  	v3 =	vmul.f32 $1.442695020e+00, v12;
	v17 =	vld [tilespmem:s25+$0xFFFFFA00];
	v9 =	vpop (erf);
	(erf) = vpow2.f32 v6  }
0x24e: {  	v6 =	vmul.f32 $1.442695020e+00, v13;
	v18 =	vld [tilespmem:s25+$0xFFFFFA80];
	v13 =	vpop (erf);
	(erf) = vpow2.f32 v5  }
0x24f: {  	v5 =	vmul.f32 $1.442695020e+00, v14;
	v19 =	vld [tilespmem:s25+$0xFFFFFB00];
	v11 =	vpop (erf);
	(erf) = vpow2.f32 v3  }
0x250: {  	v3 =	vmul.f32 $1.442695020e+00, v15;
	v15 =	vld [tilespmem:s25+$0xFFFFFB80];
	v21 =	vpop (erf);
	(erf) = vpow2.f32 v6  }
0x251: {  	v6 =	vmul.f32 $1.442695020e+00, v16;
	v20 =	vld [tilespmem:s25+$0xFFFFFC00];
	v12 =	vpop (erf);
	(erf) = vpow2.f32 v5  }
0x252: {  	v5 =	vmul.f32 $1.442695020e+00, v17;
	v22 =	vld [tilespmem:s25+$0xFFFFFC80];
	v16 =	vpop (erf);
	(erf) = vpow2.f32 v3  }
0x253: {  	v3 =	vmul.f32 $1.442695020e+00, v18;
	v23 =	vld [tilespmem:s25+$0xFFFFFD00];
	v14 =	vpop (erf);
	(erf) = vpow2.f32 v6  }
0x254: {  	v6 =	vmul.f32 $1.442695020e+00, v19;
	v24 =	vld [tilespmem:s25+$0xFFFFFD80];
	v18 =	vpop (erf);
	(erf) = vpow2.f32 v5  }
0x255: {  	v5 =	vmul.f32 $1.442695020e+00, v15;
	v15 =	vld [tilespmem:s25+$0xFFFFFE00];
	v17 =	vpop (erf);
	(erf) = vpow2.f32 v3  }
0x256: {  	v3 =	vmul.f32 $1.442695020e+00, v20;
	v25 =	vld [tilespmem:s25+$0xFFFFFE80];
	v27 =	vpop (erf);
	(erf) = vpow2.f32 v6  }
0x257: {  	v6 =	vmul.f32 $1.442695020e+00, v22;
	v26 =	vld [tilespmem:s25+$0xFFFFFF00];
	v19 =	vpop (erf);
	(erf) = vpow2.f32 v5  }
0x258: {  	v5 =	vmul.f32 $1.442695020e+00, v23;
	v23 =	vld [tilespmem:s25+$0xFFFFFF80];
	v28 =	vpop (erf);
	(erf) = vpow2.f32 v3  }
0x259: {  	v3 =	vmul.f32 $1.442695020e+00, v24;
	v29 =	vld [tilespmem:s25+$0x0];
	v20 =	vpop (erf);
	(erf) = vpow2.f32 v6  }
0x25a: {  	v6 =	vmul.f32 $1.442695020e+00, v15;
	v15 =	vld [tilespmem:s25+$0x80];
	v24 =	vpop (erf);
	(erf) = vpow2.f32 v5  }
0x25b: {  	v5 =	vmul.f32 $1.442695020e+00, v25;
	v25 =	vld [tilespmem:s25+$0x100];
	v22 =	vpop (erf);
	(erf) = vpow2.f32 v3  }
0x25c: {  	v3 =	vmul.f32 $1.442695020e+00, v26;
	v30 =	vld [tilespmem:s25+$0x180];
	v31 =	vpop (erf);
	(erf) = vpow2.f32 v6  }
0x25d: {  	v6 =	vmul.f32 $1.442695020e+00, v23;
	v23 =	vld [tilespmem:s25+$0x200];
	v26 =	vpop (erf);
	(erf) = vpow2.f32 v5  }
0x25e: {  	v5 =	vmul.f32 $1.442695020e+00, v29;
	v29 =	vld [tilespmem:s25+$0x280];
	v32 =	vpop (erf);
	(erf) = vpow2.f32 v3  }
0x25f: {  	v3 =	vmul.f32 $1.442695020e+00, v15;
	v15 =	vld [tilespmem:s25+$0x300];
	v33 =	vpop (erf);
	(erf) = vpow2.f32 v6  }
0x260: {  	v6 =	vmul.f32 $1.442695020e+00, v25;
	v34 =	vld [tilespmem:s25+$0x380];
	v35 =	vpop (erf);
	(erf) = vpow2.f32 v5  }
0x261: {  	v40 =	vmul.f32 $1.442695020e+00, v30;
	v30 =	vld [tilespmem:s25+$0x400];
	v25 =	vpop (erf);
	(erf) = vpow2.f32 v3  }
0x262: {  	v23 =	vmul.f32 $1.442695020e+00, v23;
	v36 =	vld [tilespmem:s25+$0x480];
	v39 =	vpop (erf);
	(erf) = vpow2.f32 v6  }
0x263: {  	v29 =	vmul.f32 $1.442695020e+00, v29;
	v37 =	vld [tilespmem:s25+$0x500];
	v3 =	vpop (erf);
	(erf) = vpow2.f32 v40  }
0x264: {  	v15 =	vmul.f32 $1.442695020e+00, v15;
	v38 =	vld [tilespmem:s25+$0x580];
	v5 =	vpop (erf);
	(erf) = vpow2.f32 v23  }
0x265: {  	v23 =	vmul.f32 $1.442695020e+00, v34;
	v34 =	vld [tilespmem:s25+$0x600];
	v6 =	vpop (erf);
	(erf) = vpow2.f32 v29  }
0x266: {  	v40 =	vadd.f32 v8, v4;
	v29 =	vmul.f32 $1.442695020e+00, v30;
	v30 =	vld [tilespmem:s25+$0x680];
	v8 =	vpop (erf);
	(erf) = vpow2.f32 v15  }
0x267: {  	v42 =	vadd.f32 v10, v7;
	v15 =	vmul.f32 $1.442695020e+00, v36;
	v36 =	vld [tilespmem:s25+$0x700];
	v10 =	vpop (erf);
	(erf) = vpow2.f32 v23  }
0x268: {  	v43 =	vadd.f32 v13, v9;
	v23 =	vmul.f32 $1.442695020e+00, v37;
	v37 =	vld [tilespmem:s25+$0x780];
	v13 =	vpop (erf);
	(erf) = vpow2.f32 v29  }
0x269: {  	v21 =	vadd.f32 v21, v11;
	v29 =	vmul.f32 $1.442695020e+00, v38;
	v38 =	vld [tilespmem:s25+$0x800];
	v4 =	vpop (erf);
	(erf) = vpow2.f32 v15  }
0x26a: {  	v11 =	vadd.f32 v42, v40;
	v34 =	vmul.f32 $1.442695020e+00, v34;
	v41 =	vld [tilespmem:s25+$0x880];
	v7 =	vpop (erf);
	(erf) = vpow2.f32 v23  }
0x26b: {  	v15 =	vadd.f32 v21, v43;
	v23 =	vmul.f32 $1.442695020e+00, v30;
	v30 =	vld [tilespmem:s25+$0x900];
	v9 =	vpop (erf);
	(erf) = vpow2.f32 v29  }
0x26c: {  	v21 =	vmul.f32 $1.442695020e+00, v36;
	v29 =	vld [tilespmem:s25+$0x980];
	v36 =	vadd.f32 v16, v12;
	v12 =	vpop (erf);
	(erf) = vpow2.f32 v34  }
0x26d: {  	v42 =	vadd.f32 v18, v14;
	v34 =	vmul.f32 $1.442695020e+00, v37;
	v37 =	vld [tilespmem:s25+$0xA00];
	v14 =	vpop (erf);
	(erf) = vpow2.f32 v23  }
0x26e: {  	v27 =	vadd.f32 v27, v17;
	v23 =	vmul.f32 $1.442695020e+00, v38;
	v38 =	vld [tilespmem:s25+$0xA80];
	v16 =	vpop (erf);
	(erf) = vpow2.f32 v21  }
0x26f: {  	v43 =	vadd.f32 v28, v19;
	v40 =	vmul.f32 $1.442695020e+00, v41;
	v41 =	vld [tilespmem:s25+$0xB00];
	v17 =	vpop (erf);
	(erf) = vpow2.f32 v34  }
0x270: {  	v21 =	vadd.f32 v42, v36;
	v28 =	vmul.f32 $1.442695020e+00, v30;
	v30 =	vld [tilespmem:s25+$0xB80];
	v18 =	vpop (erf);
	(erf) = vpow2.f32 v23  }
0x271: {  	v23 =	vadd.f32 v43, v27;
	v29 =	vmul.f32 $1.442695020e+00, v29;
	v34 =	vld [tilespmem:s25+$0xC00];
	v19 =	vpop (erf);
	(erf) = vpow2.f32 v40  }
0x272: {  	v27 =	vmul.f32 $1.442695020e+00, v37;
	v36 =	vld [tilespmem:s25+$0xC80];
	v37 =	vadd.f32 v24, v20;
	v20 =	vpop (erf);
	(erf) = vpow2.f32 v28  }
0x273: {  	v40 =	vadd.f32 v31, v22;
	v28 =	vmul.f32 $1.442695020e+00, v38;
	v38 =	vld [tilespmem:s25+$0xD00];
	v22 =	vpop (erf);
	(erf) = vpow2.f32 v29  }
.Ltmp1:
0x274: {  	v42 =	vadd.f32 v32, v26;
	v41 =	vmul.f32 $1.442695020e+00, v41;
	v31 =	vld [tilespmem:s25+$0xD80];
	v24 =	vpop (erf);
	(erf) = vpow2.f32 v27;
	(pc) =	sbr.rel @p1 .LBB2_5-.Ltmp1, $4  }
0x275: {  	v43 =	vmul.f32 $1.442695020e+00, v30;
	v32 =	vld [tilespmem:s25+$0xE00];
	v30 =	vadd.f32 v35, v33;
	v26 =	vpop (erf);
	(erf) = vpow2.f32 v28  }
0x276: {  	v29 =	vadd.f32 v40, v37;
	v44 =	vmul.f32 $1.442695020e+00, v34;
	v33 =	vld [tilespmem:s25+$0xE80];
	v27 =	vpop (erf);
	(erf) = vpow2.f32 v41  }
0x277: {  	v37 =	vmul.f32 $1.442695020e+00, v36;
	v34 =	vld [tilespmem:s25+$0xF00];
	v30 =	vadd.f32 v30, v42;
	v28 =	vpop (erf);
	(erf) = vpow2.f32 v43  }
0x278: {  	s28 =	sadd.s32 $0x10, s28;
	v36 =	vadd.f32 v39, v25;
	v38 =	vmul.f32 $1.442695020e+00, v38;
	v35 =	vld [tilespmem:s25+$0xF80];
	v25 =	vpop (erf);
	(erf) = vpow2.f32 v44  }
0x279: {  	v31 =	vmul.f32 $1.442695020e+00, v31;
	v3 =	vadd.f32 v5, v3;
	v55 =	vpop (erf);
	(erf) = vpow2.f32 v37  }
0x27a: {  	v6 =	vadd.f32 v8, v6;
	v32 =	vmul.f32 $1.442695020e+00, v32;
	v56 =	vpop (erf);
	(erf) = vpow2.f32 v38  }
0x27b: {  	v10 =	vadd.f32 v13, v10;
	v33 =	vmul.f32 $1.442695020e+00, v33;
	v57 =	vpop (erf);
	(erf) = vpow2.f32 v31  }
0x27c: {  	v11 =	vadd.f32 v15, v11;
	v58 =	vmul.f32 $1.442695020e+00, v34;
	v59 =	vpop (erf);
	(erf) = vpow2.f32 v32  }
0x27d: {  	v62 =	vadd.f32 v23, v21;
	v60 =	vmul.f32 $1.442695020e+00, v35;
	v61 =	vpop (erf);
	(erf) = vpow2.f32 v33  }
0x27e: {  	v4 =	vadd.f32 v7, v4;
	v37 =	vadd.f32 v16, v14;
	v63 =	vpop (erf);
	(erf) = vpow2.f32 v58  }
0x27f: {  	v40 =	vadd.f32 v20, v19;
	v41 =	vadd.f32 v24, v22;
	v33 =	vpop (erf);
	(erf) = vpow2.f32 v60  }
0x280: {  	v43 =	vadd.f32 v27, v26;
	v3 =	vadd.f32 v3, v36;
	v36 =	vpop (erf)  }
0x281: {  	v44 =	vadd.f32 v25, v28;
	v38 =	vadd.f32 v18, v17;
	v39 =	vpop (erf)  }
0x282: {  	v6 =	vadd.f32 v10, v6;
	v31 =	vadd.f32 v30, v29;
	v42 =	vpop (erf)  }
0x283: {  	v48 =	vadd.f32 v41, v40;
	v49 =	vadd.f32 v44, v43;
	v45 =	vpop (erf)  }
0x284: {  	v5 =	vadd.f32 v56, v55;
	v35 =	vadd.f32 v12, v9;
	v47 =	vpop (erf)  }
0x285: {  	v46 =	vadd.f32 v38, v37;
	v3 =	vadd.f32 v6, v3;
	v50 =	vpop (erf)  }
0x286: {  	v51 =	vadd.f32 v59, v57;
	v4 =	vadd.f32 v35, v4;
	v52 =	vpop (erf)  }
0x287: {  	s23 =	sadd.s32 $0x10, s23;
	v10 =	vadd.f32 v63, v61;
	v6 =	vadd.f32 v36, v33;
	v53 =	vpop (erf)  }
0x288: {  	v54 =	vld [tilespmem:s23+$0x0];
	v16 =	vadd.f32 v42, v39;
	v12 =	vadd.f32 v47, v45;
	v55 =	vpop (erf)  }
0x289: {  	v13 =	vadd.f32 v52, v50;
	v9 =	vadd.f32 v55, v53  }
0x28a: {  	v5 =	vadd.f32 v51, v5;
	v6 =	vadd.f32 v6, v10  }
0x28b: {  	v56 =	vadd.f32 v12, v16;
	v9 =	vadd.f32 v9, v13  }
0x28c: {  	v57 =	vadd.f32 v49, v48;
	v4 =	vadd.f32 v46, v4  }
0x28d: {  	v2 =	vsub.s32 v54, v2;
	v5 =	vadd.f32 v6, v5;
	v58 =	vadd.f32 v9, v56  }
0x28e: {  	v59 =	vadd.f32 v62, v11;
	v3 =	vadd.f32 v3, v31;
	vm0 =	vgt.s32 v2, $0x0  }
0x28f: {  	s22 =	sadd.s32 $0x10, s22;
	v60 =	vnsel vm0, $0x0, v2;
	v4 =	vadd.f32 v57, v4;
	v5 =	vadd.f32 v58, v5  }
0x290: {  	v61 =	vld [tilespmem:s22+$0x0];
	v6 =	vmin.u32 v60, $0x3F  }
0x291: {  	v3 =	vadd.f32 v3, v59;
	v62 =	vshll.u32 v6, $0x7;
	v4 =	vadd.f32 v5, v4  }
0x292: {  	v5 =	vadd.s32 s26, v62  }
0x293: {  	v63 =	vadd.s32 v1, v5;
	v3 =	vadd.f32 v4, v3;
	_ =	sdelay $0x1  }
0x294: {  	v3 =	vadd.f32 v3, v61;
	_ =	sdelay $0x1  }
0x295: {  	[tilespmem:s22+$0x0] =	vst v3  }
0x296: {  	v3 =	vld.idx.msk [tilespmem:v63+s15+$0x0], $0xffff;
	_ =	sdelay $0x4  }
0x297: {  	v3 =	vmul.f32 $1.442695020e+00, v3;
	_ =	sdelay $0x1  }
0x298: {  	(erf) = vpow2.f32 v3;
	_ =	sdelay $0x4  }
0x299: {  	s31 =	sadd.s32 $0x10, s24  }
0x29a: {  	v3 =	vld [tilespmem:s31+$0x0];
	_ =	sdelay $0x2  }
.Ltmp2:
0x29b: {  	vm15 =	vlt.u32 v2, $0x40;
	v2 =	vpop (erf);
	(pc) =	sbr.rel @p0 .LBB2_2-.Ltmp2, $3  }
0x29c: {  	v2 =	vnsel vm15, $0x0, v2  }
0x29d: {  	v2 =	vadd.f32 v2, v3;
	_ =	sdelay $0x1  }
0x29e: {  	p1 =	por $0x0, $0x0;
	s23 =	simm.s32 $0x1;
	[tilespmem:s31+$0x0] =	vst v2  }
0x29f: {  	_ =	swait.ge [sflag:s16], $0x2000  }
0x2a0: {  	[sflag:s16] =	ssyncset.done $0x0  }
0x2a1: {  	s22 =	simm.s32 $0x1000;
	[sflag:s16] =	ssyncadd.s32 $0xFFFFE000  }
0x2a2: {  	v2 =	vld [tilespmem:s22+$0xFFFFF000]  }
0x2a3: {  	v3 =	vld [tilespmem:s22+$0xFFFFF080]  }
0x2a4: {  	v4 =	vld [tilespmem:s22+$0xFFFFF100]  }
0x2a5: {  	v5 =	vld [tilespmem:s22+$0xFFFFF180]  }
0x2a6: {  	v6 =	vld [tilespmem:s22+$0xFFFFF200]  }
0x2a7: {  	v7 =	vld [tilespmem:s22+$0xFFFFF280]  }
0x2a8: {  	v8 =	vld [tilespmem:s22+$0xFFFFF300];
	v2 =	vmul.f32 $1.442695020e+00, v2  }
0x2a9: {  	v9 =	vld [tilespmem:s22+$0xFFFFF380];
	v3 =	vmul.f32 $1.442695020e+00, v3;
	v4 =	vmul.f32 $1.442695020e+00, v4  }
0x2aa: {  	(erf) = vpow2.f32 v2;
	v2 =	vmul.f32 $1.442695020e+00, v5;
	v5 =	vld [tilespmem:s22+$0xFFFFF400]  }
0x2ab: {  	(erf) = vpow2.f32 v3;
	v3 =	vmul.f32 $1.442695020e+00, v6;
	v6 =	vld [tilespmem:s22+$0xFFFFF480]  }
0x2ac: {  	(erf) = vpow2.f32 v4;
	v4 =	vmul.f32 $1.442695020e+00, v7;
	v7 =	vld [tilespmem:s22+$0xFFFFF500]  }
0x2ad: {  	(erf) = vpow2.f32 v2;
	v2 =	vmul.f32 $1.442695020e+00, v8;
	v8 =	vld [tilespmem:s22+$0xFFFFF580]  }
0x2ae: {  	(erf) = vpow2.f32 v3;
	v3 =	vmul.f32 $1.442695020e+00, v9;
	v9 =	vld [tilespmem:s22+$0xFFFFF600]  }
0x2af: {  	(erf) = vpow2.f32 v4;
	v4 =	vmul.f32 $1.442695020e+00, v5;
	v5 =	vld [tilespmem:s22+$0xFFFFF680]  }
0x2b0: {  	(erf) = vpow2.f32 v2;
	v2 =	vmul.f32 $1.442695020e+00, v6;
	v6 =	vld [tilespmem:s22+$0xFFFFF700]  }
0x2b1: {  	(erf) = vpow2.f32 v3;
	v3 =	vmul.f32 $1.442695020e+00, v7;
	v7 =	vld [tilespmem:s22+$0xFFFFF780]  }
0x2b2: {  	(erf) = vpow2.f32 v4;
	v4 =	vmul.f32 $1.442695020e+00, v8;
	v8 =	vld [tilespmem:s22+$0xFFFFF800]  }
0x2b3: {  	v10 =	vpop (erf);
	(erf) = vpow2.f32 v2;
	v2 =	vmul.f32 $1.442695020e+00, v9;
	v9 =	vld [tilespmem:s22+$0xFFFFF880]  }
0x2b4: {  	v11 =	vpop (erf);
	(erf) = vpow2.f32 v3;
	v3 =	vmul.f32 $1.442695020e+00, v5;
	v5 =	vld [tilespmem:s22+$0xFFFFF900]  }
0x2b5: {  	v12 =	vpop (erf);
	(erf) = vpow2.f32 v4;
	v4 =	vmul.f32 $1.442695020e+00, v6;
	v6 =	vld [tilespmem:s22+$0xFFFFF980]  }
0x2b6: {  	v13 =	vpop (erf);
	(erf) = vpow2.f32 v2;
	v2 =	vmul.f32 $1.442695020e+00, v7;
	v7 =	vld [tilespmem:s22+$0xFFFFFA00]  }
0x2b7: {  	v14 =	vpop (erf);
	(erf) = vpow2.f32 v3;
	v3 =	vmul.f32 $1.442695020e+00, v8;
	v8 =	vld [tilespmem:s22+$0xFFFFFA80]  }
0x2b8: {  	v15 =	vpop (erf);
	(erf) = vpow2.f32 v4;
	v4 =	vmul.f32 $1.442695020e+00, v9;
	v9 =	vld [tilespmem:s22+$0xFFFFFB00]  }
0x2b9: {  	v16 =	vpop (erf);
	(erf) = vpow2.f32 v2;
	v2 =	vmul.f32 $1.442695020e+00, v5;
	v5 =	vld [tilespmem:s22+$0xFFFFFB80]  }
0x2ba: {  	v17 =	vpop (erf);
	(erf) = vpow2.f32 v3;
	v3 =	vmul.f32 $1.442695020e+00, v6;
	v6 =	vld [tilespmem:s22+$0xFFFFFC00]  }
0x2bb: {  	v18 =	vpop (erf);
	(erf) = vpow2.f32 v4;
	v4 =	vmul.f32 $1.442695020e+00, v7;
	v7 =	vld [tilespmem:s22+$0xFFFFFC80]  }
0x2bc: {  	v19 =	vpop (erf);
	(erf) = vpow2.f32 v2;
	v2 =	vmul.f32 $1.442695020e+00, v8;
	v8 =	vld [tilespmem:s22+$0xFFFFFD00]  }
0x2bd: {  	v20 =	vpop (erf);
	(erf) = vpow2.f32 v3;
	v3 =	vmul.f32 $1.442695020e+00, v9;
	v9 =	vld [tilespmem:s22+$0xFFFFFD80]  }
0x2be: {  	v21 =	vpop (erf);
	(erf) = vpow2.f32 v4;
	v4 =	vmul.f32 $1.442695020e+00, v5;
	v5 =	vld [tilespmem:s22+$0xFFFFFE00]  }
0x2bf: {  	v22 =	vpop (erf);
	(erf) = vpow2.f32 v2;
	v2 =	vmul.f32 $1.442695020e+00, v6;
	v6 =	vld [tilespmem:s22+$0xFFFFFE80]  }
0x2c0: {  	v23 =	vpop (erf);
	(erf) = vpow2.f32 v3;
	v3 =	vmul.f32 $1.442695020e+00, v7;
	v7 =	vld [tilespmem:s22+$0xFFFFFF00]  }
0x2c1: {  	v24 =	vpop (erf);
	(erf) = vpow2.f32 v4;
	v4 =	vmul.f32 $1.442695020e+00, v8;
	v8 =	vld [tilespmem:s22+$0xFFFFFF80]  }
0x2c2: {  	v25 =	vpop (erf);
	(erf) = vpow2.f32 v2;
	v2 =	vmul.f32 $1.442695020e+00, v9;
	v9 =	vld [tilespmem:s22+$0x0]  }
0x2c3: {  	v26 =	vpop (erf);
	(erf) = vpow2.f32 v3;
	v3 =	vmul.f32 $1.442695020e+00, v5;
	v5 =	vld [tilespmem:s22+$0x80]  }
0x2c4: {  	v27 =	vpop (erf);
	(erf) = vpow2.f32 v4;
	v4 =	vmul.f32 $1.442695020e+00, v6;
	v6 =	vld [tilespmem:s22+$0x100]  }
0x2c5: {  	v28 =	vpop (erf);
	(erf) = vpow2.f32 v2;
	v2 =	vmul.f32 $1.442695020e+00, v7;
	v7 =	vld [tilespmem:s22+$0x180]  }
0x2c6: {  	v29 =	vpop (erf);
	(erf) = vpow2.f32 v3;
	v3 =	vmul.f32 $1.442695020e+00, v8;
	v8 =	vld [tilespmem:s22+$0x200]  }
0x2c7: {  	v30 =	vpop (erf);
	(erf) = vpow2.f32 v4;
	v4 =	vmul.f32 $1.442695020e+00, v9;
	v9 =	vld [tilespmem:s22+$0x280]  }
0x2c8: {  	v31 =	vpop (erf);
	(erf) = vpow2.f32 v2;
	v2 =	vmul.f32 $1.442695020e+00, v5;
	v5 =	vld [tilespmem:s22+$0x300]  }
0x2c9: {  	v32 =	vpop (erf);
	(erf) = vpow2.f32 v3;
	v3 =	vmul.f32 $1.442695020e+00, v6;
	v6 =	vld [tilespmem:s22+$0x380]  }
0x2ca: {  	v33 =	vpop (erf);
	(erf) = vpow2.f32 v4;
	v4 =	vmul.f32 $1.442695020e+00, v7;
	v7 =	vld [tilespmem:s22+$0x400]  }
0x2cb: {  	v34 =	vpop (erf);
	(erf) = vpow2.f32 v2;
	v2 =	vmul.f32 $1.442695020e+00, v8;
	v8 =	vld [tilespmem:s22+$0x480]  }
0x2cc: {  	v35 =	vpop (erf);
	(erf) = vpow2.f32 v3;
	v3 =	vmul.f32 $1.442695020e+00, v9;
	v9 =	vld [tilespmem:s22+$0x500]  }
0x2cd: {  	v36 =	vpop (erf);
	(erf) = vpow2.f32 v4;
	v4 =	vmul.f32 $1.442695020e+00, v5;
	v5 =	vld [tilespmem:s22+$0x580]  }
0x2ce: {  	v37 =	vpop (erf);
	(erf) = vpow2.f32 v2;
	v2 =	vmul.f32 $1.442695020e+00, v6;
	v6 =	vld [tilespmem:s22+$0x600]  }
0x2cf: {  	v10 =	vadd.f32 v11, v10;
	v38 =	vpop (erf);
	(erf) = vpow2.f32 v3;
	v3 =	vmul.f32 $1.442695020e+00, v7;
	v7 =	vld [tilespmem:s22+$0x680]  }
0x2d0: {  	v12 =	vadd.f32 v13, v12;
	v11 =	vpop (erf);
	(erf) = vpow2.f32 v4;
	v4 =	vmul.f32 $1.442695020e+00, v8;
	v8 =	vld [tilespmem:s22+$0x700]  }
0x2d1: {  	v16 =	vadd.f32 v17, v16;
	v13 =	vpop (erf);
	(erf) = vpow2.f32 v2;
	v2 =	vmul.f32 $1.442695020e+00, v9;
	v9 =	vld [tilespmem:s22+$0x780]  }
0x2d2: {  	v14 =	vadd.f32 v15, v14;
	v15 =	vpop (erf);
	(erf) = vpow2.f32 v3;
	v3 =	vmul.f32 $1.442695020e+00, v5;
	v5 =	vld [tilespmem:s22+$0x800]  }
0x2d3: {  	v10 =	vadd.f32 v12, v10;
	v17 =	vpop (erf);
	(erf) = vpow2.f32 v4;
	v4 =	vmul.f32 $1.442695020e+00, v6;
	v6 =	vld [tilespmem:s22+$0x880]  }
0x2d4: {  	v14 =	vadd.f32 v16, v14;
	v12 =	vpop (erf);
	(erf) = vpow2.f32 v2;
	v2 =	vmul.f32 $1.442695020e+00, v7;
	v7 =	vld [tilespmem:s22+$0x900]  }
0x2d5: {  	v18 =	vadd.f32 v19, v18;
	v16 =	vpop (erf);
	(erf) = vpow2.f32 v3;
	v3 =	vmul.f32 $1.442695020e+00, v8;
	v8 =	vld [tilespmem:s22+$0x980]  }
0x2d6: {  	v20 =	vadd.f32 v21, v20;
	v19 =	vpop (erf);
	(erf) = vpow2.f32 v4;
	v4 =	vmul.f32 $1.442695020e+00, v9;
	v9 =	vld [tilespmem:s22+$0xA00]  }
0x2d7: {  	v24 =	vadd.f32 v25, v24;
	v21 =	vpop (erf);
	(erf) = vpow2.f32 v2;
	v2 =	vmul.f32 $1.442695020e+00, v5;
	v5 =	vld [tilespmem:s22+$0xA80]  }
0x2d8: {  	v22 =	vadd.f32 v23, v22;
	v23 =	vpop (erf);
	(erf) = vpow2.f32 v3;
	v3 =	vmul.f32 $1.442695020e+00, v6;
	v6 =	vld [tilespmem:s22+$0xB00]  }
0x2d9: {  	v18 =	vadd.f32 v20, v18;
	v25 =	vpop (erf);
	(erf) = vpow2.f32 v4;
	v4 =	vmul.f32 $1.442695020e+00, v7;
	v7 =	vld [tilespmem:s22+$0xB80]  }
0x2da: {  	v22 =	vadd.f32 v24, v22;
	v20 =	vpop (erf);
	(erf) = vpow2.f32 v2;
	v2 =	vmul.f32 $1.442695020e+00, v8;
	v8 =	vld [tilespmem:s22+$0xC00]  }
0x2db: {  	v26 =	vadd.f32 v27, v26;
	v24 =	vpop (erf);
	(erf) = vpow2.f32 v3;
	v3 =	vmul.f32 $1.442695020e+00, v9;
	v9 =	vld [tilespmem:s22+$0xC80]  }
0x2dc: {  	v28 =	vadd.f32 v29, v28;
	v27 =	vpop (erf);
	(erf) = vpow2.f32 v4;
	v4 =	vmul.f32 $1.442695020e+00, v5;
	v5 =	vld [tilespmem:s22+$0xD00]  }
0x2dd: {  	v29 =	vpop (erf);
	(erf) = vpow2.f32 v2;
	v2 =	vmul.f32 $1.442695020e+00, v6;
	v6 =	vld [tilespmem:s22+$0xD80]  }
0x2de: {  	v30 =	vadd.f32 v31, v30;
	v31 =	vpop (erf);
	(erf) = vpow2.f32 v3;
	v3 =	vmul.f32 $1.442695020e+00, v7;
	v7 =	vld [tilespmem:s22+$0xE00]  }
0x2df: {  	v43 =	vpop (erf);
	(erf) = vpow2.f32 v4;
	v4 =	vmul.f32 $1.442695020e+00, v8;
	v8 =	vld [tilespmem:s22+$0xE80]  }
0x2e0: {  	v26 =	vadd.f32 v28, v26;
	v28 =	vpop (erf);
	(erf) = vpow2.f32 v2;
	v2 =	vmul.f32 $1.442695020e+00, v9  }
0x2e1: {  	v34 =	vadd.f32 v35, v34;
	v9 =	vld [tilespmem:s22+$0xF00];
	v44 =	vpop (erf);
	(erf) = vpow2.f32 v3;
	v3 =	vmul.f32 $1.442695020e+00, v5  }
0x2e2: {  	v5 =	vld [tilespmem:s22+$0xF80];
	v45 =	vpop (erf);
	(erf) = vpow2.f32 v4;
	v4 =	vmul.f32 $1.442695020e+00, v6;
	v6 =	vadd.f32 v37, v36  }
0x2e3: {  	v46 =	vpop (erf);
	(erf) = vpow2.f32 v2;
	v2 =	vmul.f32 $1.442695020e+00, v7;
	v7 =	vadd.f32 v11, v38  }
0x2e4: {  	v32 =	vadd.f32 v33, v32;
	v11 =	vpop (erf);
	(erf) = vpow2.f32 v3;
	v3 =	vmul.f32 $1.442695020e+00, v8  }
0x2e5: {  	v8 =	vadd.f32 v15, v13;
	v6 =	vadd.f32 v6, v34;
	v13 =	vpop (erf);
	(erf) = vpow2.f32 v4  }
0x2e6: {  	v30 =	vadd.f32 v32, v30;
	v4 =	vmul.f32 $1.442695020e+00, v9;
	v9 =	vpop (erf);
	(erf) = vpow2.f32 v2  }
0x2e7: {  	v2 =	vmul.f32 $1.442695020e+00, v5;
	v5 =	vadd.f32 v8, v7;
	v7 =	vpop (erf);
	(erf) = vpow2.f32 v3  }
0x2e8: {  	v15 =	vadd.f32 v23, v21;
	v3 =	vadd.f32 v14, v10;
	v10 =	vpop (erf);
	(erf) = vpow2.f32 v4  }
0x2e9: {  	v21 =	vadd.f32 v28, v43;
	v5 =	vadd.f32 v5, v6;
	v6 =	vpop (erf);
	(erf) = vpow2.f32 v2  }
0x2ea: {  	v11 =	vadd.f32 v11, v46;
	v2 =	vadd.f32 v12, v17;
	v14 =	vpop (erf)  }
0x2eb: {  	v12 =	vadd.f32 v19, v16;
	v19 =	vadd.f32 v31, v29;
	v17 =	vpop (erf)  }
0x2ec: {  	v8 =	vadd.f32 v22, v18;
	v16 =	vadd.f32 v20, v25;
	v20 =	vpop (erf)  }
0x2ed: {  	v18 =	vadd.f32 v27, v24;
	v22 =	vadd.f32 v45, v44;
	v23 =	vpop (erf)  }
0x2ee: {  	v2 =	vadd.f32 v12, v2;
	v12 =	vadd.f32 v16, v15;
	v15 =	vpop (erf)  }
0x2ef: {  	v9 =	vadd.f32 v9, v13;
	v16 =	vadd.f32 v19, v18;
	v19 =	vpop (erf)  }
0x2f0: {  	v4 =	vadd.f32 v30, v26;
	v7 =	vadd.f32 v10, v7;
	v13 =	vpop (erf)  }
0x2f1: {  	s22 =	simm.s32 $0x4C00;
	v9 =	vadd.f32 v9, v11;
	v6 =	vadd.f32 v14, v6;
	v10 =	vpop (erf)  }
0x2f2: {  	v14 =	vld [tilespmem:s22+$0x0];
	v17 =	vadd.f32 v20, v17;
	v15 =	vadd.f32 v15, v23;
	v20 =	vpop (erf)  }
0x2f3: {  	v13 =	vadd.f32 v13, v19;
	v10 =	vadd.f32 v20, v10  }
0x2f4: {  	v18 =	vadd.f32 v22, v21;
	v6 =	vadd.f32 v6, v7  }
0x2f5: {  	v7 =	vadd.f32 v15, v17;
	v10 =	vadd.f32 v10, v13  }
0x2f6: {  	v2 =	vadd.f32 v12, v2;
	v11 =	vadd.f32 v18, v16  }
0x2f7: {  	v6 =	vadd.f32 v6, v9;
	v12 =	vadd.s32 $0xFFFFFF00, v14;
	v7 =	vadd.f32 v10, v7  }
0x2f8: {  	v3 =	vadd.f32 v8, v3;
	v4 =	vadd.f32 v5, v4;
	vm0 =	vgt.s32 v12, $0x0  }
0x2f9: {  	s23 =	simm.s32 $0x4C80;
	v2 =	vadd.f32 v11, v2;
	v5 =	vadd.f32 v7, v6;
	v6 =	vnsel vm0, $0x0, v12  }
0x2fa: {  	v7 =	vld [tilespmem:s23+$0x0];
	v6 =	vmin.u32 v6, $0x3F  }
0x2fb: {  	s24 =	simm.s32 $0x0;
	v3 =	vadd.f32 v4, v3;
	v2 =	vadd.f32 v5, v2;
	v4 =	vshll.u32 v6, $0x7  }
0x2fc: {  	v4 =	vadd.s32 s24, v4  }
0x2fd: {  	v2 =	vadd.f32 v2, v3;
	v3 =	vadd.s32 v1, v4;
	_ =	sdelay $0x1  }
0x2fe: {  	v2 =	vadd.f32 v2, v7;
	_ =	sdelay $0x1  }
0x2ff: {  	[tilespmem:s23+$0x0] =	vst v2  }
0x300: {  	v2 =	vld.idx.msk [tilespmem:v3+s3+$0x0], $0xffff;
	_ =	sdelay $0x4  }
0x301: {  	v2 =	vmul.f32 $1.442695020e+00, v2;
	_ =	sdelay $0x1  }
0x302: {  	(erf) = vpow2.f32 v2;
	_ =	sdelay $0x4  }
0x303: {  	s24 =	simm.s32 $0x4D00  }
0x304: {  	v3 =	vand.u32 $0xFFFFFFC0, v14;
	v2 =	vld [tilespmem:s24+$0x0];
	_ =	sdelay $0x2  }
0x305: {  	vm15 =	veq.s32 v3, $0x100;
	v3 =	vpop (erf)  }
0x306: {  	v3 =	vnsel vm15, $0x0, v3  }
0x307: {  	v2 =	vadd.f32 v3, v2;
	_ =	sdelay $0x1  }
0x308: {  	s25 =	simm.s32 $0x1010;
	[tilespmem:s24+$0x0] =	vst v2  }
0x309: {  	v2 =	vld [tilespmem:s25+$0xFFFFF000]  }
0x30a: {  	v3 =	vld [tilespmem:s25+$0xFFFFF080]  }
0x30b: {  	v4 =	vld [tilespmem:s25+$0xFFFFF100]  }
0x30c: {  	v5 =	vld [tilespmem:s25+$0xFFFFF180]  }
0x30d: {  	v52 =	vld [tilespmem:s25+$0x500]  }
0x30e: {  	v6 =	vld [tilespmem:s25+$0xFFFFF200]  }
0x30f: {  	v7 =	vld [tilespmem:s25+$0xFFFFF280]  }
0x310: {  	v8 =	vld [tilespmem:s25+$0xFFFFF300];
	v2 =	vmul.f32 $1.442695020e+00, v2  }
0x311: {  	v9 =	vld [tilespmem:s25+$0xFFFFF380];
	v3 =	vmul.f32 $1.442695020e+00, v3;
	v4 =	vmul.f32 $1.442695020e+00, v4  }
0x312: {  	v30 =	vld [tilespmem:s25+$0x480];
	v36 =	vmul.f32 $1.442695020e+00, v52;
	(erf) = vpow2.f32 v2  }
0x313: {  	v2 =	vmul.f32 $1.442695020e+00, v5;
	v5 =	vld [tilespmem:s25+$0xFFFFF400];
	(erf) = vpow2.f32 v3  }
0x314: {  	v3 =	vmul.f32 $1.442695020e+00, v6;
	v6 =	vld [tilespmem:s25+$0xFFFFF480];
	(erf) = vpow2.f32 v4  }
0x315: {  	v4 =	vmul.f32 $1.442695020e+00, v7;
	v7 =	vld [tilespmem:s25+$0xFFFFF500];
	(erf) = vpow2.f32 v2  }
0x316: {  	v2 =	vmul.f32 $1.442695020e+00, v8;
	v8 =	vld [tilespmem:s25+$0xFFFFF580];
	(erf) = vpow2.f32 v3  }
0x317: {  	v3 =	vmul.f32 $1.442695020e+00, v9;
	v9 =	vld [tilespmem:s25+$0xFFFFF600];
	(erf) = vpow2.f32 v4  }
0x318: {  	v4 =	vmul.f32 $1.442695020e+00, v5;
	v5 =	vld [tilespmem:s25+$0xFFFFF680];
	(erf) = vpow2.f32 v2  }
0x319: {  	v2 =	vmul.f32 $1.442695020e+00, v6;
	v6 =	vld [tilespmem:s25+$0xFFFFF700];
	(erf) = vpow2.f32 v3  }
0x31a: {  	v3 =	vmul.f32 $1.442695020e+00, v7;
	v7 =	vld [tilespmem:s25+$0xFFFFF780];
	(erf) = vpow2.f32 v4  }
0x31b: {  	v4 =	vmul.f32 $1.442695020e+00, v8;
	v8 =	vld [tilespmem:s25+$0xFFFFF800];
	v10 =	vpop (erf);
	(erf) = vpow2.f32 v2  }
0x31c: {  	v2 =	vmul.f32 $1.442695020e+00, v9;
	v9 =	vld [tilespmem:s25+$0xFFFFF880];
	v11 =	vpop (erf);
	(erf) = vpow2.f32 v3  }
0x31d: {  	v3 =	vmul.f32 $1.442695020e+00, v5;
	v5 =	vld [tilespmem:s25+$0xFFFFF900];
	v12 =	vpop (erf);
	(erf) = vpow2.f32 v4  }
0x31e: {  	v4 =	vmul.f32 $1.442695020e+00, v6;
	v6 =	vld [tilespmem:s25+$0xFFFFF980];
	v10 =	vadd.f32 v11, v10;
	v11 =	vmul.f32 $1.442695020e+00, v30  }
0x31f: {  	v13 =	vpop (erf);
	(erf) = vpow2.f32 v2;
	v2 =	vmul.f32 $1.442695020e+00, v7;
	v7 =	vld [tilespmem:s25+$0xFFFFFA00]  }
0x320: {  	v14 =	vpop (erf);
	(erf) = vpow2.f32 v3;
	v3 =	vmul.f32 $1.442695020e+00, v8;
	v8 =	vld [tilespmem:s25+$0xFFFFFA80]  }
0x321: {  	v15 =	vpop (erf);
	(erf) = vpow2.f32 v4;
	v4 =	vmul.f32 $1.442695020e+00, v9;
	v9 =	vld [tilespmem:s25+$0xFFFFFB00]  }
0x322: {  	v16 =	vpop (erf);
	(erf) = vpow2.f32 v2;
	v2 =	vmul.f32 $1.442695020e+00, v5;
	v5 =	vld [tilespmem:s25+$0xFFFFFB80]  }
0x323: {  	v17 =	vpop (erf);
	(erf) = vpow2.f32 v3;
	v3 =	vmul.f32 $1.442695020e+00, v6;
	v6 =	vld [tilespmem:s25+$0xFFFFFC00]  }
0x324: {  	v18 =	vpop (erf);
	(erf) = vpow2.f32 v4;
	v4 =	vmul.f32 $1.442695020e+00, v7;
	v7 =	vld [tilespmem:s25+$0xFFFFFC80]  }
0x325: {  	v19 =	vpop (erf);
	(erf) = vpow2.f32 v2;
	v2 =	vmul.f32 $1.442695020e+00, v8;
	v8 =	vld [tilespmem:s25+$0xFFFFFD00]  }
0x326: {  	v20 =	vpop (erf);
	(erf) = vpow2.f32 v3;
	v3 =	vmul.f32 $1.442695020e+00, v9;
	v9 =	vld [tilespmem:s25+$0xFFFFFD80]  }
0x327: {  	v21 =	vpop (erf);
	(erf) = vpow2.f32 v4;
	v4 =	vmul.f32 $1.442695020e+00, v5;
	v5 =	vld [tilespmem:s25+$0xFFFFFE00]  }
0x328: {  	v22 =	vpop (erf);
	(erf) = vpow2.f32 v2;
	v2 =	vmul.f32 $1.442695020e+00, v6;
	v6 =	vld [tilespmem:s25+$0xFFFFFE80]  }
0x329: {  	v23 =	vpop (erf);
	(erf) = vpow2.f32 v3;
	v3 =	vmul.f32 $1.442695020e+00, v7;
	v7 =	vld [tilespmem:s25+$0xFFFFFF00]  }
0x32a: {  	v24 =	vpop (erf);
	(erf) = vpow2.f32 v4;
	v4 =	vmul.f32 $1.442695020e+00, v8;
	v8 =	vld [tilespmem:s25+$0xFFFFFF80]  }
0x32b: {  	v25 =	vpop (erf);
	(erf) = vpow2.f32 v2;
	v2 =	vmul.f32 $1.442695020e+00, v9;
	v9 =	vld [tilespmem:s25+$0x0]  }
0x32c: {  	v26 =	vpop (erf);
	(erf) = vpow2.f32 v3;
	v3 =	vmul.f32 $1.442695020e+00, v5;
	v5 =	vld [tilespmem:s25+$0x80]  }
0x32d: {  	v27 =	vpop (erf);
	(erf) = vpow2.f32 v4;
	v4 =	vmul.f32 $1.442695020e+00, v6;
	v6 =	vld [tilespmem:s25+$0x100]  }
0x32e: {  	v28 =	vpop (erf);
	(erf) = vpow2.f32 v2;
	v2 =	vmul.f32 $1.442695020e+00, v7;
	v7 =	vld [tilespmem:s25+$0x180]  }
0x32f: {  	v29 =	vpop (erf);
	(erf) = vpow2.f32 v3;
	v3 =	vmul.f32 $1.442695020e+00, v8;
	v8 =	vld [tilespmem:s25+$0x200]  }
0x330: {  	v31 =	vpop (erf);
	(erf) = vpow2.f32 v4;
	v4 =	vmul.f32 $1.442695020e+00, v9;
	v9 =	vld [tilespmem:s25+$0x280]  }
0x331: {  	v47 =	vpop (erf);
	(erf) = vpow2.f32 v2;
	v2 =	vmul.f32 $1.442695020e+00, v5;
	v5 =	vld [tilespmem:s25+$0x300]  }
0x332: {  	v48 =	vpop (erf);
	(erf) = vpow2.f32 v3;
	v3 =	vmul.f32 $1.442695020e+00, v6;
	v6 =	vld [tilespmem:s25+$0x380]  }
0x333: {  	v49 =	vpop (erf);
	(erf) = vpow2.f32 v4;
	v4 =	vmul.f32 $1.442695020e+00, v7;
	v7 =	vld [tilespmem:s25+$0x400]  }
0x334: {  	v39 =	vld [tilespmem:s25+$0x680];
	v50 =	vpop (erf);
	(erf) = vpow2.f32 v2;
	v8 =	vmul.f32 $1.442695020e+00, v8  }
0x335: {  	v51 =	vpop (erf);
	(erf) = vpow2.f32 v3;
	v3 =	vmul.f32 $1.442695020e+00, v9  }
0x336: {  	v53 =	vld [tilespmem:s25+$0x580];
	v2 =	vpop (erf);
	(erf) = vpow2.f32 v4;
	v9 =	vmul.f32 $1.442695020e+00, v5  }
0x337: {  	v30 =	vld [tilespmem:s25+$0x700];
	v4 =	vpop (erf);
	(erf) = vpow2.f32 v8;
	v6 =	vmul.f32 $1.442695020e+00, v6  }
0x338: {  	v8 =	vld [tilespmem:s25+$0x600];
	v5 =	vpop (erf);
	(erf) = vpow2.f32 v3;
	v3 =	vmul.f32 $1.442695020e+00, v7  }
0x339: {  	v60 =	vld [tilespmem:s25+$0xC00];
	v55 =	vmul.f32 $1.442695020e+00, v39;
	v7 =	vpop (erf);
	(erf) = vpow2.f32 v9  }
0x33a: {  	v40 =	vld [tilespmem:s25+$0x780];
	v14 =	vadd.f32 v15, v14;
	v16 =	vadd.f32 v17, v16;
	v9 =	vpop (erf);
	(erf) = vpow2.f32 v6  }
0x33b: {  	v54 =	vld [tilespmem:s25+$0x800];
	v13 =	vadd.f32 v13, v12;
	v15 =	vmul.f32 $1.442695020e+00, v53;
	v12 =	vpop (erf);
	(erf) = vpow2.f32 v3  }
0x33c: {  	v41 =	vld [tilespmem:s25+$0x880];
	v14 =	vadd.f32 v16, v14;
	v16 =	vmul.f32 $1.442695020e+00, v30;
	v3 =	vpop (erf);
	(erf) = vpow2.f32 v11  }
0x33d: {  	v30 =	vld [tilespmem:s25+$0x980];
	v17 =	vmul.f32 $1.442695020e+00, v8;
	v6 =	vpop (erf);
	(erf) = vpow2.f32 v36  }
0x33e: {  	v56 =	vld [tilespmem:s25+$0x900];
	v63 =	vmul.f32 $1.442695020e+00, v60;
	v10 =	vadd.f32 v13, v10;
	v8 =	vpop (erf);
	(erf) = vpow2.f32 v15  }
0x33f: {  	v18 =	vadd.f32 v19, v18;
	v19 =	vld [tilespmem:s25+$0xA00];
	v11 =	vpop (erf);
	(erf) = vpow2.f32 v17;
	v17 =	vmul.f32 $1.442695020e+00, v40  }
0x340: {  	v57 =	vld [tilespmem:s25+$0xA80];
	v20 =	vadd.f32 v21, v20;
	v21 =	vmul.f32 $1.442695020e+00, v54;
	v13 =	vpop (erf);
	(erf) = vpow2.f32 v55  }
0x341: {  	v58 =	vld [tilespmem:s25+$0xB00];
	v22 =	vadd.f32 v23, v22;
	v23 =	vmul.f32 $1.442695020e+00, v41;
	v15 =	vpop (erf);
	(erf) = vpow2.f32 v16  }
0x342: {  	v59 =	vld [tilespmem:s25+$0xB80];
	v30 =	vmul.f32 $1.442695020e+00, v30;
	v24 =	vadd.f32 v25, v24;
	v16 =	vpop (erf);
	(erf) = vpow2.f32 v17  }
0x343: {  	v42 =	vld [tilespmem:s25+$0xD00];
	v20 =	vadd.f32 v20, v18;
	v25 =	vmul.f32 $1.442695020e+00, v56;
	v17 =	vpop (erf);
	(erf) = vpow2.f32 v21  }
0x344: {  	v22 =	vadd.f32 v24, v22;
	v24 =	vmul.f32 $1.442695020e+00, v19;
	v18 =	vpop (erf);
	(erf) = vpow2.f32 v23  }
0x345: {  	v61 =	vld [tilespmem:s25+$0xC80];
	v26 =	vadd.f32 v27, v26;
	v27 =	vmul.f32 $1.442695020e+00, v57;
	v19 =	vpop (erf);
	(erf) = vpow2.f32 v25  }
0x346: {  	v28 =	vadd.f32 v29, v28;
	v29 =	vmul.f32 $1.442695020e+00, v58;
	v21 =	vpop (erf);
	(erf) = vpow2.f32 v30  }
0x347: {  	v30 =	vld [tilespmem:s25+$0xD80];
	v23 =	vpop (erf);
	(erf) = vpow2.f32 v24;
	v24 =	vmul.f32 $1.442695020e+00, v59  }
0x348: {  	v37 =	vmul.f32 $1.442695020e+00, v42;
	v62 =	vadd.f32 v47, v31;
	v31 =	vld [tilespmem:s25+$0xE00];
	v25 =	vpop (erf);
	(erf) = vpow2.f32 v27  }
0x349: {  	v32 =	vld [tilespmem:s25+$0xE80];
	v28 =	vadd.f32 v28, v26;
	v34 =	vadd.f32 v49, v48;
	v26 =	vpop (erf);
	(erf) = vpow2.f32 v29  }
0x34a: {  	v33 =	vld [tilespmem:s25+$0xF00];
	v36 =	vmul.f32 $1.442695020e+00, v61;
	v27 =	vpop (erf);
	(erf) = vpow2.f32 v24  }
0x34b: {  	s26 =	simm.s32 $0x10;
	s28 =	simm.s32 $0x20;
	v35 =	vadd.f32 v51, v50;
	v29 =	vadd.f32 v34, v62;
	v34 =	vld [tilespmem:s25+$0xF80];
	v24 =	vpop (erf);
	(erf) = vpow2.f32 v63  }
.LBB2_8:
0x34c: {  	p0 =	sne.s32 s28, $0x70;
	v30 =	vmul.f32 $1.442695020e+00, v30;
	v2 =	vadd.f32 v4, v2;
	v4 =	vpop (erf);
	(erf) = vpow2.f32 v36  }
0x34d: {  	v5 =	vadd.f32 v7, v5;
	v31 =	vmul.f32 $1.442695020e+00, v31;
	v7 =	vpop (erf);
	(erf) = vpow2.f32 v37  }
0x34e: {  	v36 =	vadd.f32 v12, v9;
	v32 =	vmul.f32 $1.442695020e+00, v32;
	v12 =	vpop (erf);
	(erf) = vpow2.f32 v30  }
0x34f: {  	v2 =	vadd.f32 v2, v35;
	v30 =	vmul.f32 $1.442695020e+00, v33;
	v33 =	vpop (erf);
	(erf) = vpow2.f32 v31  }
0x350: {  	v31 =	vmul.f32 $1.442695020e+00, v34;
	v34 =	vadd.f32 v36, v5;
	v9 =	vpop (erf);
	(erf) = vpow2.f32 v32  }
0x351: {  	v10 =	vadd.f32 v14, v10;
	v14 =	vadd.f32 v22, v20;
	v20 =	vpop (erf);
	(erf) = vpow2.f32 v30  }
0x352: {  	v22 =	vadd.f32 v29, v28;
	v2 =	vadd.f32 v34, v2;
	v5 =	vpop (erf);
	(erf) = vpow2.f32 v31  }
0x353: {  	v3 =	vadd.f32 v6, v3;
	v6 =	vadd.f32 v11, v8;
	v8 =	vpop (erf)  }
0x354: {  	v28 =	vadd.f32 v15, v13;
	v13 =	vadd.f32 v17, v16;
	v15 =	vpop (erf)  }
0x355: {  	v16 =	vadd.f32 v19, v18;
	v29 =	vadd.f32 v23, v21;
	v18 =	vpop (erf)  }
0x356: {  	v19 =	vadd.f32 v26, v25;
	v21 =	vadd.f32 v24, v27;
	v23 =	vpop (erf)  }
0x357: {  	v3 =	vadd.f32 v6, v3;
	v6 =	vadd.f32 v13, v28;
	v11 =	vpop (erf)  }
0x358: {  	v13 =	vadd.f32 v29, v16;
	v16 =	vadd.f32 v21, v19;
	v17 =	vpop (erf)  }
0x359: {  	v4 =	vadd.f32 v7, v4;
	v7 =	vadd.f32 v33, v12;
	v12 =	vpop (erf)  }
0x35a: {  	s22 =	sadd.s32 $0x10, s22;
	v9 =	vadd.f32 v20, v9;
	v5 =	vadd.f32 v8, v5;
	v8 =	vpop (erf)  }
0x35b: {  	v15 =	vadd.f32 v18, v15;
	v11 =	vadd.f32 v11, v23;
	v19 =	vld [tilespmem:s22+$0x0];
	v18 =	vpop (erf)  }
0x35c: {  	v12 =	vadd.f32 v12, v17;
	v8 =	vadd.f32 v18, v8  }
0x35d: {  	v4 =	vadd.f32 v7, v4;
	v5 =	vadd.f32 v5, v9  }
0x35e: {  	v7 =	vadd.f32 v11, v15;
	v8 =	vadd.f32 v8, v12  }
0x35f: {  	v3 =	vadd.f32 v6, v3;
	v6 =	vadd.f32 v16, v13  }
0x360: {  	v4 =	vadd.f32 v5, v4;
	v9 =	vadd.s32 $0xFFFFFF00, v19;
	v5 =	vadd.f32 v8, v7  }
0x361: {  	v2 =	vadd.f32 v2, v22;
	v7 =	vadd.f32 v14, v10;
	vm0 =	vgt.s32 v9, $0x0  }
0x362: {  	s23 =	sadd.s32 $0x10, s23;
	v3 =	vadd.f32 v6, v3;
	v4 =	vadd.f32 v5, v4;
	v5 =	vnsel vm0, $0x0, v9  }
0x363: {  	v6 =	vld [tilespmem:s23+$0x0];
	v5 =	vmin.u32 v5, $0x3F  }
0x364: {  	v2 =	vadd.f32 v2, v7;
	v3 =	vadd.f32 v4, v3;
	v4 =	vshll.u32 v5, $0x7  }
0x365: {  	v4 =	vadd.s32 s26, v4;
	s26 =	smov.u32 s28  }
0x366: {  	v2 =	vadd.f32 v3, v2;
	v3 =	vadd.s32 v1, v4;
	_ =	sdelay $0x1  }
0x367: {  	v2 =	vadd.f32 v2, v6;
	_ =	sdelay $0x1  }
0x368: {  	[tilespmem:s23+$0x0] =	vst v2  }
0x369: {  	s24 =	sadd.s32 $0x10, s24;
	v2 =	vld.idx.msk [tilespmem:v3+s3+$0x0], $0xffff  }
0x36a: {  	v3 =	vld [tilespmem:s24+$0x0];
	_ =	sdelay $0x4  }
0x36b: {  	v2 =	vmul.f32 $1.442695020e+00, v2;
	_ =	sdelay $0x1  }
0x36c: {  	(erf) = vpow2.f32 v2;
	_ =	sdelay $0x7  }
0x36d: {  	v4 =	vand.u32 $0xFFFFFFC0, v19  }
0x36e: {  	vm0 =	veq.s32 v4, $0x100;
	v2 =	vpop (erf)  }
0x36f: {  	v2 =	vnsel vm0, $0x0, v2  }
0x370: {  	v2 =	vadd.f32 v2, v3;
	_ =	sdelay $0x1  }
0x371: {  	s25 =	sadd.s32 $0x10, s25;
	[tilespmem:s24+$0x0] =	vst v2  }
0x372: {  	v2 =	vld [tilespmem:s25+$0xFFFFF000]  }
0x373: {  	v3 =	vld [tilespmem:s25+$0xFFFFF080]  }
0x374: {  	v4 =	vld [tilespmem:s25+$0xFFFFF100]  }
0x375: {  	v5 =	vld [tilespmem:s25+$0xFFFFF180]  }
0x376: {  	v6 =	vld [tilespmem:s25+$0xFFFFF200]  }
0x377: {  	v2 =	vmul.f32 $1.442695020e+00, v2;
	v7 =	vld [tilespmem:s25+$0xFFFFF280]  }
0x378: {  	v3 =	vmul.f32 $1.442695020e+00, v3;
	v8 =	vld [tilespmem:s25+$0xFFFFF300]  }
0x379: {  	v4 =	vmul.f32 $1.442695020e+00, v4;
	v9 =	vld [tilespmem:s25+$0xFFFFF380];
	(erf) = vpow2.f32 v2  }
0x37a: {  	v2 =	vmul.f32 $1.442695020e+00, v5;
	v5 =	vld [tilespmem:s25+$0xFFFFF400];
	(erf) = vpow2.f32 v3  }
0x37b: {  	v3 =	vmul.f32 $1.442695020e+00, v6;
	v6 =	vld [tilespmem:s25+$0xFFFFF480];
	(erf) = vpow2.f32 v4  }
0x37c: {  	v4 =	vmul.f32 $1.442695020e+00, v7;
	v7 =	vld [tilespmem:s25+$0xFFFFF500];
	(erf) = vpow2.f32 v2  }
0x37d: {  	v2 =	vmul.f32 $1.442695020e+00, v8;
	v8 =	vld [tilespmem:s25+$0xFFFFF580];
	(erf) = vpow2.f32 v3  }
0x37e: {  	v3 =	vmul.f32 $1.442695020e+00, v9;
	v9 =	vld [tilespmem:s25+$0xFFFFF600];
	(erf) = vpow2.f32 v4  }
0x37f: {  	v4 =	vmul.f32 $1.442695020e+00, v5;
	v5 =	vld [tilespmem:s25+$0xFFFFF680];
	(erf) = vpow2.f32 v2  }
0x380: {  	v2 =	vmul.f32 $1.442695020e+00, v6;
	v10 =	vld [tilespmem:s25+$0xFFFFF700];
	(erf) = vpow2.f32 v3  }
0x381: {  	v15 =	vmul.f32 $1.442695020e+00, v7;
	v11 =	vld [tilespmem:s25+$0xFFFFF780];
	(erf) = vpow2.f32 v4  }
0x382: {  	v4 =	vmul.f32 $1.442695020e+00, v8;
	v12 =	vld [tilespmem:s25+$0xFFFFF800];
	v3 =	vpop (erf);
	(erf) = vpow2.f32 v2  }
0x383: {  	v2 =	vmul.f32 $1.442695020e+00, v9;
	v13 =	vld [tilespmem:s25+$0xFFFFF880];
	v7 =	vpop (erf);
	(erf) = vpow2.f32 v15  }
0x384: {  	v5 =	vmul.f32 $1.442695020e+00, v5;
	v14 =	vld [tilespmem:s25+$0xFFFFF900];
	v6 =	vpop (erf);
	(erf) = vpow2.f32 v4  }
0x385: {  	v4 =	vmul.f32 $1.442695020e+00, v10;
	v15 =	vld [tilespmem:s25+$0xFFFFF980];
	v9 =	vpop (erf);
	(erf) = vpow2.f32 v2  }
0x386: {  	v2 =	vmul.f32 $1.442695020e+00, v11;
	v16 =	vld [tilespmem:s25+$0xFFFFFA00];
	v8 =	vpop (erf);
	(erf) = vpow2.f32 v5  }
0x387: {  	v5 =	vmul.f32 $1.442695020e+00, v12;
	v17 =	vld [tilespmem:s25+$0xFFFFFA80];
	v12 =	vpop (erf);
	(erf) = vpow2.f32 v4  }
0x388: {  	v4 =	vmul.f32 $1.442695020e+00, v13;
	v18 =	vld [tilespmem:s25+$0xFFFFFB00];
	v10 =	vpop (erf);
	(erf) = vpow2.f32 v2  }
0x389: {  	v2 =	vmul.f32 $1.442695020e+00, v14;
	v14 =	vld [tilespmem:s25+$0xFFFFFB80];
	v20 =	vpop (erf);
	(erf) = vpow2.f32 v5  }
0x38a: {  	v5 =	vmul.f32 $1.442695020e+00, v15;
	v19 =	vld [tilespmem:s25+$0xFFFFFC00];
	v11 =	vpop (erf);
	(erf) = vpow2.f32 v4  }
0x38b: {  	v4 =	vmul.f32 $1.442695020e+00, v16;
	v21 =	vld [tilespmem:s25+$0xFFFFFC80];
	v15 =	vpop (erf);
	(erf) = vpow2.f32 v2  }
0x38c: {  	v2 =	vmul.f32 $1.442695020e+00, v17;
	v22 =	vld [tilespmem:s25+$0xFFFFFD00];
	v13 =	vpop (erf);
	(erf) = vpow2.f32 v5  }
0x38d: {  	v5 =	vmul.f32 $1.442695020e+00, v18;
	v23 =	vld [tilespmem:s25+$0xFFFFFD80];
	v17 =	vpop (erf);
	(erf) = vpow2.f32 v4  }
0x38e: {  	v4 =	vmul.f32 $1.442695020e+00, v14;
	v14 =	vld [tilespmem:s25+$0xFFFFFE00];
	v16 =	vpop (erf);
	(erf) = vpow2.f32 v2  }
0x38f: {  	v2 =	vmul.f32 $1.442695020e+00, v19;
	v24 =	vld [tilespmem:s25+$0xFFFFFE80];
	v26 =	vpop (erf);
	(erf) = vpow2.f32 v5  }
0x390: {  	v5 =	vmul.f32 $1.442695020e+00, v21;
	v25 =	vld [tilespmem:s25+$0xFFFFFF00];
	v18 =	vpop (erf);
	(erf) = vpow2.f32 v4  }
0x391: {  	v4 =	vmul.f32 $1.442695020e+00, v22;
	v22 =	vld [tilespmem:s25+$0xFFFFFF80];
	v27 =	vpop (erf);
	(erf) = vpow2.f32 v2  }
0x392: {  	v2 =	vmul.f32 $1.442695020e+00, v23;
	v28 =	vld [tilespmem:s25+$0x0];
	v19 =	vpop (erf);
	(erf) = vpow2.f32 v5  }
0x393: {  	v5 =	vmul.f32 $1.442695020e+00, v14;
	v14 =	vld [tilespmem:s25+$0x80];
	v23 =	vpop (erf);
	(erf) = vpow2.f32 v4  }
0x394: {  	v4 =	vmul.f32 $1.442695020e+00, v24;
	v24 =	vld [tilespmem:s25+$0x100];
	v21 =	vpop (erf);
	(erf) = vpow2.f32 v2  }
0x395: {  	v2 =	vmul.f32 $1.442695020e+00, v25;
	v29 =	vld [tilespmem:s25+$0x180];
	v30 =	vpop (erf);
	(erf) = vpow2.f32 v5  }
0x396: {  	v5 =	vmul.f32 $1.442695020e+00, v22;
	v22 =	vld [tilespmem:s25+$0x200];
	v25 =	vpop (erf);
	(erf) = vpow2.f32 v4  }
0x397: {  	v4 =	vmul.f32 $1.442695020e+00, v28;
	v28 =	vld [tilespmem:s25+$0x280];
	v31 =	vpop (erf);
	(erf) = vpow2.f32 v2  }
0x398: {  	v2 =	vmul.f32 $1.442695020e+00, v14;
	v14 =	vld [tilespmem:s25+$0x300];
	v32 =	vpop (erf);
	(erf) = vpow2.f32 v5  }
0x399: {  	v5 =	vmul.f32 $1.442695020e+00, v24;
	v33 =	vld [tilespmem:s25+$0x380];
	v34 =	vpop (erf);
	(erf) = vpow2.f32 v4  }
0x39a: {  	v39 =	vmul.f32 $1.442695020e+00, v29;
	v29 =	vld [tilespmem:s25+$0x400];
	v24 =	vpop (erf);
	(erf) = vpow2.f32 v2  }
0x39b: {  	v22 =	vmul.f32 $1.442695020e+00, v22;
	v35 =	vld [tilespmem:s25+$0x480];
	v38 =	vpop (erf);
	(erf) = vpow2.f32 v5  }
0x39c: {  	v28 =	vmul.f32 $1.442695020e+00, v28;
	v36 =	vld [tilespmem:s25+$0x500];
	v2 =	vpop (erf);
	(erf) = vpow2.f32 v39  }
0x39d: {  	v14 =	vmul.f32 $1.442695020e+00, v14;
	v37 =	vld [tilespmem:s25+$0x580];
	v4 =	vpop (erf);
	(erf) = vpow2.f32 v22  }
0x39e: {  	v22 =	vmul.f32 $1.442695020e+00, v33;
	v33 =	vld [tilespmem:s25+$0x600];
	v5 =	vpop (erf);
	(erf) = vpow2.f32 v28  }
0x39f: {  	v39 =	vadd.f32 v7, v3;
	v28 =	vmul.f32 $1.442695020e+00, v29;
	v29 =	vld [tilespmem:s25+$0x680];
	v7 =	vpop (erf);
	(erf) = vpow2.f32 v14  }
0x3a0: {  	v41 =	vadd.f32 v9, v6;
	v14 =	vmul.f32 $1.442695020e+00, v35;
	v35 =	vld [tilespmem:s25+$0x700];
	v9 =	vpop (erf);
	(erf) = vpow2.f32 v22  }
0x3a1: {  	v42 =	vadd.f32 v12, v8;
	v22 =	vmul.f32 $1.442695020e+00, v36;
	v36 =	vld [tilespmem:s25+$0x780];
	v12 =	vpop (erf);
	(erf) = vpow2.f32 v28  }
0x3a2: {  	v20 =	vadd.f32 v20, v10;
	v28 =	vmul.f32 $1.442695020e+00, v37;
	v37 =	vld [tilespmem:s25+$0x800];
	v3 =	vpop (erf);
	(erf) = vpow2.f32 v14  }
0x3a3: {  	v10 =	vadd.f32 v41, v39;
	v33 =	vmul.f32 $1.442695020e+00, v33;
	v40 =	vld [tilespmem:s25+$0x880];
	v6 =	vpop (erf);
	(erf) = vpow2.f32 v22  }
0x3a4: {  	v14 =	vadd.f32 v20, v42;
	v22 =	vmul.f32 $1.442695020e+00, v29;
	v29 =	vld [tilespmem:s25+$0x900];
	v8 =	vpop (erf);
	(erf) = vpow2.f32 v28  }
0x3a5: {  	v20 =	vmul.f32 $1.442695020e+00, v35;
	v28 =	vld [tilespmem:s25+$0x980];
	v35 =	vadd.f32 v15, v11;
	v11 =	vpop (erf);
	(erf) = vpow2.f32 v33  }
0x3a6: {  	v41 =	vadd.f32 v17, v13;
	v33 =	vmul.f32 $1.442695020e+00, v36;
	v36 =	vld [tilespmem:s25+$0xA00];
	v13 =	vpop (erf);
	(erf) = vpow2.f32 v22  }
0x3a7: {  	v26 =	vadd.f32 v26, v16;
	v22 =	vmul.f32 $1.442695020e+00, v37;
	v37 =	vld [tilespmem:s25+$0xA80];
	v15 =	vpop (erf);
	(erf) = vpow2.f32 v20  }
0x3a8: {  	v42 =	vadd.f32 v27, v18;
	v39 =	vmul.f32 $1.442695020e+00, v40;
	v40 =	vld [tilespmem:s25+$0xB00];
	v16 =	vpop (erf);
	(erf) = vpow2.f32 v33  }
0x3a9: {  	v20 =	vadd.f32 v41, v35;
	v27 =	vmul.f32 $1.442695020e+00, v29;
	v29 =	vld [tilespmem:s25+$0xB80];
	v17 =	vpop (erf);
	(erf) = vpow2.f32 v22  }
0x3aa: {  	v22 =	vadd.f32 v42, v26;
	v28 =	vmul.f32 $1.442695020e+00, v28;
	v33 =	vld [tilespmem:s25+$0xC00];
	v18 =	vpop (erf);
	(erf) = vpow2.f32 v39  }
0x3ab: {  	v26 =	vmul.f32 $1.442695020e+00, v36;
	v35 =	vld [tilespmem:s25+$0xC80];
	v36 =	vadd.f32 v23, v19;
	v19 =	vpop (erf);
	(erf) = vpow2.f32 v27  }
0x3ac: {  	v39 =	vadd.f32 v30, v21;
	v27 =	vmul.f32 $1.442695020e+00, v37;
	v37 =	vld [tilespmem:s25+$0xD00];
	v21 =	vpop (erf);
	(erf) = vpow2.f32 v28  }
.Ltmp3:
0x3ad: {  	v41 =	vadd.f32 v31, v25;
	v40 =	vmul.f32 $1.442695020e+00, v40;
	v30 =	vld [tilespmem:s25+$0xD80];
	v23 =	vpop (erf);
	(erf) = vpow2.f32 v26;
	(pc) =	sbr.rel @p0 .LBB2_8-.Ltmp3, $4  }
0x3ae: {  	v42 =	vmul.f32 $1.442695020e+00, v29;
	v31 =	vld [tilespmem:s25+$0xE00];
	v29 =	vadd.f32 v34, v32;
	v25 =	vpop (erf);
	(erf) = vpow2.f32 v27  }
0x3af: {  	v28 =	vadd.f32 v39, v36;
	v43 =	vmul.f32 $1.442695020e+00, v33;
	v32 =	vld [tilespmem:s25+$0xE80];
	v26 =	vpop (erf);
	(erf) = vpow2.f32 v40  }
0x3b0: {  	v36 =	vmul.f32 $1.442695020e+00, v35;
	v33 =	vld [tilespmem:s25+$0xF00];
	v29 =	vadd.f32 v29, v41;
	v27 =	vpop (erf);
	(erf) = vpow2.f32 v42  }
0x3b1: {  	s28 =	sadd.s32 $0x10, s28;
	v35 =	vadd.f32 v38, v24;
	v37 =	vmul.f32 $1.442695020e+00, v37;
	v34 =	vld [tilespmem:s25+$0xF80];
	v24 =	vpop (erf);
	(erf) = vpow2.f32 v43  }
0x3b2: {  	v30 =	vmul.f32 $1.442695020e+00, v30;
	v2 =	vadd.f32 v4, v2;
	v59 =	vpop (erf);
	(erf) = vpow2.f32 v36  }
0x3b3: {  	v5 =	vadd.f32 v7, v5;
	v31 =	vmul.f32 $1.442695020e+00, v31;
	v60 =	vpop (erf);
	(erf) = vpow2.f32 v37  }
0x3b4: {  	v9 =	vadd.f32 v12, v9;
	v32 =	vmul.f32 $1.442695020e+00, v32;
	v61 =	vpop (erf);
	(erf) = vpow2.f32 v30  }
0x3b5: {  	v10 =	vadd.f32 v14, v10;
	v62 =	vmul.f32 $1.442695020e+00, v33;
	v63 =	vpop (erf);
	(erf) = vpow2.f32 v31  }
0x3b6: {  	v2 =	vadd.f32 v2, v35;
	v35 =	vmul.f32 $1.442695020e+00, v34;
	v36 =	vpop (erf);
	(erf) = vpow2.f32 v32  }
0x3b7: {  	v39 =	vadd.f32 v29, v28;
	v3 =	vadd.f32 v6, v3;
	v38 =	vpop (erf);
	(erf) = vpow2.f32 v62  }
0x3b8: {  	v41 =	vadd.f32 v11, v8;
	v43 =	vadd.f32 v15, v13;
	v40 =	vpop (erf);
	(erf) = vpow2.f32 v35  }
0x3b9: {  	v44 =	vadd.f32 v17, v16;
	v46 =	vadd.f32 v19, v18;
	v42 =	vpop (erf)  }
0x3ba: {  	v47 =	vadd.f32 v23, v21;
	v49 =	vadd.f32 v26, v25;
	v45 =	vpop (erf)  }
0x3bb: {  	v50 =	vadd.f32 v24, v27;
	v37 =	vadd.f32 v22, v20;
	v48 =	vpop (erf)  }
0x3bc: {  	v5 =	vadd.f32 v9, v5;
	v3 =	vadd.f32 v41, v3;
	v51 =	vpop (erf)  }
0x3bd: {  	v52 =	vadd.f32 v44, v43;
	v54 =	vadd.f32 v47, v46;
	v53 =	vpop (erf)  }
0x3be: {  	v55 =	vadd.f32 v50, v49;
	v4 =	vadd.f32 v60, v59;
	v56 =	vpop (erf)  }
0x3bf: {  	v2 =	vadd.f32 v5, v2;
	v57 =	vadd.f32 v63, v61;
	v58 =	vpop (erf)  }
0x3c0: {  	s22 =	sadd.s32 $0x10, s22;
	v9 =	vadd.f32 v38, v36;
	v5 =	vadd.f32 v42, v40;
	v59 =	vpop (erf)  }
0x3c1: {  	v60 =	vld [tilespmem:s22+$0x0];
	v15 =	vadd.f32 v48, v45;
	v11 =	vadd.f32 v53, v51;
	v61 =	vpop (erf)  }
0x3c2: {  	v12 =	vadd.f32 v58, v56;
	v8 =	vadd.f32 v61, v59  }
0x3c3: {  	v4 =	vadd.f32 v57, v4;
	v5 =	vadd.f32 v5, v9  }
0x3c4: {  	v62 =	vadd.f32 v11, v15;
	v8 =	vadd.f32 v8, v12  }
0x3c5: {  	v3 =	vadd.f32 v52, v3;
	v63 =	vadd.f32 v55, v54  }
0x3c6: {  	v4 =	vadd.f32 v5, v4;
	v12 =	vadd.s32 $0xFFFFFF00, v60;
	v13 =	vadd.f32 v8, v62  }
0x3c7: {  	v2 =	vadd.f32 v2, v39;
	v3 =	vadd.f32 v63, v3;
	vm0 =	vgt.s32 v12, $0x0  }
0x3c8: {  	s25 =	sadd.s32 $0x10, s23;
	v15 =	vadd.f32 v37, v10;
	v16 =	vnsel vm0, $0x0, v12;
	v4 =	vadd.f32 v13, v4  }
0x3c9: {  	v17 =	vld [tilespmem:s25+$0x0];
	v5 =	vmin.u32 v16, $0x3F  }
0x3ca: {  	v2 =	vadd.f32 v2, v15;
	v18 =	vshll.u32 v5, $0x7;
	v3 =	vadd.f32 v4, v3  }
0x3cb: {  	v4 =	vadd.s32 s26, v18  }
0x3cc: {  	v2 =	vadd.f32 v3, v2;
	v3 =	vadd.s32 v1, v4;
	_ =	sdelay $0x1  }
0x3cd: {  	v2 =	vadd.f32 v2, v17;
	_ =	sdelay $0x1  }
0x3ce: {  	[tilespmem:s25+$0x0] =	vst v2  }
0x3cf: {  	v2 =	vld.idx.msk [tilespmem:v3+s3+$0x0], $0xffff;
	_ =	sdelay $0x4  }
0x3d0: {  	v2 =	vmul.f32 $1.442695020e+00, v2;
	_ =	sdelay $0x1  }
0x3d1: {  	(erf) = vpow2.f32 v2;
	_ =	sdelay $0x4  }
0x3d2: {  	s28 =	sadd.s32 $0x10, s24  }
0x3d3: {  	v3 =	vand.u32 $0xFFFFFFC0, v60;
	v2 =	vld [tilespmem:s28+$0x0];
	_ =	sdelay $0x2  }
0x3d4: {  	vm13 =	veq.s32 v3, $0x100;
	v3 =	vpop (erf)  }
0x3d5: {  	v3 =	vnsel vm13, $0x0, v3  }
0x3d6: {  	v2 =	vadd.f32 v3, v2;
	_ =	sdelay $0x1  }
0x3d7: {  	[tilespmem:s28+$0x0] =	vst v2  }
0x3d8: {  	[tilespmem:s18], [sflag:$0x3] =	stream.strided.gather [hbm4b:s8+s13], $0x800, s14, s13, $0x38;
	[tilespmem:$0x4E00] =	vst v63  }
0x3d9: {  	s29 =	sadd.s32 $0x8000, s8;
	s30 =	simm.s32 $0x0  }
0x3da: {  	[tilespmem:s19], [sflag:$0x3] =	stream.linear.gather [hbm4b:s29+s30], $0x200, $0x38;
	[tilespmem:$0x4E00] =	vst v63  }
0x3db: {  	_ =	swait.ge [sflag:s12], $0xA00  }
0x3dc: {  	[sflag:s12] =	ssyncset.done $0x0  }
0x3dd: {  	s31 =	simm.s32 $0x4500;
	[sflag:s12] =	ssyncadd.s32 $0xFFFFF600  }
0x3de: {  	v2 =	vld [tilespmem:s31+$0xFFFFFB80]  }
0x3df: {  	v3 =	vld [tilespmem:s31+$0xFFFFFC00]  }
0x3e0: {  	v19 =	vld [tilespmem:s31+$0xFFFFFC80]  }
0x3e1: {  	v20 =	vld [tilespmem:s31+$0xFFFFFD00]  }
0x3e2: {  	v21 =	vld [tilespmem:s31+$0xFFFFFD80]  }
0x3e3: {  	v22 =	vld [tilespmem:s31+$0xFFFFFE00];
	v2 =	vmul.f32 $1.442695020e+00, v2  }
0x3e4: {  	v23 =	vld [tilespmem:s31+$0x280];
	v3 =	vmul.f32 $1.442695020e+00, v3  }
0x3e5: {  	v24 =	vld [tilespmem:s31+$0x200];
	v4 =	vmul.f32 $1.442695020e+00, v19;
	(erf) = vpow2.f32 v2  }
0x3e6: {  	v25 =	vld [tilespmem:s31+$0x180];
	v2 =	vmul.f32 $1.442695020e+00, v20;
	(erf) = vpow2.f32 v3  }
0x3e7: {  	v26 =	vld [tilespmem:s31+$0x100];
	v3 =	vmul.f32 $1.442695020e+00, v21;
	(erf) = vpow2.f32 v4  }
0x3e8: {  	v28 =	vld [tilespmem:s31+$0x80];
	v27 =	vmul.f32 $1.442695020e+00, v22;
	(erf) = vpow2.f32 v2  }
0x3e9: {  	v8 =	vmul.f32 $1.442695020e+00, v23;
	v2 =	vld [tilespmem:s31+$0x0];
	(erf) = vpow2.f32 v3  }
0x3ea: {  	v9 =	vmul.f32 $1.442695020e+00, v24;
	v3 =	vld [tilespmem:s31+$0xFFFFFF80];
	(erf) = vpow2.f32 v27  }
0x3eb: {  	v29 =	vld [tilespmem:s31+$0xFFFFFF00];
	v5 =	vmul.f32 $1.442695020e+00, v25;
	(erf) = vpow2.f32 v8  }
0x3ec: {  	v31 =	vld [tilespmem:s31+$0xFFFFFB00];
	v6 =	vmul.f32 $1.442695020e+00, v26;
	(erf) = vpow2.f32 v9  }
0x3ed: {  	v30 =	vld [tilespmem:s31+$0xFFFFFE80];
	v7 =	vmul.f32 $1.442695020e+00, v28;
	(erf) = vpow2.f32 v5  }
0x3ee: {  	v32 =	vld [tilespmem:s31+$0x480];
	v2 =	vmul.f32 $1.442695020e+00, v2;
	(erf) = vpow2.f32 v6  }
0x3ef: {  	v34 =	vld [tilespmem:s31+$0x400];
	v33 =	vpop (erf);
	v3 =	vmul.f32 $1.442695020e+00, v3;
	(erf) = vpow2.f32 v7  }
0x3f0: {  	v4 =	vmul.f32 $1.442695020e+00, v29;
	v35 =	vpop (erf);
	(erf) = vpow2.f32 v2  }
0x3f1: {  	v36 =	vld [tilespmem:s31+$0x380];
	v37 =	vpop (erf);
	(erf) = vpow2.f32 v3;
	v3 =	vmul.f32 $1.442695020e+00, v31  }
0x3f2: {  	v38 =	vld [tilespmem:s31+$0x300];
	v2 =	vmul.f32 $1.442695020e+00, v30;
	v39 =	vpop (erf)  }
0x3f3: {  	v41 =	vmul.f32 $1.442695020e+00, v32;
	v40 =	vpop (erf);
	(erf) = vpow2.f32 v4  }
0x3f4: {  	v42 =	vpop (erf);
	(erf) = vpow2.f32 v2;
	v2 =	vmul.f32 $1.442695020e+00, v34  }
0x3f5: {  	(erf) = vpow2.f32 v3;
	v3 =	vpop (erf)  }
0x3f6: {  	v43 =	vmul.f32 $1.442695020e+00, v36;
	(erf) = vpow2.f32 v41;
	v44 =	vpop (erf)  }
0x3f7: {  	v45 =	vmul.f32 $1.442695020e+00, v38;
	(erf) = vpow2.f32 v2;
	v46 =	vpop (erf)  }
0x3f8: {  	v2 =	vpop (erf);
	(erf) = vpow2.f32 v43  }
0x3f9: {  	v47 =	vpop (erf);
	(erf) = vpow2.f32 v45  }
0x3fa: {  	v48 =	vpop (erf)  }
0x3fb: {  	s22 =	simm.s32 $0x4C00;
	v49 =	vpop (erf)  }
0x3fc: {  	v50 =	vld [tilespmem:s22+$0x0];
	v11 =	vadd.f32 v37, v35;
	v3 =	vadd.f32 v3, v44;
	v51 =	vpop (erf)  }
0x3fd: {  	v54 =	vadd.f32 v40, v39;
	v2 =	vadd.f32 v46, v2;
	v53 =	vpop (erf)  }
0x3fe: {  	v4 =	vadd.f32 v47, v48;
	v52 =	vadd.f32 v49, v51;
	v55 =	vpop (erf)  }
0x3ff: {  	v5 =	vadd.f32 v53, v42;
	v9 =	vadd.f32 v33, v55;
	v56 =	vpop (erf)  }
0x400: {  	v2 =	vadd.f32 v3, v2;
	v4 =	vadd.f32 v4, v52;
	v3 =	vpop (erf)  }
0x401: {  	v57 =	vadd.s32 $0xFFFFFEC0, v50;
	v5 =	vadd.f32 v5, v54;
	v58 =	vadd.f32 v11, v9;
	v59 =	vpop (erf)  }
0x402: {  	vm14 =	vgt.s32 v57, $0x0;
	v3 =	vadd.f32 v56, v3;
	v2 =	vadd.f32 v2, v4;
	v60 =	vpop (erf)  }
0x403: {  	s23 =	simm.s32 $0x4C80;
	v61 =	vnsel vm14, $0x0, v57;
	v4 =	vadd.f32 v59, v60;
	v5 =	vadd.f32 v5, v58  }
0x404: {  	v62 =	vld [tilespmem:s23+$0x0];
	v6 =	vmin.u32 v61, $0x13  }
0x405: {  	v63 =	vshll.u32 v6, $0x7;
	v3 =	vadd.f32 v3, v4;
	v2 =	vadd.f32 v2, v5  }
0x406: {  	v4 =	vadd.s32 s30, v63  }
0x407: {  	v2 =	vadd.f32 v3, v2;
	v3 =	vadd.s32 v1, v4;
	_ =	sdelay $0x1  }
0x408: {  	v2 =	vadd.f32 v2, v62;
	_ =	sdelay $0x1  }
0x409: {  	[tilespmem:s23+$0x0] =	vst v2  }
0x40a: {  	v2 =	vld.idx.msk [tilespmem:v3+s18+$0x0], $0xffff;
	_ =	sdelay $0x4  }
0x40b: {  	v2 =	vmul.f32 $1.442695020e+00, v2;
	_ =	sdelay $0x1  }
0x40c: {  	(erf) = vpow2.f32 v2;
	_ =	sdelay $0x4  }
0x40d: {  	s24 =	simm.s32 $0x4D00  }
0x40e: {  	v2 =	vld [tilespmem:s24+$0x0];
	_ =	sdelay $0x2  }
0x40f: {  	vm15 =	vlt.u32 v57, $0x14;
	v3 =	vpop (erf)  }
0x410: {  	v3 =	vnsel vm15, $0x0, v3  }
0x411: {  	v2 =	vadd.f32 v3, v2  }
0x412: {  	s26 =	simm.s32 $0x4510;
	s25 =	simm.s32 $0x10  }
.LBB2_10:
0x413: {  	[tilespmem:s24+$0x0] =	vst v2;
	s24 =	sadd.s32 $0x10, s24;
	s23 =	sadd.s32 $0x10, s23;
	s22 =	sadd.s32 $0x10, s22  }
0x414: {  	p0 =	sne.s32 s25, $0x70;
	s28 =	smov.u32 s25;
	s25 =	sadd.s32 $0x10, s25;
	v2 =	vld [tilespmem:s26+$0xFFFFFB80]  }
0x415: {  	v3 =	vld [tilespmem:s26+$0xFFFFFC00]  }
0x416: {  	v4 =	vld [tilespmem:s26+$0xFFFFFC80]  }
0x417: {  	v5 =	vld [tilespmem:s26+$0xFFFFFD00]  }
0x418: {  	v6 =	vld [tilespmem:s26+$0xFFFFFD80]  }
0x419: {  	v2 =	vmul.f32 $1.442695020e+00, v2;
	v7 =	vld [tilespmem:s26+$0xFFFFFE00]  }
0x41a: {  	v3 =	vmul.f32 $1.442695020e+00, v3;
	v8 =	vld [tilespmem:s26+$0x280]  }
0x41b: {  	v4 =	vmul.f32 $1.442695020e+00, v4;
	v9 =	vld [tilespmem:s26+$0x200];
	(erf) = vpow2.f32 v2  }
0x41c: {  	v2 =	vmul.f32 $1.442695020e+00, v5;
	v5 =	vld [tilespmem:s26+$0x180];
	(erf) = vpow2.f32 v3  }
0x41d: {  	v3 =	vmul.f32 $1.442695020e+00, v6;
	v6 =	vld [tilespmem:s26+$0x100];
	(erf) = vpow2.f32 v4  }
0x41e: {  	v4 =	vmul.f32 $1.442695020e+00, v7;
	v7 =	vld [tilespmem:s26+$0x80];
	(erf) = vpow2.f32 v2  }
0x41f: {  	v2 =	vld [tilespmem:s26+$0x0];
	v8 =	vmul.f32 $1.442695020e+00, v8;
	(erf) = vpow2.f32 v3  }
0x420: {  	v3 =	vld [tilespmem:s26+$0xFFFFFF80];
	v9 =	vmul.f32 $1.442695020e+00, v9;
	(erf) = vpow2.f32 v4  }
0x421: {  	v4 =	vld [tilespmem:s26+$0xFFFFFF00];
	v5 =	vmul.f32 $1.442695020e+00, v5;
	(erf) = vpow2.f32 v8  }
0x422: {  	v8 =	vld [tilespmem:s26+$0xFFFFFE80];
	v6 =	vmul.f32 $1.442695020e+00, v6;
	(erf) = vpow2.f32 v9  }
0x423: {  	v9 =	vld [tilespmem:s26+$0xFFFFFB00];
	v7 =	vmul.f32 $1.442695020e+00, v7;
	(erf) = vpow2.f32 v5  }
0x424: {  	v2 =	vmul.f32 $1.442695020e+00, v2;
	v5 =	vld [tilespmem:s26+$0x480];
	v10 =	vpop (erf);
	(erf) = vpow2.f32 v6  }
0x425: {  	v3 =	vmul.f32 $1.442695020e+00, v3;
	v6 =	vld [tilespmem:s26+$0x400];
	v11 =	vpop (erf);
	(erf) = vpow2.f32 v7  }
0x426: {  	v4 =	vmul.f32 $1.442695020e+00, v4;
	v7 =	vld [tilespmem:s26+$0x380];
	v12 =	vpop (erf);
	(erf) = vpow2.f32 v2  }
0x427: {  	v2 =	vmul.f32 $1.442695020e+00, v8;
	v8 =	vld [tilespmem:s26+$0x300];
	v11 =	vadd.f32 v12, v11;
	v12 =	vpop (erf);
	(erf) = vpow2.f32 v3  }
0x428: {  	v13 =	vmul.f32 $1.442695020e+00, v9;
	v9 =	vpop (erf);
	(erf) = vpow2.f32 v4  }
0x429: {  	v4 =	vmul.f32 $1.442695020e+00, v5;
	v5 =	vpop (erf);
	(erf) = vpow2.f32 v2  }
0x42a: {  	v14 =	vmul.f32 $1.442695020e+00, v6;
	(erf) = vpow2.f32 v13;
	v3 =	vpop (erf)  }
0x42b: {  	v13 =	vmul.f32 $1.442695020e+00, v7;
	v7 =	vpop (erf);
	(erf) = vpow2.f32 v4  }
0x42c: {  	v15 =	vmul.f32 $1.442695020e+00, v8;
	v8 =	vpop (erf);
	(erf) = vpow2.f32 v14  }
0x42d: {  	v2 =	vpop (erf);
	(erf) = vpow2.f32 v13  }
0x42e: {  	v2 =	vadd.f32 v8, v2;
	v6 =	vpop (erf);
	(erf) = vpow2.f32 v15  }
0x42f: {  	v4 =	vpop (erf)  }
0x430: {  	v8 =	vpop (erf)  }
0x431: {  	v3 =	vadd.f32 v3, v7;
	v13 =	vld [tilespmem:s22+$0x0];
	v7 =	vpop (erf)  }
0x432: {  	v4 =	vadd.f32 v6, v4;
	v14 =	vadd.f32 v8, v7;
	v6 =	vpop (erf)  }
0x433: {  	v12 =	vadd.f32 v9, v12;
	v5 =	vadd.f32 v6, v5;
	v6 =	vpop (erf)  }
0x434: {  	v6 =	vadd.f32 v10, v6;
	v10 =	vadd.f32 v4, v14;
	v7 =	vpop (erf)  }
0x435: {  	v2 =	vadd.f32 v3, v2;
	v3 =	vpop (erf)  }
0x436: {  	v5 =	vadd.f32 v5, v12;
	v9 =	vadd.s32 $0xFFFFFEC0, v13;
	v6 =	vadd.f32 v11, v6;
	v8 =	vpop (erf)  }
0x437: {  	v3 =	vadd.f32 v7, v3;
	v2 =	vadd.f32 v2, v10;
	vm0 =	vgt.s32 v9, $0x0;
	v4 =	vpop (erf)  }
0x438: {  	v4 =	vadd.f32 v8, v4;
	v5 =	vadd.f32 v5, v6;
	v6 =	vnsel vm0, $0x0, v9  }
0x439: {  	v7 =	vld [tilespmem:s23+$0x0];
	v6 =	vmin.u32 v6, $0x13  }
0x43a: {  	v3 =	vadd.f32 v3, v4;
	v2 =	vadd.f32 v2, v5;
	v4 =	vshll.u32 v6, $0x7  }
0x43b: {  	v4 =	vadd.s32 s28, v4  }
0x43c: {  	v2 =	vadd.f32 v3, v2;
	v3 =	vadd.s32 v1, v4;
	_ =	sdelay $0x1  }
0x43d: {  	v2 =	vadd.f32 v2, v7;
	_ =	sdelay $0x1  }
0x43e: {  	[tilespmem:s23+$0x0] =	vst v2  }
0x43f: {  	v2 =	vld.idx.msk [tilespmem:v3+s18+$0x0], $0xffff;
	_ =	sdelay $0x5  }
0x440: {  	v2 =	vmul.f32 $1.442695020e+00, v2;
	_ =	sdelay $0x1  }
0x441: {  	(erf) = vpow2.f32 v2;
	_ =	sdelay $0x5  }
0x442: {  	v2 =	vld [tilespmem:s24+$0x0];
	_ =	sdelay $0x1  }
.Ltmp4:
0x443: {  	(pc) =	sbr.rel @p0 .LBB2_10-.Ltmp4, $4  }
0x444: {  	vm0 =	vlt.u32 v9, $0x14;
	v3 =	vpop (erf)  }
0x445: {  	v3 =	vnsel vm0, $0x0, v3  }
0x446: {  	v2 =	vadd.f32 v3, v2  }
0x447: {  	s26 =	sadd.s32 $0x10, s26  }
0x448: {  	[tilespmem:s24+$0x0] =	vst v2  }
0x449: {  	v2 =	vld [tilespmem:$0x4D00]  }
0x44a: {  	v3 =	vld [tilespmem:$0x4D10];
	_ =	sdelay $0x3  }
0x44b: {  	(erf) = vrcp.f32 v2  }
0x44c: {  	v4 =	vld [tilespmem:$0x4D20];
	(erf) = vrcp.f32 v3  }
0x44d: {  	v5 =	vld [tilespmem:$0x4D30]  }
0x44e: {  	v6 =	vld [tilespmem:$0x4C80]  }
0x44f: {  	v8 =	vld [tilespmem:$0x4C90]  }
0x450: {  	v7 =	vld [tilespmem:$0x4D40]  }
0x451: {  	(erf) = vrcp.f32 v4  }
0x452: {  	v9 =	vld [tilespmem:$0x4D50]  }
0x453: {  	v10 =	vld [tilespmem:$0x4CA0];
	(erf) = vrcp.f32 v5  }
0x454: {  	v47 =	vld [tilespmem:$0x4D60];
	v2 =	vsub.f32 v6, v2;
	v3 =	vsub.f32 v8, v3;
	v11 =	vpop (erf)  }
0x455: {  	v12 =	vld [tilespmem:$0x4CB0];
	(erf) = vrcp.f32 v7;
	v49 =	vpop (erf)  }
0x456: {  	v48 =	vld [tilespmem:$0x4D70];
	v2 =	vmul.f32 v11, v2;
	v3 =	vmul.f32 v49, v3  }
0x457: {  	(erf) = vrcp.f32 v9  }
0x458: {  	v50 =	vld [tilespmem:$0x4CC0];
	v2 =	vadd.f32 $0.0e+00, v2  }
0x459: {  	v4 =	vsub.f32 v10, v4;
	(erf) = vrcp.f32 v47  }
0x45a: {  	v51 =	vld [tilespmem:$0x4CD0];
	v2 =	vadd.f32 v3, v2;
	v3 =	vpop (erf)  }
0x45b: {  	v52 =	vsub.f32 v12, v5;
	(erf) = vrcp.f32 v48;
	v3 =	vmul.f32 v3, v4  }
0x45c: {  	v54 =	vld [tilespmem:$0x4CE0];
	v53 =	vpop (erf)  }
0x45d: {  	v55 =	vsub.f32 v50, v7;
	v2 =	vadd.f32 v3, v2;
	v3 =	vmul.f32 v53, v52  }
0x45e: {  	v57 =	vld [tilespmem:$0x4CF0];
	v56 =	vpop (erf)  }
0x45f: {  	v58 =	vsub.f32 v51, v9;
	v2 =	vadd.f32 v3, v2;
	v3 =	vmul.f32 v56, v55  }
0x460: {  	v59 =	vpop (erf)  }
0x461: {  	v60 =	vsub.f32 v54, v47;
	v2 =	vadd.f32 v3, v2;
	v3 =	vmul.f32 v59, v58  }
0x462: {  	v61 =	vpop (erf)  }
0x463: {  	v62 =	vsub.f32 v57, v48;
	v2 =	vadd.f32 v3, v2;
	v3 =	vmul.f32 v61, v60  }
0x464: {  	v63 =	vpop (erf)  }
0x465: {  	v2 =	vadd.f32 v3, v2;
	v3 =	vmul.f32 v63, v62;
	_ =	sdelay $0x1  }
0x466: {  	s21 =	sadd.s32 $0x1, s21;
	v2 =	vadd.f32 v3, v2  }
0x467: {  	p0 =	sne.s32 s21, s10  }
.Ltmp5:
0x468: {  	[tilespmem:$0x4D80] =	vst v2;
	(pc) =	sbr.rel @p0 .LBB2_1-.Ltmp5, $4  }
0x469: {  	[hbm4b:s9+s3] =	stream.linear.scatter [tilespmem:s20], [sflag:$0x3], $0x80, $0x38;
	[tilespmem:$0x4E00] =	vst v63  }
0x46a: {  	_ =	swait.ge [sflag:s12], $0x80  }
0x46b: {  	[sflag:s12] =	ssyncset.done $0x0  }
0x46c: {  	[sflag:s12] =	ssyncadd.s32 $0xFFFFFF80  }
0x46d: {  	_ =	sfence.sel $0x180000  }
0x46e: {  	[bflag:$0x0] =	sbarrier.arrive $0xFFFF  }
0x46f: {  	p0 =	sne.s32 s2, $0x0;
	_ =	strace $0x90000047  }
0x470: {  	s0 =	sadd.s32 @!p0 $0x100000, s0;
	[bflag:$0x2] =	sbarrier.arrive $0xFFFF  }
0x471: {  	[sflag:s0] =	ssyncadd.tile.s32 @!p0 $0x1;
	_ =	shalt  }
.Lfunc_end2:
_tile_overlayer_lowered:
.L_overlay_start_2:
0x472: {  	(tag) =	ssettag $0x2  }
0x473: {  	s0 =	rddreg [dreg:$0x0];
	s2 =	stileid.u32  }
0x474: {  	s1 =	rddreg [dreg:$0x1];
	p0 =	sne.s32 s2, $0x0  }
0x475: {  	s3 =	rddreg [dreg:$0x2];
	[bflag:$0x3] =	sbarrier.arrive $0xFFFF;
	s2 =	simm.s32 @!p0 $0x1C03  }
0x476: {  	[timem:s3], [sflag:s2] =	dma.local @!p0 [hbm:s0], s1  }
0x477: {  	s0 =	simm.s32 @!p0 $0x3  }
0x478: {  	_ =	swait.ge @!p0 [sflag:s0], s1  }
0x479: {  	s1 =	ssub.s32 @!p0 $0x0, s1;
	[sflag:s0] =	ssyncset.done @!p0 $0x0  }
0x47a: {  	[sflag:s0] =	ssyncadd.s32 @!p0 s1  }
0x47b: {  	[bflag:$0x3] =	sbarrier.arrive $0xFFFF  }
0x47c: {  	_ =	shalt  }

</sc_bundles>
